<compile_context>
chip_gen: v7x
topology: tpu7x:2x2x1
jax: 0.10.2.dev20260603
libtpu: 0.0.44.dev20260713+nightly
codegen_flags: <defaults>
</compile_context>

<pallas_src>
import jax
import jax.numpy as jnp
from jax import lax
from jax.experimental import pallas as pl
from jax.experimental.pallas import tpu as pltpu
from jax.experimental.pallas import tpu_sc as plsc

NSTEP = 20
NFIELD = 26
NEMB = 64
P = NSTEP * NFIELD
BSZ = 1024
LANES = 16
HALF = P // 2
NSPH = NSTEP // 2
GCHUNKS = ((0, 64), (64, 64), (128, 64), (192, 64), (256, 4))

NC = 2
NS = 16
NW = NC * NS
B_PER_W = BSZ // NW
NUNIT = 2 * B_PER_W
NSLOT = 4


def _body(xt_hbm, feat_hbm, glob_hbm, out_hbm, glob_v, rows_v, nat_v, idx2_v,
          gsem, wsem):
    wid = lax.axis_index("s") * NC + lax.axis_index("c")
    b0 = wid * B_PER_W

    pltpu.sync_copy(glob_hbm, glob_v)

    lanes = lax.broadcasted_iota(jnp.int32, (LANES,), 0)
    for h in range(2):
        pltpu.sync_copy(
            xt_hbm.at[:, pl.ds(h * NSPH, NSPH), pl.ds(b0, B_PER_W)], nat_v
        )

        def repack_f(f, c2, _h=h):
            for sp in range(NSPH):
                for b16 in range(B_PER_W // LANES):
                    v = nat_v[f, sp, pl.ds(b16 * LANES, LANES)]
                    row = 2 * (lanes + b16 * LANES) + _h
                    col = jnp.full((LANES,), sp * NFIELD, jnp.int32) + f
                    plsc.store_scatter(idx2_v, [row, col], v)
            return c2

        lax.fori_loop(0, NFIELD, repack_f, 0)

    def fire_gathers(slot, u):
        for off, ln in GCHUNKS:
            pltpu.async_copy(
                feat_hbm.at[idx2_v.at[u, pl.ds(off, ln)]],
                rows_v.at[slot, pl.ds(off, ln)],
                gsem.at[slot],
            )

    def wait_gathers(slot, u):
        for off, ln in GCHUNKS:
            pltpu.make_async_copy(
                feat_hbm.at[idx2_v.at[u, pl.ds(off, ln)]],
                rows_v.at[slot, pl.ds(off, ln)],
                gsem.at[slot],
            ).wait()

    def wait_write(slot, u_batch, k):
        pltpu.make_async_copy(
            rows_v.at[slot],
            out_hbm.at[u_batch, pl.ds((k % 2) * HALF, HALF)],
            wsem.at[slot],
        ).wait()

    fire_gathers(0, 0)
    fire_gathers(1, 1)

    def per_group(j, carry):
        b = b0 + 2 * j

        for k in range(NSLOT):
            u_batch = b + k // 2
            half = k % 2
            wait_gathers(k, 4 * j + k)

            base = half * HALF

            def add_row(p, c2, _k=k, _base=base):
                for s in range(NEMB // LANES):
                    sl = pl.ds(s * LANES, LANES)
                    rows_v[_k, p, sl] = rows_v[_k, p, sl] + glob_v[_base + p, sl]
                return c2

            lax.fori_loop(0, HALF, add_row, 0)

            pltpu.async_copy(
                rows_v.at[k],
                out_hbm.at[u_batch, pl.ds(base, HALF)],
                wsem.at[k],
            )

            ks = (k + 2) % NSLOT
            if k < 2:

                @pl.when(j >= 1)
                def _(_ks=ks, _k=k):
                    wait_write(_ks, b - 1, _k)

                fire_gathers(ks, 4 * j + k + 2)
            else:
                wait_write(ks, b, k)

                @pl.when(j < B_PER_W // 2 - 1)
                def _(_ks=ks, _k=k, _j=j):
                    fire_gathers(_ks, 4 * _j + _k + 2)
        return carry

    lax.fori_loop(0, B_PER_W // 2, per_group, 0)

    blast = b0 + B_PER_W - 1
    wait_write(2, blast, 2)
    wait_write(3, blast, 3)


@jax.jit
def kernel(x, feat_table, global_table):
    xt = jnp.transpose(x, (2, 1, 0))
    mesh = plsc.VectorSubcoreMesh(core_axis_name="c", subcore_axis_name="s")
    run = pl.kernel(
        _body,
        out_type=jax.ShapeDtypeStruct((BSZ, P, NEMB), jnp.float32),
        mesh=mesh,
        compiler_params=pltpu.CompilerParams(
            use_tc_tiling_on_sc=False, needs_layout_passes=False
        ),
        scratch_types=[
            pltpu.VMEM((P, NEMB), jnp.float32),
            pltpu.VMEM((NSLOT, HALF, NEMB), jnp.float32),
            pltpu.VMEM((NFIELD, NSPH, B_PER_W), jnp.int32),
            pltpu.VMEM((NUNIT, HALF), jnp.int32),
            pltpu.SemaphoreType.DMA((NSLOT,)),
            pltpu.SemaphoreType.DMA((NSLOT,)),
        ],
    )
    return run(xt, feat_table, global_table)

# --- scband reference (transcript-rebuilt; emitter-appended) ---
"""Pipeline reference for scband-tabular-seq-encoder-33509334843695 (READ-ONLY COPY).

The authoritative reference and input builder live on the scoring server;
editing this copy changes nothing except your own understanding.
"""

import jax, jax.numpy as jnp
import numpy as np

NSTEP = 20
NFIELD = 26
NFEAT = 1000000
NEMB = 64
TOTAL_FIELDS = NSTEP * NFIELD
BSZ = 1024


def setup_inputs(seed: int = 0) -> dict:
    key = jax.random.key(seed)
    k1, k2, k3 = jax.random.split(key, 3)
    x = jax.random.randint(k1, (BSZ, NSTEP, NFIELD), 0, NFEAT, dtype=jnp.int64 if jax.config.jax_enable_x64 else jnp.int32)
    x = x.astype(jnp.int32)
    feat_table = jax.random.normal(k2, (NFEAT, NEMB), dtype=jnp.float32) * 0.01
    global_table = jax.random.normal(k3, (TOTAL_FIELDS, NEMB), dtype=jnp.float32) * 0.01
    return {"x": x, "feat_table": feat_table, "global_table": global_table}


def reference(x, feat_table, global_table):
    # feat_embedding(x): [B, nstep, nfield, nemb] -> flatten step/field axes
    bsz = x.shape[0]
    feat_emb = jnp.take(feat_table, x.reshape(bsz, -1), axis=0)  # [B, nstep*nfield, nemb]
    # global_embedding over all (step, field) positions, broadcast across batch
    pos_idx = jnp.arange(TOTAL_FIELDS, dtype=jnp.int32)
    global_emb = jnp.take(global_table, pos_idx, axis=0)  # [nstep*nfield, nemb]
    out = feat_emb + global_emb[None, :, :]  # [B, nhid=nstep*nfield, nemb]
    return out

if __name__ == "__main__":
    import jax
    _d = setup_inputs()
    print(jax.jit(kernel)(*tuple(_d.values())))

</pallas_src>

<mosaic_0001>
#map = affine_map<(d0, d1) -> (0, 0, 0)>
#map1 = affine_map<(d0, d1) -> (0, 0)>
module attributes {stable_mosaic.version = 14 : i64} {
  func.func @_body(%arg0: i32, %arg1: i32, %arg2: memref<26x20x1024xi32, #tpu.memory_space<hbm>>, %arg3: memref<1000000x64xf32, #tpu.memory_space<hbm>>, %arg4: memref<520x64xf32, #tpu.memory_space<hbm>>, %arg5: memref<1024x520x64xf32, #tpu.memory_space<hbm>>, %arg6: memref<520x64xf32, #tpu.memory_space<vmem>>, %arg7: memref<4x260x64xf32, #tpu.memory_space<vmem>>, %arg8: memref<26x10x32xi32, #tpu.memory_space<vmem>>, %arg9: memref<64x260xi32, #tpu.memory_space<vmem>>, %arg10: memref<4x!tpu.dma_semaphore, #tpu.memory_space<semaphore_mem>>, %arg11: memref<4x!tpu.dma_semaphore, #tpu.memory_space<semaphore_mem>>) attributes {dimension_semantics = [#tpu.dimension_semantics<core_parallel>, #tpu.dimension_semantics<subcore_parallel>], iteration_bounds = array<i64: 2, 16>, scalar_prefetch = 0 : i64, scratch_operands = 6 : i64, tpu.core_type = #tpu.core_type<sc_vector_subcore>, window_params = [{transform_indices = #map}, {transform_indices = #map1}, {transform_indices = #map1}, {transform_indices = #map}]} {
    %mul3A = arith.constant 2 : i32
    %mul3A_0 = arith.muli %arg1, %mul3A : i32
    %add3A = arith.addi %mul3A_0, %arg0 : i32
    %mul3A_1 = arith.constant 32 : i32
    %mul3A_2 = arith.muli %add3A, %mul3A_1 : i32
    "tpu.region"() ({
      %run_scoped3A = tpu.sem_alloc : memref<!tpu.dma_semaphore, #tpu.memory_space<semaphore_mem>>
      tpu.enqueue_dma source(%arg4 : memref<520x64xf32, #tpu.memory_space<hbm>>) target(%arg6 : memref<520x64xf32, #tpu.memory_space<vmem>>) target_semaphore(%run_scoped3A : memref<!tpu.dma_semaphore, #tpu.memory_space<semaphore_mem>>)
      tpu.wait_dma2 semaphore(%run_scoped3A : memref<!tpu.dma_semaphore, #tpu.memory_space<semaphore_mem>>) src(%arg4 : memref<520x64xf32, #tpu.memory_space<hbm>>) dst(%arg6 : memref<520x64xf32, #tpu.memory_space<vmem>>)
      tpu.yield
    }) : () -> ()
    %iota3A = tpu.iota {dimensions = array<i32: 0>} : vector<16xi32>
    "tpu.region"() ({
      %run_scoped3A = tpu.sem_alloc : memref<!tpu.dma_semaphore, #tpu.memory_space<semaphore_mem>>
      %dma_start3A_211 = arith.constant 0 : i32
      %dma_start3A_212 = arith.constant 0 : i32
      %dma_start3A_213 = tpu.memref_slice %arg2[%dma_start3A_211, %dma_start3A_212, %mul3A_2] : memref<26x20x1024xi32, #tpu.memory_space<hbm>> -> memref<26x10x32xi32, #tpu.memory_space<hbm>>
      %dma_start3A_214 = arith.constant 0 : i32
      %dma_start3A_215 = arith.constant 0 : i32
      %dma_start3A_216 = tpu.memref_slice %arg2[%dma_start3A_214, %dma_start3A_215, %mul3A_2] : memref<26x20x1024xi32, #tpu.memory_space<hbm>> -> memref<26x10x32xi32, #tpu.memory_space<hbm>>
      tpu.enqueue_dma source(%dma_start3A_216 : memref<26x10x32xi32, #tpu.memory_space<hbm>>) target(%arg8 : memref<26x10x32xi32, #tpu.memory_space<vmem>>) target_semaphore(%run_scoped3A : memref<!tpu.dma_semaphore, #tpu.memory_space<semaphore_mem>>)
      %dma_wait3A_217 = arith.constant 0 : i32
      %dma_wait3A_218 = arith.constant 0 : i32
      %dma_wait3A_219 = tpu.memref_slice %arg2[%dma_wait3A_217, %dma_wait3A_218, %mul3A_2] : memref<26x20x1024xi32, #tpu.memory_space<hbm>> -> memref<26x10x32xi32, #tpu.memory_space<hbm>>
      %dma_wait3A_220 = arith.constant 0 : i32
      %dma_wait3A_221 = arith.constant 0 : i32
      %dma_wait3A_222 = tpu.memref_slice %arg2[%dma_wait3A_220, %dma_wait3A_221, %mul3A_2] : memref<26x20x1024xi32, #tpu.memory_space<hbm>> -> memref<26x10x32xi32, #tpu.memory_space<hbm>>
      tpu.wait_dma2 semaphore(%run_scoped3A : memref<!tpu.dma_semaphore, #tpu.memory_space<semaphore_mem>>) src(%dma_wait3A_222 : memref<26x10x32xi32, #tpu.memory_space<hbm>>) dst(%arg8 : memref<26x10x32xi32, #tpu.memory_space<vmem>>)
      tpu.yield
    }) : () -> ()
    %scan3A = arith.constant 0 : i32
    %scan3A_3 = arith.constant 0 : i32
    %scan3A_4 = arith.constant 26 : i32
    %scan3A_5 = arith.addi %scan3A_3, %scan3A_4 : i32
    %scan3A_6 = arith.constant 1 : i32
    scf.for %scan3A_211 = %scan3A_3 to %scan3A_5 step %scan3A_6  : i32 {
      %get3A = arith.constant 0 : i32
      %get3A_212 = arith.index_cast %scan3A_211 : i32 to index
      %get3A_213 = arith.index_cast %get3A : i32 to index
      %get3A_214 = arith.constant 0 : index
      %get3A_215 = tpu.vector_load %arg8[%get3A_212, %get3A_213, %get3A_214] {strides = array<i32>} : memref<26x10x32xi32, #tpu.memory_space<vmem>>, vector<16xi32>,
      %add3A_216 = arith.constant 0 : i32
      %add3A_217 = vector.broadcast %add3A_216 : i32 to vector<16xi32>
      %add3A_218 = arith.addi %iota3A, %add3A_217 : vector<16xi32>
      %mul3A_219 = arith.constant 2 : i32
      %mul3A_220 = vector.broadcast %mul3A_219 : i32 to vector<16xi32>
      %mul3A_221 = arith.muli %mul3A_220, %add3A_218 : vector<16xi32>
      %add3A_222 = arith.constant 0 : i32
      %add3A_223 = vector.broadcast %add3A_222 : i32 to vector<16xi32>
      %add3A_224 = arith.addi %mul3A_221, %add3A_223 : vector<16xi32>
      %broadcast_in_dim3A = arith.constant 0 : i32
      %broadcast_in_dim3A_225 = vector.broadcast %broadcast_in_dim3A : i32 to vector<16xi32>
      %add3A_226 = vector.broadcast %scan3A_211 : i32 to vector<16xi32>
      %add3A_227 = arith.addi %broadcast_in_dim3A_225, %add3A_226 : vector<16xi32>
      tpu.vector_store_idx %arg9[%add3A_224, %add3A_227], %get3A_215 : memref<64x260xi32, #tpu.memory_space<vmem>>[vector<16xi32>, vector<16xi32>], vector<16xi32>,
      %get3A_228 = arith.constant 0 : i32
      %get3A_229 = arith.index_cast %scan3A_211 : i32 to index
      %get3A_230 = arith.index_cast %get3A_228 : i32 to index
      %get3A_231 = arith.constant 16 : index
      %get3A_232 = tpu.vector_load %arg8[%get3A_229, %get3A_230, %get3A_231] {strides = array<i32>} : memref<26x10x32xi32, #tpu.memory_space<vmem>>, vector<16xi32>,
      %add3A_233 = arith.constant 16 : i32
      %add3A_234 = vector.broadcast %add3A_233 : i32 to vector<16xi32>
      %add3A_235 = arith.addi %iota3A, %add3A_234 : vector<16xi32>
      %mul3A_236 = arith.constant 2 : i32
      %mul3A_237 = vector.broadcast %mul3A_236 : i32 to vector<16xi32>
      %mul3A_238 = arith.muli %mul3A_237, %add3A_235 : vector<16xi32>
      %add3A_239 = arith.constant 0 : i32
      %add3A_240 = vector.broadcast %add3A_239 : i32 to vector<16xi32>
      %add3A_241 = arith.addi %mul3A_238, %add3A_240 : vector<16xi32>
      %broadcast_in_dim3A_242 = arith.constant 0 : i32
      %broadcast_in_dim3A_243 = vector.broadcast %broadcast_in_dim3A_242 : i32 to vector<16xi32>
      %add3A_244 = vector.broadcast %scan3A_211 : i32 to vector<16xi32>
      %add3A_245 = arith.addi %broadcast_in_dim3A_243, %add3A_244 : vector<16xi32>
      tpu.vector_store_idx %arg9[%add3A_241, %add3A_245], %get3A_232 : memref<64x260xi32, #tpu.memory_space<vmem>>[vector<16xi32>, vector<16xi32>], vector<16xi32>,
      %get3A_246 = arith.constant 1 : i32
      %get3A_247 = arith.index_cast %scan3A_211 : i32 to index
      %get3A_248 = arith.index_cast %get3A_246 : i32 to index
      %get3A_249 = arith.constant 0 : index
      %get3A_250 = tpu.vector_load %arg8[%get3A_247, %get3A_248, %get3A_249] {strides = array<i32>} : memref<26x10x32xi32, #tpu.memory_space<vmem>>, vector<16xi32>,
      %add3A_251 = arith.constant 0 : i32
      %add3A_252 = vector.broadcast %add3A_251 : i32 to vector<16xi32>
      %add3A_253 = arith.addi %iota3A, %add3A_252 : vector<16xi32>
      %mul3A_254 = arith.constant 2 : i32
      %mul3A_255 = vector.broadcast %mul3A_254 : i32 to vector<16xi32>
      %mul3A_256 = arith.muli %mul3A_255, %add3A_253 : vector<16xi32>
      %add3A_257 = arith.constant 0 : i32
      %add3A_258 = vector.broadcast %add3A_257 : i32 to vector<16xi32>
      %add3A_259 = arith.addi %mul3A_256, %add3A_258 : vector<16xi32>
      %broadcast_in_dim3A_260 = arith.constant 26 : i32
      %broadcast_in_dim3A_261 = vector.broadcast %broadcast_in_dim3A_260 : i32 to vector<16xi32>
      %add3A_262 = vector.broadcast %scan3A_211 : i32 to vector<16xi32>
      %add3A_263 = arith.addi %broadcast_in_dim3A_261, %add3A_262 : vector<16xi32>
      tpu.vector_store_idx %arg9[%add3A_259, %add3A_263], %get3A_250 : memref<64x260xi32, #tpu.memory_space<vmem>>[vector<16xi32>, vector<16xi32>], vector<16xi32>,
      %get3A_264 = arith.constant 1 : i32
      %get3A_265 = arith.index_cast %scan3A_211 : i32 to index
      %get3A_266 = arith.index_cast %get3A_264 : i32 to index
      %get3A_267 = arith.constant 16 : index
      %get3A_268 = tpu.vector_load %arg8[%get3A_265, %get3A_266, %get3A_267] {strides = array<i32>} : memref<26x10x32xi32, #tpu.memory_space<vmem>>, vector<16xi32>,
      %add3A_269 = arith.constant 16 : i32
      %add3A_270 = vector.broadcast %add3A_269 : i32 to vector<16xi32>
      %add3A_271 = arith.addi %iota3A, %add3A_270 : vector<16xi32>
      %mul3A_272 = arith.constant 2 : i32
      %mul3A_273 = vector.broadcast %mul3A_272 : i32 to vector<16xi32>
      %mul3A_274 = arith.muli %mul3A_273, %add3A_271 : vector<16xi32>
      %add3A_275 = arith.constant 0 : i32
      %add3A_276 = vector.broadcast %add3A_275 : i32 to vector<16xi32>
      %add3A_277 = arith.addi %mul3A_274, %add3A_276 : vector<16xi32>
      %broadcast_in_dim3A_278 = arith.constant 26 : i32
      %broadcast_in_dim3A_279 = vector.broadcast %broadcast_in_dim3A_278 : i32 to vector<16xi32>
      %add3A_280 = vector.broadcast %scan3A_211 : i32 to vector<16xi32>
      %add3A_281 = arith.addi %broadcast_in_dim3A_279, %add3A_280 : vector<16xi32>
      tpu.vector_store_idx %arg9[%add3A_277, %add3A_281], %get3A_268 : memref<64x260xi32, #tpu.memory_space<vmem>>[vector<16xi32>, vector<16xi32>], vector<16xi32>,
      %get3A_282 = arith.constant 2 : i32
      %get3A_283 = arith.index_cast %scan3A_211 : i32 to index
      %get3A_284 = arith.index_cast %get3A_282 : i32 to index
      %get3A_285 = arith.constant 0 : index
      %get3A_286 = tpu.vector_load %arg8[%get3A_283, %get3A_284, %get3A_285] {strides = array<i32>} : memref<26x10x32xi32, #tpu.memory_space<vmem>>, vector<16xi32>,
      %add3A_287 = arith.constant 0 : i32
      %add3A_288 = vector.broadcast %add3A_287 : i32 to vector<16xi32>
      %add3A_289 = arith.addi %iota3A, %add3A_288 : vector<16xi32>
      %mul3A_290 = arith.constant 2 : i32
      %mul3A_291 = vector.broadcast %mul3A_290 : i32 to vector<16xi32>
      %mul3A_292 = arith.muli %mul3A_291, %add3A_289 : vector<16xi32>
      %add3A_293 = arith.constant 0 : i32
      %add3A_294 = vector.broadcast %add3A_293 : i32 to vector<16xi32>
      %add3A_295 = arith.addi %mul3A_292, %add3A_294 : vector<16xi32>
      %broadcast_in_dim3A_296 = arith.constant 52 : i32
      %broadcast_in_dim3A_297 = vector.broadcast %broadcast_in_dim3A_296 : i32 to vector<16xi32>
      %add3A_298 = vector.broadcast %scan3A_211 : i32 to vector<16xi32>
      %add3A_299 = arith.addi %broadcast_in_dim3A_297, %add3A_298 : vector<16xi32>
      tpu.vector_store_idx %arg9[%add3A_295, %add3A_299], %get3A_286 : memref<64x260xi32, #tpu.memory_space<vmem>>[vector<16xi32>, vector<16xi32>], vector<16xi32>,
      %get3A_300 = arith.constant 2 : i32
      %get3A_301 = arith.index_cast %scan3A_211 : i32 to index
      %get3A_302 = arith.index_cast %get3A_300 : i32 to index
      %get3A_303 = arith.constant 16 : index
      %get3A_304 = tpu.vector_load %arg8[%get3A_301, %get3A_302, %get3A_303] {strides = array<i32>} : memref<26x10x32xi32, #tpu.memory_space<vmem>>, vector<16xi32>,
      %add3A_305 = arith.constant 16 : i32
      %add3A_306 = vector.broadcast %add3A_305 : i32 to vector<16xi32>
      %add3A_307 = arith.addi %iota3A, %add3A_306 : vector<16xi32>
      %mul3A_308 = arith.constant 2 : i32
      %mul3A_309 = vector.broadcast %mul3A_308 : i32 to vector<16xi32>
      %mul3A_310 = arith.muli %mul3A_309, %add3A_307 : vector<16xi32>
      %add3A_311 = arith.constant 0 : i32
      %add3A_312 = vector.broadcast %add3A_311 : i32 to vector<16xi32>
      %add3A_313 = arith.addi %mul3A_310, %add3A_312 : vector<16xi32>
      %broadcast_in_dim3A_314 = arith.constant 52 : i32
      %broadcast_in_dim3A_315 = vector.broadcast %broadcast_in_dim3A_314 : i32 to vector<16xi32>
      %add3A_316 = vector.broadcast %scan3A_211 : i32 to vector<16xi32>
      %add3A_317 = arith.addi %broadcast_in_dim3A_315, %add3A_316 : vector<16xi32>
      tpu.vector_store_idx %arg9[%add3A_313, %add3A_317], %get3A_304 : memref<64x260xi32, #tpu.memory_space<vmem>>[vector<16xi32>, vector<16xi32>], vector<16xi32>,
      %get3A_318 = arith.constant 3 : i32
      %get3A_319 = arith.index_cast %scan3A_211 : i32 to index
      %get3A_320 = arith.index_cast %get3A_318 : i32 to index
      %get3A_321 = arith.constant 0 : index
      %get3A_322 = tpu.vector_load %arg8[%get3A_319, %get3A_320, %get3A_321] {strides = array<i32>} : memref<26x10x32xi32, #tpu.memory_space<vmem>>, vector<16xi32>,
      %add3A_323 = arith.constant 0 : i32
      %add3A_324 = vector.broadcast %add3A_323 : i32 to vector<16xi32>
      %add3A_325 = arith.addi %iota3A, %add3A_324 : vector<16xi32>
      %mul3A_326 = arith.constant 2 : i32
      %mul3A_327 = vector.broadcast %mul3A_326 : i32 to vector<16xi32>
      %mul3A_328 = arith.muli %mul3A_327, %add3A_325 : vector<16xi32>
      %add3A_329 = arith.constant 0 : i32
      %add3A_330 = vector.broadcast %add3A_329 : i32 to vector<16xi32>
      %add3A_331 = arith.addi %mul3A_328, %add3A_330 : vector<16xi32>
      %broadcast_in_dim3A_332 = arith.constant 78 : i32
      %broadcast_in_dim3A_333 = vector.broadcast %broadcast_in_dim3A_332 : i32 to vector<16xi32>
      %add3A_334 = vector.broadcast %scan3A_211 : i32 to vector<16xi32>
      %add3A_335 = arith.addi %broadcast_in_dim3A_333, %add3A_334 : vector<16xi32>
      tpu.vector_store_idx %arg9[%add3A_331, %add3A_335], %get3A_322 : memref<64x260xi32, #tpu.memory_space<vmem>>[vector<16xi32>, vector<16xi32>], vector<16xi32>,
      %get3A_336 = arith.constant 3 : i32
      %get3A_337 = arith.index_cast %scan3A_211 : i32 to index
      %get3A_338 = arith.index_cast %get3A_336 : i32 to index
      %get3A_339 = arith.constant 16 : index
      %get3A_340 = tpu.vector_load %arg8[%get3A_337, %get3A_338, %get3A_339] {strides = array<i32>} : memref<26x10x32xi32, #tpu.memory_space<vmem>>, vector<16xi32>,
      %add3A_341 = arith.constant 16 : i32
      %add3A_342 = vector.broadcast %add3A_341 : i32 to vector<16xi32>
      %add3A_343 = arith.addi %iota3A, %add3A_342 : vector<16xi32>
      %mul3A_344 = arith.constant 2 : i32
      %mul3A_345 = vector.broadcast %mul3A_344 : i32 to vector<16xi32>
      %mul3A_346 = arith.muli %mul3A_345, %add3A_343 : vector<16xi32>
      %add3A_347 = arith.constant 0 : i32
      %add3A_348 = vector.broadcast %add3A_347 : i32 to vector<16xi32>
      %add3A_349 = arith.addi %mul3A_346, %add3A_348 : vector<16xi32>
      %broadcast_in_dim3A_350 = arith.constant 78 : i32
      %broadcast_in_dim3A_351 = vector.broadcast %broadcast_in_dim3A_350 : i32 to vector<16xi32>
      %add3A_352 = vector.broadcast %scan3A_211 : i32 to vector<16xi32>
      %add3A_353 = arith.addi %broadcast_in_dim3A_351, %add3A_352 : vector<16xi32>
      tpu.vector_store_idx %arg9[%add3A_349, %add3A_353], %get3A_340 : memref<64x260xi32, #tpu.memory_space<vmem>>[vector<16xi32>, vector<16xi32>], vector<16xi32>,
      %get3A_354 = arith.constant 4 : i32
      %get3A_355 = arith.index_cast %scan3A_211 : i32 to index
      %get3A_356 = arith.index_cast %get3A_354 : i32 to index
      %get3A_357 = arith.constant 0 : index
      %get3A_358 = tpu.vector_load %arg8[%get3A_355, %get3A_356, %get3A_357] {strides = array<i32>} : memref<26x10x32xi32, #tpu.memory_space<vmem>>, vector<16xi32>,
      %add3A_359 = arith.constant 0 : i32
      %add3A_360 = vector.broadcast %add3A_359 : i32 to vector<16xi32>
      %add3A_361 = arith.addi %iota3A, %add3A_360 : vector<16xi32>
      %mul3A_362 = arith.constant 2 : i32
      %mul3A_363 = vector.broadcast %mul3A_362 : i32 to vector<16xi32>
      %mul3A_364 = arith.muli %mul3A_363, %add3A_361 : vector<16xi32>
      %add3A_365 = arith.constant 0 : i32
      %add3A_366 = vector.broadcast %add3A_365 : i32 to vector<16xi32>
      %add3A_367 = arith.addi %mul3A_364, %add3A_366 : vector<16xi32>
      %broadcast_in_dim3A_368 = arith.constant 104 : i32
      %broadcast_in_dim3A_369 = vector.broadcast %broadcast_in_dim3A_368 : i32 to vector<16xi32>
      %add3A_370 = vector.broadcast %scan3A_211 : i32 to vector<16xi32>
      %add3A_371 = arith.addi %broadcast_in_dim3A_369, %add3A_370 : vector<16xi32>
      tpu.vector_store_idx %arg9[%add3A_367, %add3A_371], %get3A_358 : memref<64x260xi32, #tpu.memory_space<vmem>>[vector<16xi32>, vector<16xi32>], vector<16xi32>,
      %get3A_372 = arith.constant 4 : i32
      %get3A_373 = arith.index_cast %scan3A_211 : i32 to index
      %get3A_374 = arith.index_cast %get3A_372 : i32 to index
      %get3A_375 = arith.constant 16 : index
      %get3A_376 = tpu.vector_load %arg8[%get3A_373, %get3A_374, %get3A_375] {strides = array<i32>} : memref<26x10x32xi32, #tpu.memory_space<vmem>>, vector<16xi32>,
      %add3A_377 = arith.constant 16 : i32
      %add3A_378 = vector.broadcast %add3A_377 : i32 to vector<16xi32>
      %add3A_379 = arith.addi %iota3A, %add3A_378 : vector<16xi32>
      %mul3A_380 = arith.constant 2 : i32
      %mul3A_381 = vector.broadcast %mul3A_380 : i32 to vector<16xi32>
      %mul3A_382 = arith.muli %mul3A_381, %add3A_379 : vector<16xi32>
      %add3A_383 = arith.constant 0 : i32
      %add3A_384 = vector.broadcast %add3A_383 : i32 to vector<16xi32>
      %add3A_385 = arith.addi %mul3A_382, %add3A_384 : vector<16xi32>
      %broadcast_in_dim3A_386 = arith.constant 104 : i32
      %broadcast_in_dim3A_387 = vector.broadcast %broadcast_in_dim3A_386 : i32 to vector<16xi32>
      %add3A_388 = vector.broadcast %scan3A_211 : i32 to vector<16xi32>
      %add3A_389 = arith.addi %broadcast_in_dim3A_387, %add3A_388 : vector<16xi32>
      tpu.vector_store_idx %arg9[%add3A_385, %add3A_389], %get3A_376 : memref<64x260xi32, #tpu.memory_space<vmem>>[vector<16xi32>, vector<16xi32>], vector<16xi32>,
      %get3A_390 = arith.constant 5 : i32
      %get3A_391 = arith.index_cast %scan3A_211 : i32 to index
      %get3A_392 = arith.index_cast %get3A_390 : i32 to index
      %get3A_393 = arith.constant 0 : index
      %get3A_394 = tpu.vector_load %arg8[%get3A_391, %get3A_392, %get3A_393] {strides = array<i32>} : memref<26x10x32xi32, #tpu.memory_space<vmem>>, vector<16xi32>,
      %add3A_395 = arith.constant 0 : i32
      %add3A_396 = vector.broadcast %add3A_395 : i32 to vector<16xi32>
      %add3A_397 = arith.addi %iota3A, %add3A_396 : vector<16xi32>
      %mul3A_398 = arith.constant 2 : i32
      %mul3A_399 = vector.broadcast %mul3A_398 : i32 to vector<16xi32>
      %mul3A_400 = arith.muli %mul3A_399, %add3A_397 : vector<16xi32>
      %add3A_401 = arith.constant 0 : i32
      %add3A_402 = vector.broadcast %add3A_401 : i32 to vector<16xi32>
      %add3A_403 = arith.addi %mul3A_400, %add3A_402 : vector<16xi32>
      %broadcast_in_dim3A_404 = arith.constant 130 : i32
      %broadcast_in_dim3A_405 = vector.broadcast %broadcast_in_dim3A_404 : i32 to vector<16xi32>
      %add3A_406 = vector.broadcast %scan3A_211 : i32 to vector<16xi32>
      %add3A_407 = arith.addi %broadcast_in_dim3A_405, %add3A_406 : vector<16xi32>
      tpu.vector_store_idx %arg9[%add3A_403, %add3A_407], %get3A_394 : memref<64x260xi32, #tpu.memory_space<vmem>>[vector<16xi32>, vector<16xi32>], vector<16xi32>,
      %get3A_408 = arith.constant 5 : i32
      %get3A_409 = arith.index_cast %scan3A_211 : i32 to index
      %get3A_410 = arith.index_cast %get3A_408 : i32 to index
      %get3A_411 = arith.constant 16 : index
      %get3A_412 = tpu.vector_load %arg8[%get3A_409, %get3A_410, %get3A_411] {strides = array<i32>} : memref<26x10x32xi32, #tpu.memory_space<vmem>>, vector<16xi32>,
      %add3A_413 = arith.constant 16 : i32
      %add3A_414 = vector.broadcast %add3A_413 : i32 to vector<16xi32>
      %add3A_415 = arith.addi %iota3A, %add3A_414 : vector<16xi32>
      %mul3A_416 = arith.constant 2 : i32
      %mul3A_417 = vector.broadcast %mul3A_416 : i32 to vector<16xi32>
      %mul3A_418 = arith.muli %mul3A_417, %add3A_415 : vector<16xi32>
      %add3A_419 = arith.constant 0 : i32
      %add3A_420 = vector.broadcast %add3A_419 : i32 to vector<16xi32>
      %add3A_421 = arith.addi %mul3A_418, %add3A_420 : vector<16xi32>
      %broadcast_in_dim3A_422 = arith.constant 130 : i32
      %broadcast_in_dim3A_423 = vector.broadcast %broadcast_in_dim3A_422 : i32 to vector<16xi32>
      %add3A_424 = vector.broadcast %scan3A_211 : i32 to vector<16xi32>
      %add3A_425 = arith.addi %broadcast_in_dim3A_423, %add3A_424 : vector<16xi32>
      tpu.vector_store_idx %arg9[%add3A_421, %add3A_425], %get3A_412 : memref<64x260xi32, #tpu.memory_space<vmem>>[vector<16xi32>, vector<16xi32>], vector<16xi32>,
      %get3A_426 = arith.constant 6 : i32
      %get3A_427 = arith.index_cast %scan3A_211 : i32 to index
      %get3A_428 = arith.index_cast %get3A_426 : i32 to index
      %get3A_429 = arith.constant 0 : index
      %get3A_430 = tpu.vector_load %arg8[%get3A_427, %get3A_428, %get3A_429] {strides = array<i32>} : memref<26x10x32xi32, #tpu.memory_space<vmem>>, vector<16xi32>,
      %add3A_431 = arith.constant 0 : i32
      %add3A_432 = vector.broadcast %add3A_431 : i32 to vector<16xi32>
      %add3A_433 = arith.addi %iota3A, %add3A_432 : vector<16xi32>
      %mul3A_434 = arith.constant 2 : i32
      %mul3A_435 = vector.broadcast %mul3A_434 : i32 to vector<16xi32>
      %mul3A_436 = arith.muli %mul3A_435, %add3A_433 : vector<16xi32>
      %add3A_437 = arith.constant 0 : i32
      %add3A_438 = vector.broadcast %add3A_437 : i32 to vector<16xi32>
      %add3A_439 = arith.addi %mul3A_436, %add3A_438 : vector<16xi32>
      %broadcast_in_dim3A_440 = arith.constant 156 : i32
      %broadcast_in_dim3A_441 = vector.broadcast %broadcast_in_dim3A_440 : i32 to vector<16xi32>
      %add3A_442 = vector.broadcast %scan3A_211 : i32 to vector<16xi32>
      %add3A_443 = arith.addi %broadcast_in_dim3A_441, %add3A_442 : vector<16xi32>
      tpu.vector_store_idx %arg9[%add3A_439, %add3A_443], %get3A_430 : memref<64x260xi32, #tpu.memory_space<vmem>>[vector<16xi32>, vector<16xi32>], vector<16xi32>,
      %get3A_444 = arith.constant 6 : i32
      %get3A_445 = arith.index_cast %scan3A_211 : i32 to index
      %get3A_446 = arith.index_cast %get3A_444 : i32 to index
      %get3A_447 = arith.constant 16 : index
      %get3A_448 = tpu.vector_load %arg8[%get3A_445, %get3A_446, %get3A_447] {strides = array<i32>} : memref<26x10x32xi32, #tpu.memory_space<vmem>>, vector<16xi32>,
      %add3A_449 = arith.constant 16 : i32
      %add3A_450 = vector.broadcast %add3A_449 : i32 to vector<16xi32>
      %add3A_451 = arith.addi %iota3A, %add3A_450 : vector<16xi32>
      %mul3A_452 = arith.constant 2 : i32
      %mul3A_453 = vector.broadcast %mul3A_452 : i32 to vector<16xi32>
      %mul3A_454 = arith.muli %mul3A_453, %add3A_451 : vector<16xi32>
      %add3A_455 = arith.constant 0 : i32
      %add3A_456 = vector.broadcast %add3A_455 : i32 to vector<16xi32>
      %add3A_457 = arith.addi %mul3A_454, %add3A_456 : vector<16xi32>
      %broadcast_in_dim3A_458 = arith.constant 156 : i32
      %broadcast_in_dim3A_459 = vector.broadcast %broadcast_in_dim3A_458 : i32 to vector<16xi32>
      %add3A_460 = vector.broadcast %scan3A_211 : i32 to vector<16xi32>
      %add3A_461 = arith.addi %broadcast_in_dim3A_459, %add3A_460 : vector<16xi32>
      tpu.vector_store_idx %arg9[%add3A_457, %add3A_461], %get3A_448 : memref<64x260xi32, #tpu.memory_space<vmem>>[vector<16xi32>, vector<16xi32>], vector<16xi32>,
      %get3A_462 = arith.constant 7 : i32
      %get3A_463 = arith.index_cast %scan3A_211 : i32 to index
      %get3A_464 = arith.index_cast %get3A_462 : i32 to index
      %get3A_465 = arith.constant 0 : index
      %get3A_466 = tpu.vector_load %arg8[%get3A_463, %get3A_464, %get3A_465] {strides = array<i32>} : memref<26x10x32xi32, #tpu.memory_space<vmem>>, vector<16xi32>,
      %add3A_467 = arith.constant 0 : i32
      %add3A_468 = vector.broadcast %add3A_467 : i32 to vector<16xi32>
      %add3A_469 = arith.addi %iota3A, %add3A_468 : vector<16xi32>
      %mul3A_470 = arith.constant 2 : i32
      %mul3A_471 = vector.broadcast %mul3A_470 : i32 to vector<16xi32>
      %mul3A_472 = arith.muli %mul3A_471, %add3A_469 : vector<16xi32>
      %add3A_473 = arith.constant 0 : i32
      %add3A_474 = vector.broadcast %add3A_473 : i32 to vector<16xi32>
      %add3A_475 = arith.addi %mul3A_472, %add3A_474 : vector<16xi32>
      %broadcast_in_dim3A_476 = arith.constant 182 : i32
      %broadcast_in_dim3A_477 = vector.broadcast %broadcast_in_dim3A_476 : i32 to vector<16xi32>
      %add3A_478 = vector.broadcast %scan3A_211 : i32 to vector<16xi32>
      %add3A_479 = arith.addi %broadcast_in_dim3A_477, %add3A_478 : vector<16xi32>
      tpu.vector_store_idx %arg9[%add3A_475, %add3A_479], %get3A_466 : memref<64x260xi32, #tpu.memory_space<vmem>>[vector<16xi32>, vector<16xi32>], vector<16xi32>,
      %get3A_480 = arith.constant 7 : i32
      %get3A_481 = arith.index_cast %scan3A_211 : i32 to index
      %get3A_482 = arith.index_cast %get3A_480 : i32 to index
      %get3A_483 = arith.constant 16 : index
      %get3A_484 = tpu.vector_load %arg8[%get3A_481, %get3A_482, %get3A_483] {strides = array<i32>} : memref<26x10x32xi32, #tpu.memory_space<vmem>>, vector<16xi32>,
      %add3A_485 = arith.constant 16 : i32
      %add3A_486 = vector.broadcast %add3A_485 : i32 to vector<16xi32>
      %add3A_487 = arith.addi %iota3A, %add3A_486 : vector<16xi32>
      %mul3A_488 = arith.constant 2 : i32
      %mul3A_489 = vector.broadcast %mul3A_488 : i32 to vector<16xi32>
      %mul3A_490 = arith.muli %mul3A_489, %add3A_487 : vector<16xi32>
      %add3A_491 = arith.constant 0 : i32
      %add3A_492 = vector.broadcast %add3A_491 : i32 to vector<16xi32>
      %add3A_493 = arith.addi %mul3A_490, %add3A_492 : vector<16xi32>
      %broadcast_in_dim3A_494 = arith.constant 182 : i32
      %broadcast_in_dim3A_495 = vector.broadcast %broadcast_in_dim3A_494 : i32 to vector<16xi32>
      %add3A_496 = vector.broadcast %scan3A_211 : i32 to vector<16xi32>
      %add3A_497 = arith.addi %broadcast_in_dim3A_495, %add3A_496 : vector<16xi32>
      tpu.vector_store_idx %arg9[%add3A_493, %add3A_497], %get3A_484 : memref<64x260xi32, #tpu.memory_space<vmem>>[vector<16xi32>, vector<16xi32>], vector<16xi32>,
      %get3A_498 = arith.constant 8 : i32
      %get3A_499 = arith.index_cast %scan3A_211 : i32 to index
      %get3A_500 = arith.index_cast %get3A_498 : i32 to index
      %get3A_501 = arith.constant 0 : index
      %get3A_502 = tpu.vector_load %arg8[%get3A_499, %get3A_500, %get3A_501] {strides = array<i32>} : memref<26x10x32xi32, #tpu.memory_space<vmem>>, vector<16xi32>,
      %add3A_503 = arith.constant 0 : i32
      %add3A_504 = vector.broadcast %add3A_503 : i32 to vector<16xi32>
      %add3A_505 = arith.addi %iota3A, %add3A_504 : vector<16xi32>
      %mul3A_506 = arith.constant 2 : i32
      %mul3A_507 = vector.broadcast %mul3A_506 : i32 to vector<16xi32>
      %mul3A_508 = arith.muli %mul3A_507, %add3A_505 : vector<16xi32>
      %add3A_509 = arith.constant 0 : i32
      %add3A_510 = vector.broadcast %add3A_509 : i32 to vector<16xi32>
      %add3A_511 = arith.addi %mul3A_508, %add3A_510 : vector<16xi32>
      %broadcast_in_dim3A_512 = arith.constant 208 : i32
      %broadcast_in_dim3A_513 = vector.broadcast %broadcast_in_dim3A_512 : i32 to vector<16xi32>
      %add3A_514 = vector.broadcast %scan3A_211 : i32 to vector<16xi32>
      %add3A_515 = arith.addi %broadcast_in_dim3A_513, %add3A_514 : vector<16xi32>
      tpu.vector_store_idx %arg9[%add3A_511, %add3A_515], %get3A_502 : memref<64x260xi32, #tpu.memory_space<vmem>>[vector<16xi32>, vector<16xi32>], vector<16xi32>,
      %get3A_516 = arith.constant 8 : i32
      %get3A_517 = arith.index_cast %scan3A_211 : i32 to index
      %get3A_518 = arith.index_cast %get3A_516 : i32 to index
      %get3A_519 = arith.constant 16 : index
      %get3A_520 = tpu.vector_load %arg8[%get3A_517, %get3A_518, %get3A_519] {strides = array<i32>} : memref<26x10x32xi32, #tpu.memory_space<vmem>>, vector<16xi32>,
      %add3A_521 = arith.constant 16 : i32
      %add3A_522 = vector.broadcast %add3A_521 : i32 to vector<16xi32>
      %add3A_523 = arith.addi %iota3A, %add3A_522 : vector<16xi32>
      %mul3A_524 = arith.constant 2 : i32
      %mul3A_525 = vector.broadcast %mul3A_524 : i32 to vector<16xi32>
      %mul3A_526 = arith.muli %mul3A_525, %add3A_523 : vector<16xi32>
      %add3A_527 = arith.constant 0 : i32
      %add3A_528 = vector.broadcast %add3A_527 : i32 to vector<16xi32>
      %add3A_529 = arith.addi %mul3A_526, %add3A_528 : vector<16xi32>
      %broadcast_in_dim3A_530 = arith.constant 208 : i32
      %broadcast_in_dim3A_531 = vector.broadcast %broadcast_in_dim3A_530 : i32 to vector<16xi32>
      %add3A_532 = vector.broadcast %scan3A_211 : i32 to vector<16xi32>
      %add3A_533 = arith.addi %broadcast_in_dim3A_531, %add3A_532 : vector<16xi32>
      tpu.vector_store_idx %arg9[%add3A_529, %add3A_533], %get3A_520 : memref<64x260xi32, #tpu.memory_space<vmem>>[vector<16xi32>, vector<16xi32>], vector<16xi32>,
      %get3A_534 = arith.constant 9 : i32
      %get3A_535 = arith.index_cast %scan3A_211 : i32 to index
      %get3A_536 = arith.index_cast %get3A_534 : i32 to index
      %get3A_537 = arith.constant 0 : index
      %get3A_538 = tpu.vector_load %arg8[%get3A_535, %get3A_536, %get3A_537] {strides = array<i32>} : memref<26x10x32xi32, #tpu.memory_space<vmem>>, vector<16xi32>,
      %add3A_539 = arith.constant 0 : i32
      %add3A_540 = vector.broadcast %add3A_539 : i32 to vector<16xi32>
      %add3A_541 = arith.addi %iota3A, %add3A_540 : vector<16xi32>
      %mul3A_542 = arith.constant 2 : i32
      %mul3A_543 = vector.broadcast %mul3A_542 : i32 to vector<16xi32>
      %mul3A_544 = arith.muli %mul3A_543, %add3A_541 : vector<16xi32>
      %add3A_545 = arith.constant 0 : i32
      %add3A_546 = vector.broadcast %add3A_545 : i32 to vector<16xi32>
      %add3A_547 = arith.addi %mul3A_544, %add3A_546 : vector<16xi32>
      %broadcast_in_dim3A_548 = arith.constant 234 : i32
      %broadcast_in_dim3A_549 = vector.broadcast %broadcast_in_dim3A_548 : i32 to vector<16xi32>
      %add3A_550 = vector.broadcast %scan3A_211 : i32 to vector<16xi32>
      %add3A_551 = arith.addi %broadcast_in_dim3A_549, %add3A_550 : vector<16xi32>
      tpu.vector_store_idx %arg9[%add3A_547, %add3A_551], %get3A_538 : memref<64x260xi32, #tpu.memory_space<vmem>>[vector<16xi32>, vector<16xi32>], vector<16xi32>,
      %get3A_552 = arith.constant 9 : i32
      %get3A_553 = arith.index_cast %scan3A_211 : i32 to index
      %get3A_554 = arith.index_cast %get3A_552 : i32 to index
      %get3A_555 = arith.constant 16 : index
      %get3A_556 = tpu.vector_load %arg8[%get3A_553, %get3A_554, %get3A_555] {strides = array<i32>} : memref<26x10x32xi32, #tpu.memory_space<vmem>>, vector<16xi32>,
      %add3A_557 = arith.constant 16 : i32
      %add3A_558 = vector.broadcast %add3A_557 : i32 to vector<16xi32>
      %add3A_559 = arith.addi %iota3A, %add3A_558 : vector<16xi32>
      %mul3A_560 = arith.constant 2 : i32
      %mul3A_561 = vector.broadcast %mul3A_560 : i32 to vector<16xi32>
      %mul3A_562 = arith.muli %mul3A_561, %add3A_559 : vector<16xi32>
      %add3A_563 = arith.constant 0 : i32
      %add3A_564 = vector.broadcast %add3A_563 : i32 to vector<16xi32>
      %add3A_565 = arith.addi %mul3A_562, %add3A_564 : vector<16xi32>
      %broadcast_in_dim3A_566 = arith.constant 234 : i32
      %broadcast_in_dim3A_567 = vector.broadcast %broadcast_in_dim3A_566 : i32 to vector<16xi32>
      %add3A_568 = vector.broadcast %scan3A_211 : i32 to vector<16xi32>
      %add3A_569 = arith.addi %broadcast_in_dim3A_567, %add3A_568 : vector<16xi32>
      tpu.vector_store_idx %arg9[%add3A_565, %add3A_569], %get3A_556 : memref<64x260xi32, #tpu.memory_space<vmem>>[vector<16xi32>, vector<16xi32>], vector<16xi32>,
    }
    %scan3A_7 = arith.constant 26 : i32
    "tpu.region"() ({
      %run_scoped3A = tpu.sem_alloc : memref<!tpu.dma_semaphore, #tpu.memory_space<semaphore_mem>>
      %dma_start3A_211 = arith.constant 0 : i32
      %dma_start3A_212 = arith.constant 10 : i32
      %dma_start3A_213 = tpu.memref_slice %arg2[%dma_start3A_211, %dma_start3A_212, %mul3A_2] : memref<26x20x1024xi32, #tpu.memory_space<hbm>> -> memref<26x10x32xi32, #tpu.memory_space<hbm>>
      %dma_start3A_214 = arith.constant 0 : i32
      %dma_start3A_215 = arith.constant 10 : i32
      %dma_start3A_216 = tpu.memref_slice %arg2[%dma_start3A_214, %dma_start3A_215, %mul3A_2] : memref<26x20x1024xi32, #tpu.memory_space<hbm>> -> memref<26x10x32xi32, #tpu.memory_space<hbm>>
      tpu.enqueue_dma source(%dma_start3A_216 : memref<26x10x32xi32, #tpu.memory_space<hbm>>) target(%arg8 : memref<26x10x32xi32, #tpu.memory_space<vmem>>) target_semaphore(%run_scoped3A : memref<!tpu.dma_semaphore, #tpu.memory_space<semaphore_mem>>)
      %dma_wait3A_217 = arith.constant 0 : i32
      %dma_wait3A_218 = arith.constant 10 : i32
      %dma_wait3A_219 = tpu.memref_slice %arg2[%dma_wait3A_217, %dma_wait3A_218, %mul3A_2] : memref<26x20x1024xi32, #tpu.memory_space<hbm>> -> memref<26x10x32xi32, #tpu.memory_space<hbm>>
      %dma_wait3A_220 = arith.constant 0 : i32
      %dma_wait3A_221 = arith.constant 10 : i32
      %dma_wait3A_222 = tpu.memref_slice %arg2[%dma_wait3A_220, %dma_wait3A_221, %mul3A_2] : memref<26x20x1024xi32, #tpu.memory_space<hbm>> -> memref<26x10x32xi32, #tpu.memory_space<hbm>>
      tpu.wait_dma2 semaphore(%run_scoped3A : memref<!tpu.dma_semaphore, #tpu.memory_space<semaphore_mem>>) src(%dma_wait3A_222 : memref<26x10x32xi32, #tpu.memory_space<hbm>>) dst(%arg8 : memref<26x10x32xi32, #tpu.memory_space<vmem>>)
      tpu.yield
    }) : () -> ()
    %scan3A_8 = arith.constant 0 : i32
    %scan3A_9 = arith.constant 0 : i32
    %scan3A_10 = arith.constant 26 : i32
    %scan3A_11 = arith.addi %scan3A_9, %scan3A_10 : i32
    %scan3A_12 = arith.constant 1 : i32
    scf.for %scan3A_211 = %scan3A_9 to %scan3A_11 step %scan3A_12  : i32 {
      %get3A = arith.constant 0 : i32
      %get3A_212 = arith.index_cast %scan3A_211 : i32 to index
      %get3A_213 = arith.index_cast %get3A : i32 to index
      %get3A_214 = arith.constant 0 : index
      %get3A_215 = tpu.vector_load %arg8[%get3A_212, %get3A_213, %get3A_214] {strides = array<i32>} : memref<26x10x32xi32, #tpu.memory_space<vmem>>, vector<16xi32>,
      %add3A_216 = arith.constant 0 : i32
      %add3A_217 = vector.broadcast %add3A_216 : i32 to vector<16xi32>
      %add3A_218 = arith.addi %iota3A, %add3A_217 : vector<16xi32>
      %mul3A_219 = arith.constant 2 : i32
      %mul3A_220 = vector.broadcast %mul3A_219 : i32 to vector<16xi32>
      %mul3A_221 = arith.muli %mul3A_220, %add3A_218 : vector<16xi32>
      %add3A_222 = arith.constant 1 : i32
      %add3A_223 = vector.broadcast %add3A_222 : i32 to vector<16xi32>
      %add3A_224 = arith.addi %mul3A_221, %add3A_223 : vector<16xi32>
      %broadcast_in_dim3A = arith.constant 0 : i32
      %broadcast_in_dim3A_225 = vector.broadcast %broadcast_in_dim3A : i32 to vector<16xi32>
      %add3A_226 = vector.broadcast %scan3A_211 : i32 to vector<16xi32>
      %add3A_227 = arith.addi %broadcast_in_dim3A_225, %add3A_226 : vector<16xi32>
      tpu.vector_store_idx %arg9[%add3A_224, %add3A_227], %get3A_215 : memref<64x260xi32, #tpu.memory_space<vmem>>[vector<16xi32>, vector<16xi32>], vector<16xi32>,
      %get3A_228 = arith.constant 0 : i32
      %get3A_229 = arith.index_cast %scan3A_211 : i32 to index
      %get3A_230 = arith.index_cast %get3A_228 : i32 to index
      %get3A_231 = arith.constant 16 : index
      %get3A_232 = tpu.vector_load %arg8[%get3A_229, %get3A_230, %get3A_231] {strides = array<i32>} : memref<26x10x32xi32, #tpu.memory_space<vmem>>, vector<16xi32>,
      %add3A_233 = arith.constant 16 : i32
      %add3A_234 = vector.broadcast %add3A_233 : i32 to vector<16xi32>
      %add3A_235 = arith.addi %iota3A, %add3A_234 : vector<16xi32>
      %mul3A_236 = arith.constant 2 : i32
      %mul3A_237 = vector.broadcast %mul3A_236 : i32 to vector<16xi32>
      %mul3A_238 = arith.muli %mul3A_237, %add3A_235 : vector<16xi32>
      %add3A_239 = arith.constant 1 : i32
      %add3A_240 = vector.broadcast %add3A_239 : i32 to vector<16xi32>
      %add3A_241 = arith.addi %mul3A_238, %add3A_240 : vector<16xi32>
      %broadcast_in_dim3A_242 = arith.constant 0 : i32
      %broadcast_in_dim3A_243 = vector.broadcast %broadcast_in_dim3A_242 : i32 to vector<16xi32>
      %add3A_244 = vector.broadcast %scan3A_211 : i32 to vector<16xi32>
      %add3A_245 = arith.addi %broadcast_in_dim3A_243, %add3A_244 : vector<16xi32>
      tpu.vector_store_idx %arg9[%add3A_241, %add3A_245], %get3A_232 : memref<64x260xi32, #tpu.memory_space<vmem>>[vector<16xi32>, vector<16xi32>], vector<16xi32>,
      %get3A_246 = arith.constant 1 : i32
      %get3A_247 = arith.index_cast %scan3A_211 : i32 to index
      %get3A_248 = arith.index_cast %get3A_246 : i32 to index
      %get3A_249 = arith.constant 0 : index
      %get3A_250 = tpu.vector_load %arg8[%get3A_247, %get3A_248, %get3A_249] {strides = array<i32>} : memref<26x10x32xi32, #tpu.memory_space<vmem>>, vector<16xi32>,
      %add3A_251 = arith.constant 0 : i32
      %add3A_252 = vector.broadcast %add3A_251 : i32 to vector<16xi32>
      %add3A_253 = arith.addi %iota3A, %add3A_252 : vector<16xi32>
      %mul3A_254 = arith.constant 2 : i32
      %mul3A_255 = vector.broadcast %mul3A_254 : i32 to vector<16xi32>
      %mul3A_256 = arith.muli %mul3A_255, %add3A_253 : vector<16xi32>
      %add3A_257 = arith.constant 1 : i32
      %add3A_258 = vector.broadcast %add3A_257 : i32 to vector<16xi32>
      %add3A_259 = arith.addi %mul3A_256, %add3A_258 : vector<16xi32>
      %broadcast_in_dim3A_260 = arith.constant 26 : i32
      %broadcast_in_dim3A_261 = vector.broadcast %broadcast_in_dim3A_260 : i32 to vector<16xi32>
      %add3A_262 = vector.broadcast %scan3A_211 : i32 to vector<16xi32>
      %add3A_263 = arith.addi %broadcast_in_dim3A_261, %add3A_262 : vector<16xi32>
      tpu.vector_store_idx %arg9[%add3A_259, %add3A_263], %get3A_250 : memref<64x260xi32, #tpu.memory_space<vmem>>[vector<16xi32>, vector<16xi32>], vector<16xi32>,
      %get3A_264 = arith.constant 1 : i32
      %get3A_265 = arith.index_cast %scan3A_211 : i32 to index
      %get3A_266 = arith.index_cast %get3A_264 : i32 to index
      %get3A_267 = arith.constant 16 : index
      %get3A_268 = tpu.vector_load %arg8[%get3A_265, %get3A_266, %get3A_267] {strides = array<i32>} : memref<26x10x32xi32, #tpu.memory_space<vmem>>, vector<16xi32>,
      %add3A_269 = arith.constant 16 : i32
      %add3A_270 = vector.broadcast %add3A_269 : i32 to vector<16xi32>
      %add3A_271 = arith.addi %iota3A, %add3A_270 : vector<16xi32>
      %mul3A_272 = arith.constant 2 : i32
      %mul3A_273 = vector.broadcast %mul3A_272 : i32 to vector<16xi32>
      %mul3A_274 = arith.muli %mul3A_273, %add3A_271 : vector<16xi32>
      %add3A_275 = arith.constant 1 : i32
      %add3A_276 = vector.broadcast %add3A_275 : i32 to vector<16xi32>
      %add3A_277 = arith.addi %mul3A_274, %add3A_276 : vector<16xi32>
      %broadcast_in_dim3A_278 = arith.constant 26 : i32
      %broadcast_in_dim3A_279 = vector.broadcast %broadcast_in_dim3A_278 : i32 to vector<16xi32>
      %add3A_280 = vector.broadcast %scan3A_211 : i32 to vector<16xi32>
      %add3A_281 = arith.addi %broadcast_in_dim3A_279, %add3A_280 : vector<16xi32>
      tpu.vector_store_idx %arg9[%add3A_277, %add3A_281], %get3A_268 : memref<64x260xi32, #tpu.memory_space<vmem>>[vector<16xi32>, vector<16xi32>], vector<16xi32>,
      %get3A_282 = arith.constant 2 : i32
      %get3A_283 = arith.index_cast %scan3A_211 : i32 to index
      %get3A_284 = arith.index_cast %get3A_282 : i32 to index
      %get3A_285 = arith.constant 0 : index
      %get3A_286 = tpu.vector_load %arg8[%get3A_283, %get3A_284, %get3A_285] {strides = array<i32>} : memref<26x10x32xi32, #tpu.memory_space<vmem>>, vector<16xi32>,
      %add3A_287 = arith.constant 0 : i32
      %add3A_288 = vector.broadcast %add3A_287 : i32 to vector<16xi32>
      %add3A_289 = arith.addi %iota3A, %add3A_288 : vector<16xi32>
      %mul3A_290 = arith.constant 2 : i32
      %mul3A_291 = vector.broadcast %mul3A_290 : i32 to vector<16xi32>
      %mul3A_292 = arith.muli %mul3A_291, %add3A_289 : vector<16xi32>
      %add3A_293 = arith.constant 1 : i32
      %add3A_294 = vector.broadcast %add3A_293 : i32 to vector<16xi32>
      %add3A_295 = arith.addi %mul3A_292, %add3A_294 : vector<16xi32>
      %broadcast_in_dim3A_296 = arith.constant 52 : i32
      %broadcast_in_dim3A_297 = vector.broadcast %broadcast_in_dim3A_296 : i32 to vector<16xi32>
      %add3A_298 = vector.broadcast %scan3A_211 : i32 to vector<16xi32>
      %add3A_299 = arith.addi %broadcast_in_dim3A_297, %add3A_298 : vector<16xi32>
      tpu.vector_store_idx %arg9[%add3A_295, %add3A_299], %get3A_286 : memref<64x260xi32, #tpu.memory_space<vmem>>[vector<16xi32>, vector<16xi32>], vector<16xi32>,
      %get3A_300 = arith.constant 2 : i32
      %get3A_301 = arith.index_cast %scan3A_211 : i32 to index
      %get3A_302 = arith.index_cast %get3A_300 : i32 to index
      %get3A_303 = arith.constant 16 : index
      %get3A_304 = tpu.vector_load %arg8[%get3A_301, %get3A_302, %get3A_303] {strides = array<i32>} : memref<26x10x32xi32, #tpu.memory_space<vmem>>, vector<16xi32>,
      %add3A_305 = arith.constant 16 : i32
      %add3A_306 = vector.broadcast %add3A_305 : i32 to vector<16xi32>
      %add3A_307 = arith.addi %iota3A, %add3A_306 : vector<16xi32>
      %mul3A_308 = arith.constant 2 : i32
      %mul3A_309 = vector.broadcast %mul3A_308 : i32 to vector<16xi32>
      %mul3A_310 = arith.muli %mul3A_309, %add3A_307 : vector<16xi32>
      %add3A_311 = arith.constant 1 : i32
      %add3A_312 = vector.broadcast %add3A_311 : i32 to vector<16xi32>
      %add3A_313 = arith.addi %mul3A_310, %add3A_312 : vector<16xi32>
      %broadcast_in_dim3A_314 = arith.constant 52 : i32
      %broadcast_in_dim3A_315 = vector.broadcast %broadcast_in_dim3A_314 : i32 to vector<16xi32>
      %add3A_316 = vector.broadcast %scan3A_211 : i32 to vector<16xi32>
      %add3A_317 = arith.addi %broadcast_in_dim3A_315, %add3A_316 : vector<16xi32>
      tpu.vector_store_idx %arg9[%add3A_313, %add3A_317], %get3A_304 : memref<64x260xi32, #tpu.memory_space<vmem>>[vector<16xi32>, vector<16xi32>], vector<16xi32>,
      %get3A_318 = arith.constant 3 : i32
      %get3A_319 = arith.index_cast %scan3A_211 : i32 to index
      %get3A_320 = arith.index_cast %get3A_318 : i32 to index
      %get3A_321 = arith.constant 0 : index
      %get3A_322 = tpu.vector_load %arg8[%get3A_319, %get3A_320, %get3A_321] {strides = array<i32>} : memref<26x10x32xi32, #tpu.memory_space<vmem>>, vector<16xi32>,
      %add3A_323 = arith.constant 0 : i32
      %add3A_324 = vector.broadcast %add3A_323 : i32 to vector<16xi32>
      %add3A_325 = arith.addi %iota3A, %add3A_324 : vector<16xi32>
      %mul3A_326 = arith.constant 2 : i32
      %mul3A_327 = vector.broadcast %mul3A_326 : i32 to vector<16xi32>
      %mul3A_328 = arith.muli %mul3A_327, %add3A_325 : vector<16xi32>
      %add3A_329 = arith.constant 1 : i32
      %add3A_330 = vector.broadcast %add3A_329 : i32 to vector<16xi32>
      %add3A_331 = arith.addi %mul3A_328, %add3A_330 : vector<16xi32>
      %broadcast_in_dim3A_332 = arith.constant 78 : i32
      %broadcast_in_dim3A_333 = vector.broadcast %broadcast_in_dim3A_332 : i32 to vector<16xi32>
      %add3A_334 = vector.broadcast %scan3A_211 : i32 to vector<16xi32>
      %add3A_335 = arith.addi %broadcast_in_dim3A_333, %add3A_334 : vector<16xi32>
      tpu.vector_store_idx %arg9[%add3A_331, %add3A_335], %get3A_322 : memref<64x260xi32, #tpu.memory_space<vmem>>[vector<16xi32>, vector<16xi32>], vector<16xi32>,
      %get3A_336 = arith.constant 3 : i32
      %get3A_337 = arith.index_cast %scan3A_211 : i32 to index
      %get3A_338 = arith.index_cast %get3A_336 : i32 to index
      %get3A_339 = arith.constant 16 : index
      %get3A_340 = tpu.vector_load %arg8[%get3A_337, %get3A_338, %get3A_339] {strides = array<i32>} : memref<26x10x32xi32, #tpu.memory_space<vmem>>, vector<16xi32>,
      %add3A_341 = arith.constant 16 : i32
      %add3A_342 = vector.broadcast %add3A_341 : i32 to vector<16xi32>
      %add3A_343 = arith.addi %iota3A, %add3A_342 : vector<16xi32>
      %mul3A_344 = arith.constant 2 : i32
      %mul3A_345 = vector.broadcast %mul3A_344 : i32 to vector<16xi32>
      %mul3A_346 = arith.muli %mul3A_345, %add3A_343 : vector<16xi32>
      %add3A_347 = arith.constant 1 : i32
      %add3A_348 = vector.broadcast %add3A_347 : i32 to vector<16xi32>
      %add3A_349 = arith.addi %mul3A_346, %add3A_348 : vector<16xi32>
      %broadcast_in_dim3A_350 = arith.constant 78 : i32
      %broadcast_in_dim3A_351 = vector.broadcast %broadcast_in_dim3A_350 : i32 to vector<16xi32>
      %add3A_352 = vector.broadcast %scan3A_211 : i32 to vector<16xi32>
      %add3A_353 = arith.addi %broadcast_in_dim3A_351, %add3A_352 : vector<16xi32>
      tpu.vector_store_idx %arg9[%add3A_349, %add3A_353], %get3A_340 : memref<64x260xi32, #tpu.memory_space<vmem>>[vector<16xi32>, vector<16xi32>], vector<16xi32>,
      %get3A_354 = arith.constant 4 : i32
      %get3A_355 = arith.index_cast %scan3A_211 : i32 to index
      %get3A_356 = arith.index_cast %get3A_354 : i32 to index
      %get3A_357 = arith.constant 0 : index
      %get3A_358 = tpu.vector_load %arg8[%get3A_355, %get3A_356, %get3A_357] {strides = array<i32>} : memref<26x10x32xi32, #tpu.memory_space<vmem>>, vector<16xi32>,
      %add3A_359 = arith.constant 0 : i32
      %add3A_360 = vector.broadcast %add3A_359 : i32 to vector<16xi32>
      %add3A_361 = arith.addi %iota3A, %add3A_360 : vector<16xi32>
      %mul3A_362 = arith.constant 2 : i32
      %mul3A_363 = vector.broadcast %mul3A_362 : i32 to vector<16xi32>
      %mul3A_364 = arith.muli %mul3A_363, %add3A_361 : vector<16xi32>
      %add3A_365 = arith.constant 1 : i32
      %add3A_366 = vector.broadcast %add3A_365 : i32 to vector<16xi32>
      %add3A_367 = arith.addi %mul3A_364, %add3A_366 : vector<16xi32>
      %broadcast_in_dim3A_368 = arith.constant 104 : i32
      %broadcast_in_dim3A_369 = vector.broadcast %broadcast_in_dim3A_368 : i32 to vector<16xi32>
      %add3A_370 = vector.broadcast %scan3A_211 : i32 to vector<16xi32>
      %add3A_371 = arith.addi %broadcast_in_dim3A_369, %add3A_370 : vector<16xi32>
      tpu.vector_store_idx %arg9[%add3A_367, %add3A_371], %get3A_358 : memref<64x260xi32, #tpu.memory_space<vmem>>[vector<16xi32>, vector<16xi32>], vector<16xi32>,
      %get3A_372 = arith.constant 4 : i32
      %get3A_373 = arith.index_cast %scan3A_211 : i32 to index
      %get3A_374 = arith.index_cast %get3A_372 : i32 to index
      %get3A_375 = arith.constant 16 : index
      %get3A_376 = tpu.vector_load %arg8[%get3A_373, %get3A_374, %get3A_375] {strides = array<i32>} : memref<26x10x32xi32, #tpu.memory_space<vmem>>, vector<16xi32>,
      %add3A_377 = arith.constant 16 : i32
      %add3A_378 = vector.broadcast %add3A_377 : i32 to vector<16xi32>
      %add3A_379 = arith.addi %iota3A, %add3A_378 : vector<16xi32>
      %mul3A_380 = arith.constant 2 : i32
      %mul3A_381 = vector.broadcast %mul3A_380 : i32 to vector<16xi32>
      %mul3A_382 = arith.muli %mul3A_381, %add3A_379 : vector<16xi32>
      %add3A_383 = arith.constant 1 : i32
      %add3A_384 = vector.broadcast %add3A_383 : i32 to vector<16xi32>
      %add3A_385 = arith.addi %mul3A_382, %add3A_384 : vector<16xi32>
      %broadcast_in_dim3A_386 = arith.constant 104 : i32
      %broadcast_in_dim3A_387 = vector.broadcast %broadcast_in_dim3A_386 : i32 to vector<16xi32>
      %add3A_388 = vector.broadcast %scan3A_211 : i32 to vector<16xi32>
      %add3A_389 = arith.addi %broadcast_in_dim3A_387, %add3A_388 : vector<16xi32>
      tpu.vector_store_idx %arg9[%add3A_385, %add3A_389], %get3A_376 : memref<64x260xi32, #tpu.memory_space<vmem>>[vector<16xi32>, vector<16xi32>], vector<16xi32>,
      %get3A_390 = arith.constant 5 : i32
      %get3A_391 = arith.index_cast %scan3A_211 : i32 to index
      %get3A_392 = arith.index_cast %get3A_390 : i32 to index
      %get3A_393 = arith.constant 0 : index
      %get3A_394 = tpu.vector_load %arg8[%get3A_391, %get3A_392, %get3A_393] {strides = array<i32>} : memref<26x10x32xi32, #tpu.memory_space<vmem>>, vector<16xi32>,
      %add3A_395 = arith.constant 0 : i32
      %add3A_396 = vector.broadcast %add3A_395 : i32 to vector<16xi32>
      %add3A_397 = arith.addi %iota3A, %add3A_396 : vector<16xi32>
      %mul3A_398 = arith.constant 2 : i32
      %mul3A_399 = vector.broadcast %mul3A_398 : i32 to vector<16xi32>
      %mul3A_400 = arith.muli %mul3A_399, %add3A_397 : vector<16xi32>
      %add3A_401 = arith.constant 1 : i32
      %add3A_402 = vector.broadcast %add3A_401 : i32 to vector<16xi32>
      %add3A_403 = arith.addi %mul3A_400, %add3A_402 : vector<16xi32>
      %broadcast_in_dim3A_404 = arith.constant 130 : i32
      %broadcast_in_dim3A_405 = vector.broadcast %broadcast_in_dim3A_404 : i32 to vector<16xi32>
      %add3A_406 = vector.broadcast %scan3A_211 : i32 to vector<16xi32>
      %add3A_407 = arith.addi %broadcast_in_dim3A_405, %add3A_406 : vector<16xi32>
      tpu.vector_store_idx %arg9[%add3A_403, %add3A_407], %get3A_394 : memref<64x260xi32, #tpu.memory_space<vmem>>[vector<16xi32>, vector<16xi32>], vector<16xi32>,
      %get3A_408 = arith.constant 5 : i32
      %get3A_409 = arith.index_cast %scan3A_211 : i32 to index
      %get3A_410 = arith.index_cast %get3A_408 : i32 to index
      %get3A_411 = arith.constant 16 : index
      %get3A_412 = tpu.vector_load %arg8[%get3A_409, %get3A_410, %get3A_411] {strides = array<i32>} : memref<26x10x32xi32, #tpu.memory_space<vmem>>, vector<16xi32>,
      %add3A_413 = arith.constant 16 : i32
      %add3A_414 = vector.broadcast %add3A_413 : i32 to vector<16xi32>
      %add3A_415 = arith.addi %iota3A, %add3A_414 : vector<16xi32>
      %mul3A_416 = arith.constant 2 : i32
      %mul3A_417 = vector.broadcast %mul3A_416 : i32 to vector<16xi32>
      %mul3A_418 = arith.muli %mul3A_417, %add3A_415 : vector<16xi32>
      %add3A_419 = arith.constant 1 : i32
      %add3A_420 = vector.broadcast %add3A_419 : i32 to vector<16xi32>
      %add3A_421 = arith.addi %mul3A_418, %add3A_420 : vector<16xi32>
      %broadcast_in_dim3A_422 = arith.constant 130 : i32
      %broadcast_in_dim3A_423 = vector.broadcast %broadcast_in_dim3A_422 : i32 to vector<16xi32>
      %add3A_424 = vector.broadcast %scan3A_211 : i32 to vector<16xi32>
      %add3A_425 = arith.addi %broadcast_in_dim3A_423, %add3A_424 : vector<16xi32>
      tpu.vector_store_idx %arg9[%add3A_421, %add3A_425], %get3A_412 : memref<64x260xi32, #tpu.memory_space<vmem>>[vector<16xi32>, vector<16xi32>], vector<16xi32>,
      %get3A_426 = arith.constant 6 : i32
      %get3A_427 = arith.index_cast %scan3A_211 : i32 to index
      %get3A_428 = arith.index_cast %get3A_426 : i32 to index
      %get3A_429 = arith.constant 0 : index
      %get3A_430 = tpu.vector_load %arg8[%get3A_427, %get3A_428, %get3A_429] {strides = array<i32>} : memref<26x10x32xi32, #tpu.memory_space<vmem>>, vector<16xi32>,
      %add3A_431 = arith.constant 0 : i32
      %add3A_432 = vector.broadcast %add3A_431 : i32 to vector<16xi32>
      %add3A_433 = arith.addi %iota3A, %add3A_432 : vector<16xi32>
      %mul3A_434 = arith.constant 2 : i32
      %mul3A_435 = vector.broadcast %mul3A_434 : i32 to vector<16xi32>
      %mul3A_436 = arith.muli %mul3A_435, %add3A_433 : vector<16xi32>
      %add3A_437 = arith.constant 1 : i32
      %add3A_438 = vector.broadcast %add3A_437 : i32 to vector<16xi32>
      %add3A_439 = arith.addi %mul3A_436, %add3A_438 : vector<16xi32>
      %broadcast_in_dim3A_440 = arith.constant 156 : i32
      %broadcast_in_dim3A_441 = vector.broadcast %broadcast_in_dim3A_440 : i32 to vector<16xi32>
      %add3A_442 = vector.broadcast %scan3A_211 : i32 to vector<16xi32>
      %add3A_443 = arith.addi %broadcast_in_dim3A_441, %add3A_442 : vector<16xi32>
      tpu.vector_store_idx %arg9[%add3A_439, %add3A_443], %get3A_430 : memref<64x260xi32, #tpu.memory_space<vmem>>[vector<16xi32>, vector<16xi32>], vector<16xi32>,
      %get3A_444 = arith.constant 6 : i32
      %get3A_445 = arith.index_cast %scan3A_211 : i32 to index
      %get3A_446 = arith.index_cast %get3A_444 : i32 to index
      %get3A_447 = arith.constant 16 : index
      %get3A_448 = tpu.vector_load %arg8[%get3A_445, %get3A_446, %get3A_447] {strides = array<i32>} : memref<26x10x32xi32, #tpu.memory_space<vmem>>, vector<16xi32>,
      %add3A_449 = arith.constant 16 : i32
      %add3A_450 = vector.broadcast %add3A_449 : i32 to vector<16xi32>
      %add3A_451 = arith.addi %iota3A, %add3A_450 : vector<16xi32>
      %mul3A_452 = arith.constant 2 : i32
      %mul3A_453 = vector.broadcast %mul3A_452 : i32 to vector<16xi32>
      %mul3A_454 = arith.muli %mul3A_453, %add3A_451 : vector<16xi32>
      %add3A_455 = arith.constant 1 : i32
      %add3A_456 = vector.broadcast %add3A_455 : i32 to vector<16xi32>
      %add3A_457 = arith.addi %mul3A_454, %add3A_456 : vector<16xi32>
      %broadcast_in_dim3A_458 = arith.constant 156 : i32
      %broadcast_in_dim3A_459 = vector.broadcast %broadcast_in_dim3A_458 : i32 to vector<16xi32>
      %add3A_460 = vector.broadcast %scan3A_211 : i32 to vector<16xi32>
      %add3A_461 = arith.addi %broadcast_in_dim3A_459, %add3A_460 : vector<16xi32>
      tpu.vector_store_idx %arg9[%add3A_457, %add3A_461], %get3A_448 : memref<64x260xi32, #tpu.memory_space<vmem>>[vector<16xi32>, vector<16xi32>], vector<16xi32>,
      %get3A_462 = arith.constant 7 : i32
      %get3A_463 = arith.index_cast %scan3A_211 : i32 to index
      %get3A_464 = arith.index_cast %get3A_462 : i32 to index
      %get3A_465 = arith.constant 0 : index
      %get3A_466 = tpu.vector_load %arg8[%get3A_463, %get3A_464, %get3A_465] {strides = array<i32>} : memref<26x10x32xi32, #tpu.memory_space<vmem>>, vector<16xi32>,
      %add3A_467 = arith.constant 0 : i32
      %add3A_468 = vector.broadcast %add3A_467 : i32 to vector<16xi32>
      %add3A_469 = arith.addi %iota3A, %add3A_468 : vector<16xi32>
      %mul3A_470 = arith.constant 2 : i32
      %mul3A_471 = vector.broadcast %mul3A_470 : i32 to vector<16xi32>
      %mul3A_472 = arith.muli %mul3A_471, %add3A_469 : vector<16xi32>
      %add3A_473 = arith.constant 1 : i32
      %add3A_474 = vector.broadcast %add3A_473 : i32 to vector<16xi32>
      %add3A_475 = arith.addi %mul3A_472, %add3A_474 : vector<16xi32>
      %broadcast_in_dim3A_476 = arith.constant 182 : i32
      %broadcast_in_dim3A_477 = vector.broadcast %broadcast_in_dim3A_476 : i32 to vector<16xi32>
      %add3A_478 = vector.broadcast %scan3A_211 : i32 to vector<16xi32>
      %add3A_479 = arith.addi %broadcast_in_dim3A_477, %add3A_478 : vector<16xi32>
      tpu.vector_store_idx %arg9[%add3A_475, %add3A_479], %get3A_466 : memref<64x260xi32, #tpu.memory_space<vmem>>[vector<16xi32>, vector<16xi32>], vector<16xi32>,
      %get3A_480 = arith.constant 7 : i32
      %get3A_481 = arith.index_cast %scan3A_211 : i32 to index
      %get3A_482 = arith.index_cast %get3A_480 : i32 to index
      %get3A_483 = arith.constant 16 : index
      %get3A_484 = tpu.vector_load %arg8[%get3A_481, %get3A_482, %get3A_483] {strides = array<i32>} : memref<26x10x32xi32, #tpu.memory_space<vmem>>, vector<16xi32>,
      %add3A_485 = arith.constant 16 : i32
      %add3A_486 = vector.broadcast %add3A_485 : i32 to vector<16xi32>
      %add3A_487 = arith.addi %iota3A, %add3A_486 : vector<16xi32>
      %mul3A_488 = arith.constant 2 : i32
      %mul3A_489 = vector.broadcast %mul3A_488 : i32 to vector<16xi32>
      %mul3A_490 = arith.muli %mul3A_489, %add3A_487 : vector<16xi32>
      %add3A_491 = arith.constant 1 : i32
      %add3A_492 = vector.broadcast %add3A_491 : i32 to vector<16xi32>
      %add3A_493 = arith.addi %mul3A_490, %add3A_492 : vector<16xi32>
      %broadcast_in_dim3A_494 = arith.constant 182 : i32
      %broadcast_in_dim3A_495 = vector.broadcast %broadcast_in_dim3A_494 : i32 to vector<16xi32>
      %add3A_496 = vector.broadcast %scan3A_211 : i32 to vector<16xi32>
      %add3A_497 = arith.addi %broadcast_in_dim3A_495, %add3A_496 : vector<16xi32>
      tpu.vector_store_idx %arg9[%add3A_493, %add3A_497], %get3A_484 : memref<64x260xi32, #tpu.memory_space<vmem>>[vector<16xi32>, vector<16xi32>], vector<16xi32>,
      %get3A_498 = arith.constant 8 : i32
      %get3A_499 = arith.index_cast %scan3A_211 : i32 to index
      %get3A_500 = arith.index_cast %get3A_498 : i32 to index
      %get3A_501 = arith.constant 0 : index
      %get3A_502 = tpu.vector_load %arg8[%get3A_499, %get3A_500, %get3A_501] {strides = array<i32>} : memref<26x10x32xi32, #tpu.memory_space<vmem>>, vector<16xi32>,
      %add3A_503 = arith.constant 0 : i32
      %add3A_504 = vector.broadcast %add3A_503 : i32 to vector<16xi32>
      %add3A_505 = arith.addi %iota3A, %add3A_504 : vector<16xi32>
      %mul3A_506 = arith.constant 2 : i32
      %mul3A_507 = vector.broadcast %mul3A_506 : i32 to vector<16xi32>
      %mul3A_508 = arith.muli %mul3A_507, %add3A_505 : vector<16xi32>
      %add3A_509 = arith.constant 1 : i32
      %add3A_510 = vector.broadcast %add3A_509 : i32 to vector<16xi32>
      %add3A_511 = arith.addi %mul3A_508, %add3A_510 : vector<16xi32>
      %broadcast_in_dim3A_512 = arith.constant 208 : i32
      %broadcast_in_dim3A_513 = vector.broadcast %broadcast_in_dim3A_512 : i32 to vector<16xi32>
      %add3A_514 = vector.broadcast %scan3A_211 : i32 to vector<16xi32>
      %add3A_515 = arith.addi %broadcast_in_dim3A_513, %add3A_514 : vector<16xi32>
      tpu.vector_store_idx %arg9[%add3A_511, %add3A_515], %get3A_502 : memref<64x260xi32, #tpu.memory_space<vmem>>[vector<16xi32>, vector<16xi32>], vector<16xi32>,
      %get3A_516 = arith.constant 8 : i32
      %get3A_517 = arith.index_cast %scan3A_211 : i32 to index
      %get3A_518 = arith.index_cast %get3A_516 : i32 to index
      %get3A_519 = arith.constant 16 : index
      %get3A_520 = tpu.vector_load %arg8[%get3A_517, %get3A_518, %get3A_519] {strides = array<i32>} : memref<26x10x32xi32, #tpu.memory_space<vmem>>, vector<16xi32>,
      %add3A_521 = arith.constant 16 : i32
      %add3A_522 = vector.broadcast %add3A_521 : i32 to vector<16xi32>
      %add3A_523 = arith.addi %iota3A, %add3A_522 : vector<16xi32>
      %mul3A_524 = arith.constant 2 : i32
      %mul3A_525 = vector.broadcast %mul3A_524 : i32 to vector<16xi32>
      %mul3A_526 = arith.muli %mul3A_525, %add3A_523 : vector<16xi32>
      %add3A_527 = arith.constant 1 : i32
      %add3A_528 = vector.broadcast %add3A_527 : i32 to vector<16xi32>
      %add3A_529 = arith.addi %mul3A_526, %add3A_528 : vector<16xi32>
      %broadcast_in_dim3A_530 = arith.constant 208 : i32
      %broadcast_in_dim3A_531 = vector.broadcast %broadcast_in_dim3A_530 : i32 to vector<16xi32>
      %add3A_532 = vector.broadcast %scan3A_211 : i32 to vector<16xi32>
      %add3A_533 = arith.addi %broadcast_in_dim3A_531, %add3A_532 : vector<16xi32>
      tpu.vector_store_idx %arg9[%add3A_529, %add3A_533], %get3A_520 : memref<64x260xi32, #tpu.memory_space<vmem>>[vector<16xi32>, vector<16xi32>], vector<16xi32>,
      %get3A_534 = arith.constant 9 : i32
      %get3A_535 = arith.index_cast %scan3A_211 : i32 to index
      %get3A_536 = arith.index_cast %get3A_534 : i32 to index
      %get3A_537 = arith.constant 0 : index
      %get3A_538 = tpu.vector_load %arg8[%get3A_535, %get3A_536, %get3A_537] {strides = array<i32>} : memref<26x10x32xi32, #tpu.memory_space<vmem>>, vector<16xi32>,
      %add3A_539 = arith.constant 0 : i32
      %add3A_540 = vector.broadcast %add3A_539 : i32 to vector<16xi32>
      %add3A_541 = arith.addi %iota3A, %add3A_540 : vector<16xi32>
      %mul3A_542 = arith.constant 2 : i32
      %mul3A_543 = vector.broadcast %mul3A_542 : i32 to vector<16xi32>
      %mul3A_544 = arith.muli %mul3A_543, %add3A_541 : vector<16xi32>
      %add3A_545 = arith.constant 1 : i32
      %add3A_546 = vector.broadcast %add3A_545 : i32 to vector<16xi32>
      %add3A_547 = arith.addi %mul3A_544, %add3A_546 : vector<16xi32>
      %broadcast_in_dim3A_548 = arith.constant 234 : i32
      %broadcast_in_dim3A_549 = vector.broadcast %broadcast_in_dim3A_548 : i32 to vector<16xi32>
      %add3A_550 = vector.broadcast %scan3A_211 : i32 to vector<16xi32>
      %add3A_551 = arith.addi %broadcast_in_dim3A_549, %add3A_550 : vector<16xi32>
      tpu.vector_store_idx %arg9[%add3A_547, %add3A_551], %get3A_538 : memref<64x260xi32, #tpu.memory_space<vmem>>[vector<16xi32>, vector<16xi32>], vector<16xi32>,
      %get3A_552 = arith.constant 9 : i32
      %get3A_553 = arith.index_cast %scan3A_211 : i32 to index
      %get3A_554 = arith.index_cast %get3A_552 : i32 to index
      %get3A_555 = arith.constant 16 : index
      %get3A_556 = tpu.vector_load %arg8[%get3A_553, %get3A_554, %get3A_555] {strides = array<i32>} : memref<26x10x32xi32, #tpu.memory_space<vmem>>, vector<16xi32>,
      %add3A_557 = arith.constant 16 : i32
      %add3A_558 = vector.broadcast %add3A_557 : i32 to vector<16xi32>
      %add3A_559 = arith.addi %iota3A, %add3A_558 : vector<16xi32>
      %mul3A_560 = arith.constant 2 : i32
      %mul3A_561 = vector.broadcast %mul3A_560 : i32 to vector<16xi32>
      %mul3A_562 = arith.muli %mul3A_561, %add3A_559 : vector<16xi32>
      %add3A_563 = arith.constant 1 : i32
      %add3A_564 = vector.broadcast %add3A_563 : i32 to vector<16xi32>
      %add3A_565 = arith.addi %mul3A_562, %add3A_564 : vector<16xi32>
      %broadcast_in_dim3A_566 = arith.constant 234 : i32
      %broadcast_in_dim3A_567 = vector.broadcast %broadcast_in_dim3A_566 : i32 to vector<16xi32>
      %add3A_568 = vector.broadcast %scan3A_211 : i32 to vector<16xi32>
      %add3A_569 = arith.addi %broadcast_in_dim3A_567, %add3A_568 : vector<16xi32>
      tpu.vector_store_idx %arg9[%add3A_565, %add3A_569], %get3A_556 : memref<64x260xi32, #tpu.memory_space<vmem>>[vector<16xi32>, vector<16xi32>], vector<16xi32>,
    }
    %scan3A_13 = arith.constant 26 : i32
    %dma_start3A = arith.constant 0 : i32
    %dma_start3A_14 = arith.constant 0 : i32
    %dma_start3A_15 = arith.constant 0 : i32
    %dma_start3A_16 = arith.constant 0 : i32
    %dma_start3A_17 = arith.constant 0 : i32
    %dma_start3A_18 = tpu.memref_slice %arg7[%dma_start3A_14, %dma_start3A_16, %dma_start3A_17] : memref<4x260x64xf32, #tpu.memory_space<vmem>> -> memref<1x64x64xf32, #tpu.memory_space<vmem>>
    %dma_start3A_19 = tpu.memref_squeeze %dma_start3A_18 : memref<1x64x64xf32, #tpu.memory_space<vmem>> -> memref<64x64xf32, #tpu.memory_space<vmem>>
    %dma_start3A_20 = arith.constant 0 : i32
    %dma_start3A_21 = tpu.memref_slice %arg9[%dma_start3A, %dma_start3A_20] : memref<64x260xi32, #tpu.memory_space<vmem>> -> memref<1x64xi32, #tpu.memory_space<vmem>>
    %dma_start3A_22 = tpu.memref_squeeze %dma_start3A_21 : memref<1x64xi32, #tpu.memory_space<vmem>> -> memref<64xi32, #tpu.memory_space<vmem>>
    %dma_start3A_23 = arith.constant 0 : i32
    %dma_start3A_24 = arith.constant 0 : i32
    %dma_start3A_25 = tpu.memref_slice %arg3[%dma_start3A_23, %dma_start3A_24] : memref<1000000x64xf32, #tpu.memory_space<hbm>> -> memref<1000000x64xf32, #tpu.memory_space<hbm>>
    %dma_start3A_26 = tpu.memref_slice %arg10[%dma_start3A_15] : memref<4x!tpu.dma_semaphore, #tpu.memory_space<semaphore_mem>> -> memref<1x!tpu.dma_semaphore, #tpu.memory_space<semaphore_mem>>
    %dma_start3A_27 = tpu.memref_squeeze %dma_start3A_26 : memref<1x!tpu.dma_semaphore, #tpu.memory_space<semaphore_mem>> -> memref<!tpu.dma_semaphore, #tpu.memory_space<semaphore_mem>>
    tpu.enqueue_indirect_dma source(%dma_start3A_25 : memref<1000000x64xf32, #tpu.memory_space<hbm>>) target(%dma_start3A_19 : memref<64x64xf32, #tpu.memory_space<vmem>>) offsets(%dma_start3A_22 : memref<64xi32, #tpu.memory_space<vmem>>) semaphore(%dma_start3A_27 : memref<!tpu.dma_semaphore, #tpu.memory_space<semaphore_mem>>)
    %dma_start3A_28 = arith.constant 0 : i32
    %dma_start3A_29 = arith.constant 0 : i32
    %dma_start3A_30 = arith.constant 0 : i32
    %dma_start3A_31 = arith.constant 64 : i32
    %dma_start3A_32 = arith.constant 0 : i32
    %dma_start3A_33 = tpu.memref_slice %arg7[%dma_start3A_29, %dma_start3A_31, %dma_start3A_32] : memref<4x260x64xf32, #tpu.memory_space<vmem>> -> memref<1x64x64xf32, #tpu.memory_space<vmem>>
    %dma_start3A_34 = tpu.memref_squeeze %dma_start3A_33 : memref<1x64x64xf32, #tpu.memory_space<vmem>> -> memref<64x64xf32, #tpu.memory_space<vmem>>
    %dma_start3A_35 = arith.constant 64 : i32
    %dma_start3A_36 = tpu.memref_slice %arg9[%dma_start3A_28, %dma_start3A_35] : memref<64x260xi32, #tpu.memory_space<vmem>> -> memref<1x64xi32, #tpu.memory_space<vmem>>
    %dma_start3A_37 = tpu.memref_squeeze %dma_start3A_36 : memref<1x64xi32, #tpu.memory_space<vmem>> -> memref<64xi32, #tpu.memory_space<vmem>>
    %dma_start3A_38 = arith.constant 0 : i32
    %dma_start3A_39 = arith.constant 0 : i32
    %dma_start3A_40 = tpu.memref_slice %arg3[%dma_start3A_38, %dma_start3A_39] : memref<1000000x64xf32, #tpu.memory_space<hbm>> -> memref<1000000x64xf32, #tpu.memory_space<hbm>>
    %dma_start3A_41 = tpu.memref_slice %arg10[%dma_start3A_30] : memref<4x!tpu.dma_semaphore, #tpu.memory_space<semaphore_mem>> -> memref<1x!tpu.dma_semaphore, #tpu.memory_space<semaphore_mem>>
    %dma_start3A_42 = tpu.memref_squeeze %dma_start3A_41 : memref<1x!tpu.dma_semaphore, #tpu.memory_space<semaphore_mem>> -> memref<!tpu.dma_semaphore, #tpu.memory_space<semaphore_mem>>
    tpu.enqueue_indirect_dma source(%dma_start3A_40 : memref<1000000x64xf32, #tpu.memory_space<hbm>>) target(%dma_start3A_34 : memref<64x64xf32, #tpu.memory_space<vmem>>) offsets(%dma_start3A_37 : memref<64xi32, #tpu.memory_space<vmem>>) semaphore(%dma_start3A_42 : memref<!tpu.dma_semaphore, #tpu.memory_space<semaphore_mem>>)
    %dma_start3A_43 = arith.constant 0 : i32
    %dma_start3A_44 = arith.constant 0 : i32
    %dma_start3A_45 = arith.constant 0 : i32
    %dma_start3A_46 = arith.constant 128 : i32
    %dma_start3A_47 = arith.constant 0 : i32
    %dma_start3A_48 = tpu.memref_slice %arg7[%dma_start3A_44, %dma_start3A_46, %dma_start3A_47] : memref<4x260x64xf32, #tpu.memory_space<vmem>> -> memref<1x64x64xf32, #tpu.memory_space<vmem>>
    %dma_start3A_49 = tpu.memref_squeeze %dma_start3A_48 : memref<1x64x64xf32, #tpu.memory_space<vmem>> -> memref<64x64xf32, #tpu.memory_space<vmem>>
    %dma_start3A_50 = arith.constant 128 : i32
    %dma_start3A_51 = tpu.memref_slice %arg9[%dma_start3A_43, %dma_start3A_50] : memref<64x260xi32, #tpu.memory_space<vmem>> -> memref<1x64xi32, #tpu.memory_space<vmem>>
    %dma_start3A_52 = tpu.memref_squeeze %dma_start3A_51 : memref<1x64xi32, #tpu.memory_space<vmem>> -> memref<64xi32, #tpu.memory_space<vmem>>
    %dma_start3A_53 = arith.constant 0 : i32
    %dma_start3A_54 = arith.constant 0 : i32
    %dma_start3A_55 = tpu.memref_slice %arg3[%dma_start3A_53, %dma_start3A_54] : memref<1000000x64xf32, #tpu.memory_space<hbm>> -> memref<1000000x64xf32, #tpu.memory_space<hbm>>
    %dma_start3A_56 = tpu.memref_slice %arg10[%dma_start3A_45] : memref<4x!tpu.dma_semaphore, #tpu.memory_space<semaphore_mem>> -> memref<1x!tpu.dma_semaphore, #tpu.memory_space<semaphore_mem>>
    %dma_start3A_57 = tpu.memref_squeeze %dma_start3A_56 : memref<1x!tpu.dma_semaphore, #tpu.memory_space<semaphore_mem>> -> memref<!tpu.dma_semaphore, #tpu.memory_space<semaphore_mem>>
    tpu.enqueue_indirect_dma source(%dma_start3A_55 : memref<1000000x64xf32, #tpu.memory_space<hbm>>) target(%dma_start3A_49 : memref<64x64xf32, #tpu.memory_space<vmem>>) offsets(%dma_start3A_52 : memref<64xi32, #tpu.memory_space<vmem>>) semaphore(%dma_start3A_57 : memref<!tpu.dma_semaphore, #tpu.memory_space<semaphore_mem>>)
    %dma_start3A_58 = arith.constant 0 : i32
    %dma_start3A_59 = arith.constant 0 : i32
    %dma_start3A_60 = arith.constant 0 : i32
    %dma_start3A_61 = arith.constant 192 : i32
    %dma_start3A_62 = arith.constant 0 : i32
    %dma_start3A_63 = tpu.memref_slice %arg7[%dma_start3A_59, %dma_start3A_61, %dma_start3A_62] : memref<4x260x64xf32, #tpu.memory_space<vmem>> -> memref<1x64x64xf32, #tpu.memory_space<vmem>>
    %dma_start3A_64 = tpu.memref_squeeze %dma_start3A_63 : memref<1x64x64xf32, #tpu.memory_space<vmem>> -> memref<64x64xf32, #tpu.memory_space<vmem>>
    %dma_start3A_65 = arith.constant 192 : i32
    %dma_start3A_66 = tpu.memref_slice %arg9[%dma_start3A_58, %dma_start3A_65] : memref<64x260xi32, #tpu.memory_space<vmem>> -> memref<1x64xi32, #tpu.memory_space<vmem>>
    %dma_start3A_67 = tpu.memref_squeeze %dma_start3A_66 : memref<1x64xi32, #tpu.memory_space<vmem>> -> memref<64xi32, #tpu.memory_space<vmem>>
    %dma_start3A_68 = arith.constant 0 : i32
    %dma_start3A_69 = arith.constant 0 : i32
    %dma_start3A_70 = tpu.memref_slice %arg3[%dma_start3A_68, %dma_start3A_69] : memref<1000000x64xf32, #tpu.memory_space<hbm>> -> memref<1000000x64xf32, #tpu.memory_space<hbm>>
    %dma_start3A_71 = tpu.memref_slice %arg10[%dma_start3A_60] : memref<4x!tpu.dma_semaphore, #tpu.memory_space<semaphore_mem>> -> memref<1x!tpu.dma_semaphore, #tpu.memory_space<semaphore_mem>>
    %dma_start3A_72 = tpu.memref_squeeze %dma_start3A_71 : memref<1x!tpu.dma_semaphore, #tpu.memory_space<semaphore_mem>> -> memref<!tpu.dma_semaphore, #tpu.memory_space<semaphore_mem>>
    tpu.enqueue_indirect_dma source(%dma_start3A_70 : memref<1000000x64xf32, #tpu.memory_space<hbm>>) target(%dma_start3A_64 : memref<64x64xf32, #tpu.memory_space<vmem>>) offsets(%dma_start3A_67 : memref<64xi32, #tpu.memory_space<vmem>>) semaphore(%dma_start3A_72 : memref<!tpu.dma_semaphore, #tpu.memory_space<semaphore_mem>>)
    %dma_start3A_73 = arith.constant 0 : i32
    %dma_start3A_74 = arith.constant 0 : i32
    %dma_start3A_75 = arith.constant 0 : i32
    %dma_start3A_76 = arith.constant 256 : i32
    %dma_start3A_77 = arith.constant 0 : i32
    %dma_start3A_78 = tpu.memref_slice %arg7[%dma_start3A_74, %dma_start3A_76, %dma_start3A_77] : memref<4x260x64xf32, #tpu.memory_space<vmem>> -> memref<1x4x64xf32, #tpu.memory_space<vmem>>
    %dma_start3A_79 = tpu.memref_squeeze %dma_start3A_78 : memref<1x4x64xf32, #tpu.memory_space<vmem>> -> memref<4x64xf32, #tpu.memory_space<vmem>>
    %dma_start3A_80 = arith.constant 256 : i32
    %dma_start3A_81 = tpu.memref_slice %arg9[%dma_start3A_73, %dma_start3A_80] : memref<64x260xi32, #tpu.memory_space<vmem>> -> memref<1x4xi32, #tpu.memory_space<vmem>>
    %dma_start3A_82 = tpu.memref_squeeze %dma_start3A_81 : memref<1x4xi32, #tpu.memory_space<vmem>> -> memref<4xi32, #tpu.memory_space<vmem>>
    %dma_start3A_83 = arith.constant 0 : i32
    %dma_start3A_84 = arith.constant 0 : i32
    %dma_start3A_85 = tpu.memref_slice %arg3[%dma_start3A_83, %dma_start3A_84] : memref<1000000x64xf32, #tpu.memory_space<hbm>> -> memref<1000000x64xf32, #tpu.memory_space<hbm>>
    %dma_start3A_86 = tpu.memref_slice %arg10[%dma_start3A_75] : memref<4x!tpu.dma_semaphore, #tpu.memory_space<semaphore_mem>> -> memref<1x!tpu.dma_semaphore, #tpu.memory_space<semaphore_mem>>
    %dma_start3A_87 = tpu.memref_squeeze %dma_start3A_86 : memref<1x!tpu.dma_semaphore, #tpu.memory_space<semaphore_mem>> -> memref<!tpu.dma_semaphore, #tpu.memory_space<semaphore_mem>>
    tpu.enqueue_indirect_dma source(%dma_start3A_85 : memref<1000000x64xf32, #tpu.memory_space<hbm>>) target(%dma_start3A_79 : memref<4x64xf32, #tpu.memory_space<vmem>>) offsets(%dma_start3A_82 : memref<4xi32, #tpu.memory_space<vmem>>) semaphore(%dma_start3A_87 : memref<!tpu.dma_semaphore, #tpu.memory_space<semaphore_mem>>)
    %dma_start3A_88 = arith.constant 1 : i32
    %dma_start3A_89 = arith.constant 1 : i32
    %dma_start3A_90 = arith.constant 1 : i32
    %dma_start3A_91 = arith.constant 0 : i32
    %dma_start3A_92 = arith.constant 0 : i32
    %dma_start3A_93 = tpu.memref_slice %arg7[%dma_start3A_89, %dma_start3A_91, %dma_start3A_92] : memref<4x260x64xf32, #tpu.memory_space<vmem>> -> memref<1x64x64xf32, #tpu.memory_space<vmem>>
    %dma_start3A_94 = tpu.memref_squeeze %dma_start3A_93 : memref<1x64x64xf32, #tpu.memory_space<vmem>> -> memref<64x64xf32, #tpu.memory_space<vmem>>
    %dma_start3A_95 = arith.constant 0 : i32
    %dma_start3A_96 = tpu.memref_slice %arg9[%dma_start3A_88, %dma_start3A_95] : memref<64x260xi32, #tpu.memory_space<vmem>> -> memref<1x64xi32, #tpu.memory_space<vmem>>
    %dma_start3A_97 = tpu.memref_squeeze %dma_start3A_96 : memref<1x64xi32, #tpu.memory_space<vmem>> -> memref<64xi32, #tpu.memory_space<vmem>>
    %dma_start3A_98 = arith.constant 0 : i32
    %dma_start3A_99 = arith.constant 0 : i32
    %dma_start3A_100 = tpu.memref_slice %arg3[%dma_start3A_98, %dma_start3A_99] : memref<1000000x64xf32, #tpu.memory_space<hbm>> -> memref<1000000x64xf32, #tpu.memory_space<hbm>>
    %dma_start3A_101 = tpu.memref_slice %arg10[%dma_start3A_90] : memref<4x!tpu.dma_semaphore, #tpu.memory_space<semaphore_mem>> -> memref<1x!tpu.dma_semaphore, #tpu.memory_space<semaphore_mem>>
    %dma_start3A_102 = tpu.memref_squeeze %dma_start3A_101 : memref<1x!tpu.dma_semaphore, #tpu.memory_space<semaphore_mem>> -> memref<!tpu.dma_semaphore, #tpu.memory_space<semaphore_mem>>
    tpu.enqueue_indirect_dma source(%dma_start3A_100 : memref<1000000x64xf32, #tpu.memory_space<hbm>>) target(%dma_start3A_94 : memref<64x64xf32, #tpu.memory_space<vmem>>) offsets(%dma_start3A_97 : memref<64xi32, #tpu.memory_space<vmem>>) semaphore(%dma_start3A_102 : memref<!tpu.dma_semaphore, #tpu.memory_space<semaphore_mem>>)
    %dma_start3A_103 = arith.constant 1 : i32
    %dma_start3A_104 = arith.constant 1 : i32
    %dma_start3A_105 = arith.constant 1 : i32
    %dma_start3A_106 = arith.constant 64 : i32
    %dma_start3A_107 = arith.constant 0 : i32
    %dma_start3A_108 = tpu.memref_slice %arg7[%dma_start3A_104, %dma_start3A_106, %dma_start3A_107] : memref<4x260x64xf32, #tpu.memory_space<vmem>> -> memref<1x64x64xf32, #tpu.memory_space<vmem>>
    %dma_start3A_109 = tpu.memref_squeeze %dma_start3A_108 : memref<1x64x64xf32, #tpu.memory_space<vmem>> -> memref<64x64xf32, #tpu.memory_space<vmem>>
    %dma_start3A_110 = arith.constant 64 : i32
    %dma_start3A_111 = tpu.memref_slice %arg9[%dma_start3A_103, %dma_start3A_110] : memref<64x260xi32, #tpu.memory_space<vmem>> -> memref<1x64xi32, #tpu.memory_space<vmem>>
    %dma_start3A_112 = tpu.memref_squeeze %dma_start3A_111 : memref<1x64xi32, #tpu.memory_space<vmem>> -> memref<64xi32, #tpu.memory_space<vmem>>
    %dma_start3A_113 = arith.constant 0 : i32
    %dma_start3A_114 = arith.constant 0 : i32
    %dma_start3A_115 = tpu.memref_slice %arg3[%dma_start3A_113, %dma_start3A_114] : memref<1000000x64xf32, #tpu.memory_space<hbm>> -> memref<1000000x64xf32, #tpu.memory_space<hbm>>
    %dma_start3A_116 = tpu.memref_slice %arg10[%dma_start3A_105] : memref<4x!tpu.dma_semaphore, #tpu.memory_space<semaphore_mem>> -> memref<1x!tpu.dma_semaphore, #tpu.memory_space<semaphore_mem>>
    %dma_start3A_117 = tpu.memref_squeeze %dma_start3A_116 : memref<1x!tpu.dma_semaphore, #tpu.memory_space<semaphore_mem>> -> memref<!tpu.dma_semaphore, #tpu.memory_space<semaphore_mem>>
    tpu.enqueue_indirect_dma source(%dma_start3A_115 : memref<1000000x64xf32, #tpu.memory_space<hbm>>) target(%dma_start3A_109 : memref<64x64xf32, #tpu.memory_space<vmem>>) offsets(%dma_start3A_112 : memref<64xi32, #tpu.memory_space<vmem>>) semaphore(%dma_start3A_117 : memref<!tpu.dma_semaphore, #tpu.memory_space<semaphore_mem>>)
    %dma_start3A_118 = arith.constant 1 : i32
    %dma_start3A_119 = arith.constant 1 : i32
    %dma_start3A_120 = arith.constant 1 : i32
    %dma_start3A_121 = arith.constant 128 : i32
    %dma_start3A_122 = arith.constant 0 : i32
    %dma_start3A_123 = tpu.memref_slice %arg7[%dma_start3A_119, %dma_start3A_121, %dma_start3A_122] : memref<4x260x64xf32, #tpu.memory_space<vmem>> -> memref<1x64x64xf32, #tpu.memory_space<vmem>>
    %dma_start3A_124 = tpu.memref_squeeze %dma_start3A_123 : memref<1x64x64xf32, #tpu.memory_space<vmem>> -> memref<64x64xf32, #tpu.memory_space<vmem>>
    %dma_start3A_125 = arith.constant 128 : i32
    %dma_start3A_126 = tpu.memref_slice %arg9[%dma_start3A_118, %dma_start3A_125] : memref<64x260xi32, #tpu.memory_space<vmem>> -> memref<1x64xi32, #tpu.memory_space<vmem>>
    %dma_start3A_127 = tpu.memref_squeeze %dma_start3A_126 : memref<1x64xi32, #tpu.memory_space<vmem>> -> memref<64xi32, #tpu.memory_space<vmem>>
    %dma_start3A_128 = arith.constant 0 : i32
    %dma_start3A_129 = arith.constant 0 : i32
    %dma_start3A_130 = tpu.memref_slice %arg3[%dma_start3A_128, %dma_start3A_129] : memref<1000000x64xf32, #tpu.memory_space<hbm>> -> memref<1000000x64xf32, #tpu.memory_space<hbm>>
    %dma_start3A_131 = tpu.memref_slice %arg10[%dma_start3A_120] : memref<4x!tpu.dma_semaphore, #tpu.memory_space<semaphore_mem>> -> memref<1x!tpu.dma_semaphore, #tpu.memory_space<semaphore_mem>>
    %dma_start3A_132 = tpu.memref_squeeze %dma_start3A_131 : memref<1x!tpu.dma_semaphore, #tpu.memory_space<semaphore_mem>> -> memref<!tpu.dma_semaphore, #tpu.memory_space<semaphore_mem>>
    tpu.enqueue_indirect_dma source(%dma_start3A_130 : memref<1000000x64xf32, #tpu.memory_space<hbm>>) target(%dma_start3A_124 : memref<64x64xf32, #tpu.memory_space<vmem>>) offsets(%dma_start3A_127 : memref<64xi32, #tpu.memory_space<vmem>>) semaphore(%dma_start3A_132 : memref<!tpu.dma_semaphore, #tpu.memory_space<semaphore_mem>>)
    %dma_start3A_133 = arith.constant 1 : i32
    %dma_start3A_134 = arith.constant 1 : i32
    %dma_start3A_135 = arith.constant 1 : i32
    %dma_start3A_136 = arith.constant 192 : i32
    %dma_start3A_137 = arith.constant 0 : i32
    %dma_start3A_138 = tpu.memref_slice %arg7[%dma_start3A_134, %dma_start3A_136, %dma_start3A_137] : memref<4x260x64xf32, #tpu.memory_space<vmem>> -> memref<1x64x64xf32, #tpu.memory_space<vmem>>
    %dma_start3A_139 = tpu.memref_squeeze %dma_start3A_138 : memref<1x64x64xf32, #tpu.memory_space<vmem>> -> memref<64x64xf32, #tpu.memory_space<vmem>>
    %dma_start3A_140 = arith.constant 192 : i32
    %dma_start3A_141 = tpu.memref_slice %arg9[%dma_start3A_133, %dma_start3A_140] : memref<64x260xi32, #tpu.memory_space<vmem>> -> memref<1x64xi32, #tpu.memory_space<vmem>>
    %dma_start3A_142 = tpu.memref_squeeze %dma_start3A_141 : memref<1x64xi32, #tpu.memory_space<vmem>> -> memref<64xi32, #tpu.memory_space<vmem>>
    %dma_start3A_143 = arith.constant 0 : i32
    %dma_start3A_144 = arith.constant 0 : i32
    %dma_start3A_145 = tpu.memref_slice %arg3[%dma_start3A_143, %dma_start3A_144] : memref<1000000x64xf32, #tpu.memory_space<hbm>> -> memref<1000000x64xf32, #tpu.memory_space<hbm>>
    %dma_start3A_146 = tpu.memref_slice %arg10[%dma_start3A_135] : memref<4x!tpu.dma_semaphore, #tpu.memory_space<semaphore_mem>> -> memref<1x!tpu.dma_semaphore, #tpu.memory_space<semaphore_mem>>
    %dma_start3A_147 = tpu.memref_squeeze %dma_start3A_146 : memref<1x!tpu.dma_semaphore, #tpu.memory_space<semaphore_mem>> -> memref<!tpu.dma_semaphore, #tpu.memory_space<semaphore_mem>>
    tpu.enqueue_indirect_dma source(%dma_start3A_145 : memref<1000000x64xf32, #tpu.memory_space<hbm>>) target(%dma_start3A_139 : memref<64x64xf32, #tpu.memory_space<vmem>>) offsets(%dma_start3A_142 : memref<64xi32, #tpu.memory_space<vmem>>) semaphore(%dma_start3A_147 : memref<!tpu.dma_semaphore, #tpu.memory_space<semaphore_mem>>)
    %dma_start3A_148 = arith.constant 1 : i32
    %dma_start3A_149 = arith.constant 1 : i32
    %dma_start3A_150 = arith.constant 1 : i32
    %dma_start3A_151 = arith.constant 256 : i32
    %dma_start3A_152 = arith.constant 0 : i32
    %dma_start3A_153 = tpu.memref_slice %arg7[%dma_start3A_149, %dma_start3A_151, %dma_start3A_152] : memref<4x260x64xf32, #tpu.memory_space<vmem>> -> memref<1x4x64xf32, #tpu.memory_space<vmem>>
    %dma_start3A_154 = tpu.memref_squeeze %dma_start3A_153 : memref<1x4x64xf32, #tpu.memory_space<vmem>> -> memref<4x64xf32, #tpu.memory_space<vmem>>
    %dma_start3A_155 = arith.constant 256 : i32
    %dma_start3A_156 = tpu.memref_slice %arg9[%dma_start3A_148, %dma_start3A_155] : memref<64x260xi32, #tpu.memory_space<vmem>> -> memref<1x4xi32, #tpu.memory_space<vmem>>
    %dma_start3A_157 = tpu.memref_squeeze %dma_start3A_156 : memref<1x4xi32, #tpu.memory_space<vmem>> -> memref<4xi32, #tpu.memory_space<vmem>>
    %dma_start3A_158 = arith.constant 0 : i32
    %dma_start3A_159 = arith.constant 0 : i32
    %dma_start3A_160 = tpu.memref_slice %arg3[%dma_start3A_158, %dma_start3A_159] : memref<1000000x64xf32, #tpu.memory_space<hbm>> -> memref<1000000x64xf32, #tpu.memory_space<hbm>>
    %dma_start3A_161 = tpu.memref_slice %arg10[%dma_start3A_150] : memref<4x!tpu.dma_semaphore, #tpu.memory_space<semaphore_mem>> -> memref<1x!tpu.dma_semaphore, #tpu.memory_space<semaphore_mem>>
    %dma_start3A_162 = tpu.memref_squeeze %dma_start3A_161 : memref<1x!tpu.dma_semaphore, #tpu.memory_space<semaphore_mem>> -> memref<!tpu.dma_semaphore, #tpu.memory_space<semaphore_mem>>
    tpu.enqueue_indirect_dma source(%dma_start3A_160 : memref<1000000x64xf32, #tpu.memory_space<hbm>>) target(%dma_start3A_154 : memref<4x64xf32, #tpu.memory_space<vmem>>) offsets(%dma_start3A_157 : memref<4xi32, #tpu.memory_space<vmem>>) semaphore(%dma_start3A_162 : memref<!tpu.dma_semaphore, #tpu.memory_space<semaphore_mem>>)
    %scan3A_163 = arith.constant 0 : i32
    %scan3A_164 = arith.constant 0 : i32
    %scan3A_165 = arith.constant 16 : i32
    %scan3A_166 = arith.addi %scan3A_164, %scan3A_165 : i32
    %scan3A_167 = arith.constant 1 : i32
    scf.for %scan3A_211 = %scan3A_164 to %scan3A_166 step %scan3A_167  : i32 {
      %mul3A_212 = arith.constant 2 : i32
      %mul3A_213 = arith.muli %mul3A_212, %scan3A_211 : i32
      %add3A_214 = arith.addi %mul3A_2, %mul3A_213 : i32
      %add3A_215 = arith.constant 0 : i32
      %add3A_216 = arith.addi %add3A_214, %add3A_215 : i32
      %mul3A_217 = arith.constant 4 : i32
      %mul3A_218 = arith.muli %mul3A_217, %scan3A_211 : i32
      %add3A_219 = arith.constant 0 : i32
      %add3A_220 = arith.addi %mul3A_218, %add3A_219 : i32
      %dma_wait3A_221 = arith.constant 0 : i32
      %dma_wait3A_222 = arith.constant 0 : i32
      %dma_wait3A_223 = arith.constant 0 : i32
      %dma_wait3A_224 = arith.constant 0 : i32
      %dma_wait3A_225 = tpu.memref_slice %arg7[%dma_wait3A_221, %dma_wait3A_223, %dma_wait3A_224] : memref<4x260x64xf32, #tpu.memory_space<vmem>> -> memref<1x64x64xf32, #tpu.memory_space<vmem>>
      %dma_wait3A_226 = tpu.memref_squeeze %dma_wait3A_225 : memref<1x64x64xf32, #tpu.memory_space<vmem>> -> memref<64x64xf32, #tpu.memory_space<vmem>>
      %dma_wait3A_227 = arith.constant 0 : i32
      %dma_wait3A_228 = tpu.memref_slice %arg9[%add3A_220, %dma_wait3A_227] : memref<64x260xi32, #tpu.memory_space<vmem>> -> memref<1x64xi32, #tpu.memory_space<vmem>>
      %dma_wait3A_229 = tpu.memref_squeeze %dma_wait3A_228 : memref<1x64xi32, #tpu.memory_space<vmem>> -> memref<64xi32, #tpu.memory_space<vmem>>
      %dma_wait3A_230 = arith.constant 0 : i32
      %dma_wait3A_231 = arith.constant 0 : i32
      %dma_wait3A_232 = tpu.memref_slice %arg3[%dma_wait3A_230, %dma_wait3A_231] : memref<1000000x64xf32, #tpu.memory_space<hbm>> -> memref<1000000x64xf32, #tpu.memory_space<hbm>>
      %dma_wait3A_233 = tpu.memref_slice %arg10[%dma_wait3A_222] : memref<4x!tpu.dma_semaphore, #tpu.memory_space<semaphore_mem>> -> memref<1x!tpu.dma_semaphore, #tpu.memory_space<semaphore_mem>>
      %dma_wait3A_234 = tpu.memref_squeeze %dma_wait3A_233 : memref<1x!tpu.dma_semaphore, #tpu.memory_space<semaphore_mem>> -> memref<!tpu.dma_semaphore, #tpu.memory_space<semaphore_mem>>
      tpu.wait_indirect_dma semaphore(%dma_wait3A_234 : memref<!tpu.dma_semaphore, #tpu.memory_space<semaphore_mem>>) src(%dma_wait3A_232 : memref<1000000x64xf32, #tpu.memory_space<hbm>>) dst(%dma_wait3A_226 : memref<64x64xf32, #tpu.memory_space<vmem>>)
      %dma_wait3A_235 = arith.constant 0 : i32
      %dma_wait3A_236 = arith.constant 0 : i32
      %dma_wait3A_237 = arith.constant 64 : i32
      %dma_wait3A_238 = arith.constant 0 : i32
      %dma_wait3A_239 = tpu.memref_slice %arg7[%dma_wait3A_235, %dma_wait3A_237, %dma_wait3A_238] : memref<4x260x64xf32, #tpu.memory_space<vmem>> -> memref<1x64x64xf32, #tpu.memory_space<vmem>>
      %dma_wait3A_240 = tpu.memref_squeeze %dma_wait3A_239 : memref<1x64x64xf32, #tpu.memory_space<vmem>> -> memref<64x64xf32, #tpu.memory_space<vmem>>
      %dma_wait3A_241 = arith.constant 64 : i32
      %dma_wait3A_242 = tpu.memref_slice %arg9[%add3A_220, %dma_wait3A_241] : memref<64x260xi32, #tpu.memory_space<vmem>> -> memref<1x64xi32, #tpu.memory_space<vmem>>
      %dma_wait3A_243 = tpu.memref_squeeze %dma_wait3A_242 : memref<1x64xi32, #tpu.memory_space<vmem>> -> memref<64xi32, #tpu.memory_space<vmem>>
      %dma_wait3A_244 = arith.constant 0 : i32
      %dma_wait3A_245 = arith.constant 0 : i32
      %dma_wait3A_246 = tpu.memref_slice %arg3[%dma_wait3A_244, %dma_wait3A_245] : memref<1000000x64xf32, #tpu.memory_space<hbm>> -> memref<1000000x64xf32, #tpu.memory_space<hbm>>
      %dma_wait3A_247 = tpu.memref_slice %arg10[%dma_wait3A_236] : memref<4x!tpu.dma_semaphore, #tpu.memory_space<semaphore_mem>> -> memref<1x!tpu.dma_semaphore, #tpu.memory_space<semaphore_mem>>
      %dma_wait3A_248 = tpu.memref_squeeze %dma_wait3A_247 : memref<1x!tpu.dma_semaphore, #tpu.memory_space<semaphore_mem>> -> memref<!tpu.dma_semaphore, #tpu.memory_space<semaphore_mem>>
      tpu.wait_indirect_dma semaphore(%dma_wait3A_248 : memref<!tpu.dma_semaphore, #tpu.memory_space<semaphore_mem>>) src(%dma_wait3A_246 : memref<1000000x64xf32, #tpu.memory_space<hbm>>) dst(%dma_wait3A_240 : memref<64x64xf32, #tpu.memory_space<vmem>>)
      %dma_wait3A_249 = arith.constant 0 : i32
      %dma_wait3A_250 = arith.constant 0 : i32
      %dma_wait3A_251 = arith.constant 128 : i32
      %dma_wait3A_252 = arith.constant 0 : i32
      %dma_wait3A_253 = tpu.memref_slice %arg7[%dma_wait3A_249, %dma_wait3A_251, %dma_wait3A_252] : memref<4x260x64xf32, #tpu.memory_space<vmem>> -> memref<1x64x64xf32, #tpu.memory_space<vmem>>
      %dma_wait3A_254 = tpu.memref_squeeze %dma_wait3A_253 : memref<1x64x64xf32, #tpu.memory_space<vmem>> -> memref<64x64xf32, #tpu.memory_space<vmem>>
      %dma_wait3A_255 = arith.constant 128 : i32
      %dma_wait3A_256 = tpu.memref_slice %arg9[%add3A_220, %dma_wait3A_255] : memref<64x260xi32, #tpu.memory_space<vmem>> -> memref<1x64xi32, #tpu.memory_space<vmem>>
      %dma_wait3A_257 = tpu.memref_squeeze %dma_wait3A_256 : memref<1x64xi32, #tpu.memory_space<vmem>> -> memref<64xi32, #tpu.memory_space<vmem>>
      %dma_wait3A_258 = arith.constant 0 : i32
      %dma_wait3A_259 = arith.constant 0 : i32
      %dma_wait3A_260 = tpu.memref_slice %arg3[%dma_wait3A_258, %dma_wait3A_259] : memref<1000000x64xf32, #tpu.memory_space<hbm>> -> memref<1000000x64xf32, #tpu.memory_space<hbm>>
      %dma_wait3A_261 = tpu.memref_slice %arg10[%dma_wait3A_250] : memref<4x!tpu.dma_semaphore, #tpu.memory_space<semaphore_mem>> -> memref<1x!tpu.dma_semaphore, #tpu.memory_space<semaphore_mem>>
      %dma_wait3A_262 = tpu.memref_squeeze %dma_wait3A_261 : memref<1x!tpu.dma_semaphore, #tpu.memory_space<semaphore_mem>> -> memref<!tpu.dma_semaphore, #tpu.memory_space<semaphore_mem>>
      tpu.wait_indirect_dma semaphore(%dma_wait3A_262 : memref<!tpu.dma_semaphore, #tpu.memory_space<semaphore_mem>>) src(%dma_wait3A_260 : memref<1000000x64xf32, #tpu.memory_space<hbm>>) dst(%dma_wait3A_254 : memref<64x64xf32, #tpu.memory_space<vmem>>)
      %dma_wait3A_263 = arith.constant 0 : i32
      %dma_wait3A_264 = arith.constant 0 : i32
      %dma_wait3A_265 = arith.constant 192 : i32
      %dma_wait3A_266 = arith.constant 0 : i32
      %dma_wait3A_267 = tpu.memref_slice %arg7[%dma_wait3A_263, %dma_wait3A_265, %dma_wait3A_266] : memref<4x260x64xf32, #tpu.memory_space<vmem>> -> memref<1x64x64xf32, #tpu.memory_space<vmem>>
      %dma_wait3A_268 = tpu.memref_squeeze %dma_wait3A_267 : memref<1x64x64xf32, #tpu.memory_space<vmem>> -> memref<64x64xf32, #tpu.memory_space<vmem>>
      %dma_wait3A_269 = arith.constant 192 : i32
      %dma_wait3A_270 = tpu.memref_slice %arg9[%add3A_220, %dma_wait3A_269] : memref<64x260xi32, #tpu.memory_space<vmem>> -> memref<1x64xi32, #tpu.memory_space<vmem>>
      %dma_wait3A_271 = tpu.memref_squeeze %dma_wait3A_270 : memref<1x64xi32, #tpu.memory_space<vmem>> -> memref<64xi32, #tpu.memory_space<vmem>>
      %dma_wait3A_272 = arith.constant 0 : i32
      %dma_wait3A_273 = arith.constant 0 : i32
      %dma_wait3A_274 = tpu.memref_slice %arg3[%dma_wait3A_272, %dma_wait3A_273] : memref<1000000x64xf32, #tpu.memory_space<hbm>> -> memref<1000000x64xf32, #tpu.memory_space<hbm>>
      %dma_wait3A_275 = tpu.memref_slice %arg10[%dma_wait3A_264] : memref<4x!tpu.dma_semaphore, #tpu.memory_space<semaphore_mem>> -> memref<1x!tpu.dma_semaphore, #tpu.memory_space<semaphore_mem>>
      %dma_wait3A_276 = tpu.memref_squeeze %dma_wait3A_275 : memref<1x!tpu.dma_semaphore, #tpu.memory_space<semaphore_mem>> -> memref<!tpu.dma_semaphore, #tpu.memory_space<semaphore_mem>>
      tpu.wait_indirect_dma semaphore(%dma_wait3A_276 : memref<!tpu.dma_semaphore, #tpu.memory_space<semaphore_mem>>) src(%dma_wait3A_274 : memref<1000000x64xf32, #tpu.memory_space<hbm>>) dst(%dma_wait3A_268 : memref<64x64xf32, #tpu.memory_space<vmem>>)
      %dma_wait3A_277 = arith.constant 0 : i32
      %dma_wait3A_278 = arith.constant 0 : i32
      %dma_wait3A_279 = arith.constant 256 : i32
      %dma_wait3A_280 = arith.constant 0 : i32
      %dma_wait3A_281 = tpu.memref_slice %arg7[%dma_wait3A_277, %dma_wait3A_279, %dma_wait3A_280] : memref<4x260x64xf32, #tpu.memory_space<vmem>> -> memref<1x4x64xf32, #tpu.memory_space<vmem>>
      %dma_wait3A_282 = tpu.memref_squeeze %dma_wait3A_281 : memref<1x4x64xf32, #tpu.memory_space<vmem>> -> memref<4x64xf32, #tpu.memory_space<vmem>>
      %dma_wait3A_283 = arith.constant 256 : i32
      %dma_wait3A_284 = tpu.memref_slice %arg9[%add3A_220, %dma_wait3A_283] : memref<64x260xi32, #tpu.memory_space<vmem>> -> memref<1x4xi32, #tpu.memory_space<vmem>>
      %dma_wait3A_285 = tpu.memref_squeeze %dma_wait3A_284 : memref<1x4xi32, #tpu.memory_space<vmem>> -> memref<4xi32, #tpu.memory_space<vmem>>
      %dma_wait3A_286 = arith.constant 0 : i32
      %dma_wait3A_287 = arith.constant 0 : i32
      %dma_wait3A_288 = tpu.memref_slice %arg3[%dma_wait3A_286, %dma_wait3A_287] : memref<1000000x64xf32, #tpu.memory_space<hbm>> -> memref<1000000x64xf32, #tpu.memory_space<hbm>>
      %dma_wait3A_289 = tpu.memref_slice %arg10[%dma_wait3A_278] : memref<4x!tpu.dma_semaphore, #tpu.memory_space<semaphore_mem>> -> memref<1x!tpu.dma_semaphore, #tpu.memory_space<semaphore_mem>>
      %dma_wait3A_290 = tpu.memref_squeeze %dma_wait3A_289 : memref<1x!tpu.dma_semaphore, #tpu.memory_space<semaphore_mem>> -> memref<!tpu.dma_semaphore, #tpu.memory_space<semaphore_mem>>
      tpu.wait_indirect_dma semaphore(%dma_wait3A_290 : memref<!tpu.dma_semaphore, #tpu.memory_space<semaphore_mem>>) src(%dma_wait3A_288 : memref<1000000x64xf32, #tpu.memory_space<hbm>>) dst(%dma_wait3A_282 : memref<4x64xf32, #tpu.memory_space<vmem>>)
      %scan3A_291 = arith.constant 0 : i32
      %scan3A_292 = arith.constant 0 : i32
      %scan3A_293 = arith.constant 260 : i32
      %scan3A_294 = arith.addi %scan3A_292, %scan3A_293 : i32
      %scan3A_295 = arith.constant 1 : i32
      scf.for %scan3A_831 = %scan3A_292 to %scan3A_294 step %scan3A_295  : i32 {
        %get3A = arith.constant 0 : i32
        %get3A_832 = arith.index_cast %get3A : i32 to index
        %get3A_833 = arith.index_cast %scan3A_831 : i32 to index
        %get3A_834 = arith.constant 0 : index
        %get3A_835 = tpu.vector_load %arg7[%get3A_832, %get3A_833, %get3A_834] {strides = array<i32>} : memref<4x260x64xf32, #tpu.memory_space<vmem>>, vector<16xf32>,
        %add3A_836 = arith.constant 0 : i32
        %add3A_837 = arith.addi %add3A_836, %scan3A_831 : i32
        %get3A_838 = arith.index_cast %add3A_837 : i32 to index
        %get3A_839 = arith.constant 0 : index
        %get3A_840 = tpu.vector_load %arg6[%get3A_838, %get3A_839] {strides = array<i32>} : memref<520x64xf32, #tpu.memory_space<vmem>>, vector<16xf32>,
        %add3A_841 = arith.addf %get3A_835, %get3A_840 : vector<16xf32>
        %swap3A = arith.constant 0 : i32
        %swap3A_842 = arith.index_cast %swap3A : i32 to index
        %swap3A_843 = arith.index_cast %scan3A_831 : i32 to index
        %swap3A_844 = arith.constant 0 : index
        %swap3A_845 = tpu.vector_load %arg7[%swap3A_842, %swap3A_843, %swap3A_844] {strides = array<i32>} : memref<4x260x64xf32, #tpu.memory_space<vmem>>, vector<16xf32>,
        tpu.vector_store %arg7[%swap3A_842, %swap3A_843, %swap3A_844], %add3A_841 {strides = array<i32>} : memref<4x260x64xf32, #tpu.memory_space<vmem>>, vector<16xf32>,
        %get3A_846 = arith.constant 0 : i32
        %get3A_847 = arith.index_cast %get3A_846 : i32 to index
        %get3A_848 = arith.index_cast %scan3A_831 : i32 to index
        %get3A_849 = arith.constant 16 : index
        %get3A_850 = tpu.vector_load %arg7[%get3A_847, %get3A_848, %get3A_849] {strides = array<i32>} : memref<4x260x64xf32, #tpu.memory_space<vmem>>, vector<16xf32>,
        %add3A_851 = arith.constant 0 : i32
        %add3A_852 = arith.addi %add3A_851, %scan3A_831 : i32
        %get3A_853 = arith.index_cast %add3A_852 : i32 to index
        %get3A_854 = arith.constant 16 : index
        %get3A_855 = tpu.vector_load %arg6[%get3A_853, %get3A_854] {strides = array<i32>} : memref<520x64xf32, #tpu.memory_space<vmem>>, vector<16xf32>,
        %add3A_856 = arith.addf %get3A_850, %get3A_855 : vector<16xf32>
        %swap3A_857 = arith.constant 0 : i32
        %swap3A_858 = arith.index_cast %swap3A_857 : i32 to index
        %swap3A_859 = arith.index_cast %scan3A_831 : i32 to index
        %swap3A_860 = arith.constant 16 : index
        %swap3A_861 = tpu.vector_load %arg7[%swap3A_858, %swap3A_859, %swap3A_860] {strides = array<i32>} : memref<4x260x64xf32, #tpu.memory_space<vmem>>, vector<16xf32>,
        tpu.vector_store %arg7[%swap3A_858, %swap3A_859, %swap3A_860], %add3A_856 {strides = array<i32>} : memref<4x260x64xf32, #tpu.memory_space<vmem>>, vector<16xf32>,
        %get3A_862 = arith.constant 0 : i32
        %get3A_863 = arith.index_cast %get3A_862 : i32 to index
        %get3A_864 = arith.index_cast %scan3A_831 : i32 to index
        %get3A_865 = arith.constant 32 : index
        %get3A_866 = tpu.vector_load %arg7[%get3A_863, %get3A_864, %get3A_865] {strides = array<i32>} : memref<4x260x64xf32, #tpu.memory_space<vmem>>, vector<16xf32>,
        %add3A_867 = arith.constant 0 : i32
        %add3A_868 = arith.addi %add3A_867, %scan3A_831 : i32
        %get3A_869 = arith.index_cast %add3A_868 : i32 to index
        %get3A_870 = arith.constant 32 : index
        %get3A_871 = tpu.vector_load %arg6[%get3A_869, %get3A_870] {strides = array<i32>} : memref<520x64xf32, #tpu.memory_space<vmem>>, vector<16xf32>,
        %add3A_872 = arith.addf %get3A_866, %get3A_871 : vector<16xf32>
        %swap3A_873 = arith.constant 0 : i32
        %swap3A_874 = arith.index_cast %swap3A_873 : i32 to index
        %swap3A_875 = arith.index_cast %scan3A_831 : i32 to index
        %swap3A_876 = arith.constant 32 : index
        %swap3A_877 = tpu.vector_load %arg7[%swap3A_874, %swap3A_875, %swap3A_876] {strides = array<i32>} : memref<4x260x64xf32, #tpu.memory_space<vmem>>, vector<16xf32>,
        tpu.vector_store %arg7[%swap3A_874, %swap3A_875, %swap3A_876], %add3A_872 {strides = array<i32>} : memref<4x260x64xf32, #tpu.memory_space<vmem>>, vector<16xf32>,
        %get3A_878 = arith.constant 0 : i32
        %get3A_879 = arith.index_cast %get3A_878 : i32 to index
        %get3A_880 = arith.index_cast %scan3A_831 : i32 to index
        %get3A_881 = arith.constant 48 : index
        %get3A_882 = tpu.vector_load %arg7[%get3A_879, %get3A_880, %get3A_881] {strides = array<i32>} : memref<4x260x64xf32, #tpu.memory_space<vmem>>, vector<16xf32>,
        %add3A_883 = arith.constant 0 : i32
        %add3A_884 = arith.addi %add3A_883, %scan3A_831 : i32
        %get3A_885 = arith.index_cast %add3A_884 : i32 to index
        %get3A_886 = arith.constant 48 : index
        %get3A_887 = tpu.vector_load %arg6[%get3A_885, %get3A_886] {strides = array<i32>} : memref<520x64xf32, #tpu.memory_space<vmem>>, vector<16xf32>,
        %add3A_888 = arith.addf %get3A_882, %get3A_887 : vector<16xf32>
        %swap3A_889 = arith.constant 0 : i32
        %swap3A_890 = arith.index_cast %swap3A_889 : i32 to index
        %swap3A_891 = arith.index_cast %scan3A_831 : i32 to index
        %swap3A_892 = arith.constant 48 : index
        %swap3A_893 = tpu.vector_load %arg7[%swap3A_890, %swap3A_891, %swap3A_892] {strides = array<i32>} : memref<4x260x64xf32, #tpu.memory_space<vmem>>, vector<16xf32>,
        tpu.vector_store %arg7[%swap3A_890, %swap3A_891, %swap3A_892], %add3A_888 {strides = array<i32>} : memref<4x260x64xf32, #tpu.memory_space<vmem>>, vector<16xf32>,
      }
      %scan3A_296 = arith.constant 260 : i32
      %dma_start3A_297 = arith.constant 0 : i32
      %dma_start3A_298 = arith.constant 0 : i32
      %dma_start3A_299 = arith.constant 0 : i32
      %dma_start3A_300 = arith.constant 0 : i32
      %dma_start3A_301 = tpu.memref_slice %arg7[%dma_start3A_297, %dma_start3A_299, %dma_start3A_300] : memref<4x260x64xf32, #tpu.memory_space<vmem>> -> memref<1x260x64xf32, #tpu.memory_space<vmem>>
      %dma_start3A_302 = tpu.memref_squeeze %dma_start3A_301 : memref<1x260x64xf32, #tpu.memory_space<vmem>> -> memref<260x64xf32, #tpu.memory_space<vmem>>
      %dma_start3A_303 = arith.constant 0 : i32
      %dma_start3A_304 = arith.constant 0 : i32
      %dma_start3A_305 = tpu.memref_slice %arg5[%add3A_216, %dma_start3A_303, %dma_start3A_304] : memref<1024x520x64xf32, #tpu.memory_space<hbm>> -> memref<1x260x64xf32, #tpu.memory_space<hbm>>
      %dma_start3A_306 = tpu.memref_squeeze %dma_start3A_305 : memref<1x260x64xf32, #tpu.memory_space<hbm>> -> memref<260x64xf32, #tpu.memory_space<hbm>>
      %dma_start3A_307 = tpu.memref_slice %arg11[%dma_start3A_298] : memref<4x!tpu.dma_semaphore, #tpu.memory_space<semaphore_mem>> -> memref<1x!tpu.dma_semaphore, #tpu.memory_space<semaphore_mem>>
      %dma_start3A_308 = tpu.memref_squeeze %dma_start3A_307 : memref<1x!tpu.dma_semaphore, #tpu.memory_space<semaphore_mem>> -> memref<!tpu.dma_semaphore, #tpu.memory_space<semaphore_mem>>
      %dma_start3A_309 = arith.constant 0 : i32
      %dma_start3A_310 = arith.constant 0 : i32
      %dma_start3A_311 = tpu.memref_slice %arg5[%add3A_216, %dma_start3A_309, %dma_start3A_310] : memref<1024x520x64xf32, #tpu.memory_space<hbm>> -> memref<1x260x64xf32, #tpu.memory_space<hbm>>
      %dma_start3A_312 = tpu.memref_squeeze %dma_start3A_311 : memref<1x260x64xf32, #tpu.memory_space<hbm>> -> memref<260x64xf32, #tpu.memory_space<hbm>>
      %dma_start3A_313 = arith.constant 0 : i32
      %dma_start3A_314 = arith.constant 0 : i32
      %dma_start3A_315 = tpu.memref_slice %arg7[%dma_start3A_297, %dma_start3A_313, %dma_start3A_314] : memref<4x260x64xf32, #tpu.memory_space<vmem>> -> memref<1x260x64xf32, #tpu.memory_space<vmem>>
      %dma_start3A_316 = tpu.memref_squeeze %dma_start3A_315 : memref<1x260x64xf32, #tpu.memory_space<vmem>> -> memref<260x64xf32, #tpu.memory_space<vmem>>
      tpu.enqueue_dma source(%dma_start3A_316 : memref<260x64xf32, #tpu.memory_space<vmem>>) target(%dma_start3A_312 : memref<260x64xf32, #tpu.memory_space<hbm>>) target_semaphore(%dma_start3A_308 : memref<!tpu.dma_semaphore, #tpu.memory_space<semaphore_mem>>)
      %ge3A = arith.constant 1 : i32
      %ge3A_317 = arith.cmpi sge, %scan3A_211, %ge3A : i32
      %convert_element_type3A = arith.extui %ge3A_317 : i1 to i32
      %cond3A = arith.constant 0 : i32
      %cond3A_318 = arith.cmpi ne, %convert_element_type3A, %cond3A : i32
      scf.if %cond3A_318 {
        %sub3A_831 = arith.constant 1 : i32
        %sub3A_832 = arith.subi %add3A_214, %sub3A_831 : i32
        %dma_wait3A_833 = arith.constant 2 : i32
        %dma_wait3A_834 = arith.constant 2 : i32
        %dma_wait3A_835 = arith.constant 0 : i32
        %dma_wait3A_836 = arith.constant 0 : i32
        %dma_wait3A_837 = tpu.memref_slice %arg7[%dma_wait3A_833, %dma_wait3A_835, %dma_wait3A_836] : memref<4x260x64xf32, #tpu.memory_space<vmem>> -> memref<1x260x64xf32, #tpu.memory_space<vmem>>
        %dma_wait3A_838 = tpu.memref_squeeze %dma_wait3A_837 : memref<1x260x64xf32, #tpu.memory_space<vmem>> -> memref<260x64xf32, #tpu.memory_space<vmem>>
        %dma_wait3A_839 = arith.constant 0 : i32
        %dma_wait3A_840 = arith.constant 0 : i32
        %dma_wait3A_841 = tpu.memref_slice %arg5[%sub3A_832, %dma_wait3A_839, %dma_wait3A_840] : memref<1024x520x64xf32, #tpu.memory_space<hbm>> -> memref<1x260x64xf32, #tpu.memory_space<hbm>>
        %dma_wait3A_842 = tpu.memref_squeeze %dma_wait3A_841 : memref<1x260x64xf32, #tpu.memory_space<hbm>> -> memref<260x64xf32, #tpu.memory_space<hbm>>
        %dma_wait3A_843 = tpu.memref_slice %arg11[%dma_wait3A_834] : memref<4x!tpu.dma_semaphore, #tpu.memory_space<semaphore_mem>> -> memref<1x!tpu.dma_semaphore, #tpu.memory_space<semaphore_mem>>
        %dma_wait3A_844 = tpu.memref_squeeze %dma_wait3A_843 : memref<1x!tpu.dma_semaphore, #tpu.memory_space<semaphore_mem>> -> memref<!tpu.dma_semaphore, #tpu.memory_space<semaphore_mem>>
        %dma_wait3A_845 = arith.constant 0 : i32
        %dma_wait3A_846 = arith.constant 0 : i32
        %dma_wait3A_847 = tpu.memref_slice %arg5[%sub3A_832, %dma_wait3A_845, %dma_wait3A_846] : memref<1024x520x64xf32, #tpu.memory_space<hbm>> -> memref<1x260x64xf32, #tpu.memory_space<hbm>>
        %dma_wait3A_848 = tpu.memref_squeeze %dma_wait3A_847 : memref<1x260x64xf32, #tpu.memory_space<hbm>> -> memref<260x64xf32, #tpu.memory_space<hbm>>
        %dma_wait3A_849 = arith.constant 0 : i32
        %dma_wait3A_850 = arith.constant 0 : i32
        %dma_wait3A_851 = tpu.memref_slice %arg7[%dma_wait3A_833, %dma_wait3A_849, %dma_wait3A_850] : memref<4x260x64xf32, #tpu.memory_space<vmem>> -> memref<1x260x64xf32, #tpu.memory_space<vmem>>
        %dma_wait3A_852 = tpu.memref_squeeze %dma_wait3A_851 : memref<1x260x64xf32, #tpu.memory_space<vmem>> -> memref<260x64xf32, #tpu.memory_space<vmem>>
        tpu.wait_dma2 semaphore(%dma_wait3A_844 : memref<!tpu.dma_semaphore, #tpu.memory_space<semaphore_mem>>) src(%dma_wait3A_852 : memref<260x64xf32, #tpu.memory_space<vmem>>) dst(%dma_wait3A_848 : memref<260x64xf32, #tpu.memory_space<hbm>>)
      } else {
      }
      %mul3A_319 = arith.constant 4 : i32
      %mul3A_320 = arith.muli %mul3A_319, %scan3A_211 : i32
      %add3A_321 = arith.constant 0 : i32
      %add3A_322 = arith.addi %mul3A_320, %add3A_321 : i32
      %add3A_323 = arith.constant 2 : i32
      %add3A_324 = arith.addi %add3A_322, %add3A_323 : i32
      %dma_start3A_325 = arith.constant 2 : i32
      %dma_start3A_326 = arith.constant 2 : i32
      %dma_start3A_327 = arith.constant 0 : i32
      %dma_start3A_328 = arith.constant 0 : i32
      %dma_start3A_329 = tpu.memref_slice %arg7[%dma_start3A_325, %dma_start3A_327, %dma_start3A_328] : memref<4x260x64xf32, #tpu.memory_space<vmem>> -> memref<1x64x64xf32, #tpu.memory_space<vmem>>
      %dma_start3A_330 = tpu.memref_squeeze %dma_start3A_329 : memref<1x64x64xf32, #tpu.memory_space<vmem>> -> memref<64x64xf32, #tpu.memory_space<vmem>>
      %dma_start3A_331 = arith.constant 0 : i32
      %dma_start3A_332 = tpu.memref_slice %arg9[%add3A_324, %dma_start3A_331] : memref<64x260xi32, #tpu.memory_space<vmem>> -> memref<1x64xi32, #tpu.memory_space<vmem>>
      %dma_start3A_333 = tpu.memref_squeeze %dma_start3A_332 : memref<1x64xi32, #tpu.memory_space<vmem>> -> memref<64xi32, #tpu.memory_space<vmem>>
      %dma_start3A_334 = arith.constant 0 : i32
      %dma_start3A_335 = arith.constant 0 : i32
      %dma_start3A_336 = tpu.memref_slice %arg3[%dma_start3A_334, %dma_start3A_335] : memref<1000000x64xf32, #tpu.memory_space<hbm>> -> memref<1000000x64xf32, #tpu.memory_space<hbm>>
      %dma_start3A_337 = tpu.memref_slice %arg10[%dma_start3A_326] : memref<4x!tpu.dma_semaphore, #tpu.memory_space<semaphore_mem>> -> memref<1x!tpu.dma_semaphore, #tpu.memory_space<semaphore_mem>>
      %dma_start3A_338 = tpu.memref_squeeze %dma_start3A_337 : memref<1x!tpu.dma_semaphore, #tpu.memory_space<semaphore_mem>> -> memref<!tpu.dma_semaphore, #tpu.memory_space<semaphore_mem>>
      tpu.enqueue_indirect_dma source(%dma_start3A_336 : memref<1000000x64xf32, #tpu.memory_space<hbm>>) target(%dma_start3A_330 : memref<64x64xf32, #tpu.memory_space<vmem>>) offsets(%dma_start3A_333 : memref<64xi32, #tpu.memory_space<vmem>>) semaphore(%dma_start3A_338 : memref<!tpu.dma_semaphore, #tpu.memory_space<semaphore_mem>>)
      %dma_start3A_339 = arith.constant 2 : i32
      %dma_start3A_340 = arith.constant 2 : i32
      %dma_start3A_341 = arith.constant 64 : i32
      %dma_start3A_342 = arith.constant 0 : i32
      %dma_start3A_343 = tpu.memref_slice %arg7[%dma_start3A_339, %dma_start3A_341, %dma_start3A_342] : memref<4x260x64xf32, #tpu.memory_space<vmem>> -> memref<1x64x64xf32, #tpu.memory_space<vmem>>
      %dma_start3A_344 = tpu.memref_squeeze %dma_start3A_343 : memref<1x64x64xf32, #tpu.memory_space<vmem>> -> memref<64x64xf32, #tpu.memory_space<vmem>>
      %dma_start3A_345 = arith.constant 64 : i32
      %dma_start3A_346 = tpu.memref_slice %arg9[%add3A_324, %dma_start3A_345] : memref<64x260xi32, #tpu.memory_space<vmem>> -> memref<1x64xi32, #tpu.memory_space<vmem>>
      %dma_start3A_347 = tpu.memref_squeeze %dma_start3A_346 : memref<1x64xi32, #tpu.memory_space<vmem>> -> memref<64xi32, #tpu.memory_space<vmem>>
      %dma_start3A_348 = arith.constant 0 : i32
      %dma_start3A_349 = arith.constant 0 : i32
      %dma_start3A_350 = tpu.memref_slice %arg3[%dma_start3A_348, %dma_start3A_349] : memref<1000000x64xf32, #tpu.memory_space<hbm>> -> memref<1000000x64xf32, #tpu.memory_space<hbm>>
      %dma_start3A_351 = tpu.memref_slice %arg10[%dma_start3A_340] : memref<4x!tpu.dma_semaphore, #tpu.memory_space<semaphore_mem>> -> memref<1x!tpu.dma_semaphore, #tpu.memory_space<semaphore_mem>>
      %dma_start3A_352 = tpu.memref_squeeze %dma_start3A_351 : memref<1x!tpu.dma_semaphore, #tpu.memory_space<semaphore_mem>> -> memref<!tpu.dma_semaphore, #tpu.memory_space<semaphore_mem>>
      tpu.enqueue_indirect_dma source(%dma_start3A_350 : memref<1000000x64xf32, #tpu.memory_space<hbm>>) target(%dma_start3A_344 : memref<64x64xf32, #tpu.memory_space<vmem>>) offsets(%dma_start3A_347 : memref<64xi32, #tpu.memory_space<vmem>>) semaphore(%dma_start3A_352 : memref<!tpu.dma_semaphore, #tpu.memory_space<semaphore_mem>>)
      %dma_start3A_353 = arith.constant 2 : i32
      %dma_start3A_354 = arith.constant 2 : i32
      %dma_start3A_355 = arith.constant 128 : i32
      %dma_start3A_356 = arith.constant 0 : i32
      %dma_start3A_357 = tpu.memref_slice %arg7[%dma_start3A_353, %dma_start3A_355, %dma_start3A_356] : memref<4x260x64xf32, #tpu.memory_space<vmem>> -> memref<1x64x64xf32, #tpu.memory_space<vmem>>
      %dma_start3A_358 = tpu.memref_squeeze %dma_start3A_357 : memref<1x64x64xf32, #tpu.memory_space<vmem>> -> memref<64x64xf32, #tpu.memory_space<vmem>>
      %dma_start3A_359 = arith.constant 128 : i32
      %dma_start3A_360 = tpu.memref_slice %arg9[%add3A_324, %dma_start3A_359] : memref<64x260xi32, #tpu.memory_space<vmem>> -> memref<1x64xi32, #tpu.memory_space<vmem>>
      %dma_start3A_361 = tpu.memref_squeeze %dma_start3A_360 : memref<1x64xi32, #tpu.memory_space<vmem>> -> memref<64xi32, #tpu.memory_space<vmem>>
      %dma_start3A_362 = arith.constant 0 : i32
      %dma_start3A_363 = arith.constant 0 : i32
      %dma_start3A_364 = tpu.memref_slice %arg3[%dma_start3A_362, %dma_start3A_363] : memref<1000000x64xf32, #tpu.memory_space<hbm>> -> memref<1000000x64xf32, #tpu.memory_space<hbm>>
      %dma_start3A_365 = tpu.memref_slice %arg10[%dma_start3A_354] : memref<4x!tpu.dma_semaphore, #tpu.memory_space<semaphore_mem>> -> memref<1x!tpu.dma_semaphore, #tpu.memory_space<semaphore_mem>>
      %dma_start3A_366 = tpu.memref_squeeze %dma_start3A_365 : memref<1x!tpu.dma_semaphore, #tpu.memory_space<semaphore_mem>> -> memref<!tpu.dma_semaphore, #tpu.memory_space<semaphore_mem>>
      tpu.enqueue_indirect_dma source(%dma_start3A_364 : memref<1000000x64xf32, #tpu.memory_space<hbm>>) target(%dma_start3A_358 : memref<64x64xf32, #tpu.memory_space<vmem>>) offsets(%dma_start3A_361 : memref<64xi32, #tpu.memory_space<vmem>>) semaphore(%dma_start3A_366 : memref<!tpu.dma_semaphore, #tpu.memory_space<semaphore_mem>>)
      %dma_start3A_367 = arith.constant 2 : i32
      %dma_start3A_368 = arith.constant 2 : i32
      %dma_start3A_369 = arith.constant 192 : i32
      %dma_start3A_370 = arith.constant 0 : i32
      %dma_start3A_371 = tpu.memref_slice %arg7[%dma_start3A_367, %dma_start3A_369, %dma_start3A_370] : memref<4x260x64xf32, #tpu.memory_space<vmem>> -> memref<1x64x64xf32, #tpu.memory_space<vmem>>
      %dma_start3A_372 = tpu.memref_squeeze %dma_start3A_371 : memref<1x64x64xf32, #tpu.memory_space<vmem>> -> memref<64x64xf32, #tpu.memory_space<vmem>>
      %dma_start3A_373 = arith.constant 192 : i32
      %dma_start3A_374 = tpu.memref_slice %arg9[%add3A_324, %dma_start3A_373] : memref<64x260xi32, #tpu.memory_space<vmem>> -> memref<1x64xi32, #tpu.memory_space<vmem>>
      %dma_start3A_375 = tpu.memref_squeeze %dma_start3A_374 : memref<1x64xi32, #tpu.memory_space<vmem>> -> memref<64xi32, #tpu.memory_space<vmem>>
      %dma_start3A_376 = arith.constant 0 : i32
      %dma_start3A_377 = arith.constant 0 : i32
      %dma_start3A_378 = tpu.memref_slice %arg3[%dma_start3A_376, %dma_start3A_377] : memref<1000000x64xf32, #tpu.memory_space<hbm>> -> memref<1000000x64xf32, #tpu.memory_space<hbm>>
      %dma_start3A_379 = tpu.memref_slice %arg10[%dma_start3A_368] : memref<4x!tpu.dma_semaphore, #tpu.memory_space<semaphore_mem>> -> memref<1x!tpu.dma_semaphore, #tpu.memory_space<semaphore_mem>>
      %dma_start3A_380 = tpu.memref_squeeze %dma_start3A_379 : memref<1x!tpu.dma_semaphore, #tpu.memory_space<semaphore_mem>> -> memref<!tpu.dma_semaphore, #tpu.memory_space<semaphore_mem>>
      tpu.enqueue_indirect_dma source(%dma_start3A_378 : memref<1000000x64xf32, #tpu.memory_space<hbm>>) target(%dma_start3A_372 : memref<64x64xf32, #tpu.memory_space<vmem>>) offsets(%dma_start3A_375 : memref<64xi32, #tpu.memory_space<vmem>>) semaphore(%dma_start3A_380 : memref<!tpu.dma_semaphore, #tpu.memory_space<semaphore_mem>>)
      %dma_start3A_381 = arith.constant 2 : i32
      %dma_start3A_382 = arith.constant 2 : i32
      %dma_start3A_383 = arith.constant 256 : i32
      %dma_start3A_384 = arith.constant 0 : i32
      %dma_start3A_385 = tpu.memref_slice %arg7[%dma_start3A_381, %dma_start3A_383, %dma_start3A_384] : memref<4x260x64xf32, #tpu.memory_space<vmem>> -> memref<1x4x64xf32, #tpu.memory_space<vmem>>
      %dma_start3A_386 = tpu.memref_squeeze %dma_start3A_385 : memref<1x4x64xf32, #tpu.memory_space<vmem>> -> memref<4x64xf32, #tpu.memory_space<vmem>>
      %dma_start3A_387 = arith.constant 256 : i32
      %dma_start3A_388 = tpu.memref_slice %arg9[%add3A_324, %dma_start3A_387] : memref<64x260xi32, #tpu.memory_space<vmem>> -> memref<1x4xi32, #tpu.memory_space<vmem>>
      %dma_start3A_389 = tpu.memref_squeeze %dma_start3A_388 : memref<1x4xi32, #tpu.memory_space<vmem>> -> memref<4xi32, #tpu.memory_space<vmem>>
      %dma_start3A_390 = arith.constant 0 : i32
      %dma_start3A_391 = arith.constant 0 : i32
      %dma_start3A_392 = tpu.memref_slice %arg3[%dma_start3A_390, %dma_start3A_391] : memref<1000000x64xf32, #tpu.memory_space<hbm>> -> memref<1000000x64xf32, #tpu.memory_space<hbm>>
      %dma_start3A_393 = tpu.memref_slice %arg10[%dma_start3A_382] : memref<4x!tpu.dma_semaphore, #tpu.memory_space<semaphore_mem>> -> memref<1x!tpu.dma_semaphore, #tpu.memory_space<semaphore_mem>>
      %dma_start3A_394 = tpu.memref_squeeze %dma_start3A_393 : memref<1x!tpu.dma_semaphore, #tpu.memory_space<semaphore_mem>> -> memref<!tpu.dma_semaphore, #tpu.memory_space<semaphore_mem>>
      tpu.enqueue_indirect_dma source(%dma_start3A_392 : memref<1000000x64xf32, #tpu.memory_space<hbm>>) target(%dma_start3A_386 : memref<4x64xf32, #tpu.memory_space<vmem>>) offsets(%dma_start3A_389 : memref<4xi32, #tpu.memory_space<vmem>>) semaphore(%dma_start3A_394 : memref<!tpu.dma_semaphore, #tpu.memory_space<semaphore_mem>>)
      %add3A_395 = arith.constant 0 : i32
      %add3A_396 = arith.addi %add3A_214, %add3A_395 : i32
      %mul3A_397 = arith.constant 4 : i32
      %mul3A_398 = arith.muli %mul3A_397, %scan3A_211 : i32
      %add3A_399 = arith.constant 1 : i32
      %add3A_400 = arith.addi %mul3A_398, %add3A_399 : i32
      %dma_wait3A_401 = arith.constant 1 : i32
      %dma_wait3A_402 = arith.constant 1 : i32
      %dma_wait3A_403 = arith.constant 0 : i32
      %dma_wait3A_404 = arith.constant 0 : i32
      %dma_wait3A_405 = tpu.memref_slice %arg7[%dma_wait3A_401, %dma_wait3A_403, %dma_wait3A_404] : memref<4x260x64xf32, #tpu.memory_space<vmem>> -> memref<1x64x64xf32, #tpu.memory_space<vmem>>
      %dma_wait3A_406 = tpu.memref_squeeze %dma_wait3A_405 : memref<1x64x64xf32, #tpu.memory_space<vmem>> -> memref<64x64xf32, #tpu.memory_space<vmem>>
      %dma_wait3A_407 = arith.constant 0 : i32
      %dma_wait3A_408 = tpu.memref_slice %arg9[%add3A_400, %dma_wait3A_407] : memref<64x260xi32, #tpu.memory_space<vmem>> -> memref<1x64xi32, #tpu.memory_space<vmem>>
      %dma_wait3A_409 = tpu.memref_squeeze %dma_wait3A_408 : memref<1x64xi32, #tpu.memory_space<vmem>> -> memref<64xi32, #tpu.memory_space<vmem>>
      %dma_wait3A_410 = arith.constant 0 : i32
      %dma_wait3A_411 = arith.constant 0 : i32
      %dma_wait3A_412 = tpu.memref_slice %arg3[%dma_wait3A_410, %dma_wait3A_411] : memref<1000000x64xf32, #tpu.memory_space<hbm>> -> memref<1000000x64xf32, #tpu.memory_space<hbm>>
      %dma_wait3A_413 = tpu.memref_slice %arg10[%dma_wait3A_402] : memref<4x!tpu.dma_semaphore, #tpu.memory_space<semaphore_mem>> -> memref<1x!tpu.dma_semaphore, #tpu.memory_space<semaphore_mem>>
      %dma_wait3A_414 = tpu.memref_squeeze %dma_wait3A_413 : memref<1x!tpu.dma_semaphore, #tpu.memory_space<semaphore_mem>> -> memref<!tpu.dma_semaphore, #tpu.memory_space<semaphore_mem>>
      tpu.wait_indirect_dma semaphore(%dma_wait3A_414 : memref<!tpu.dma_semaphore, #tpu.memory_space<semaphore_mem>>) src(%dma_wait3A_412 : memref<1000000x64xf32, #tpu.memory_space<hbm>>) dst(%dma_wait3A_406 : memref<64x64xf32, #tpu.memory_space<vmem>>)
      %dma_wait3A_415 = arith.constant 1 : i32
      %dma_wait3A_416 = arith.constant 1 : i32
      %dma_wait3A_417 = arith.constant 64 : i32
      %dma_wait3A_418 = arith.constant 0 : i32
      %dma_wait3A_419 = tpu.memref_slice %arg7[%dma_wait3A_415, %dma_wait3A_417, %dma_wait3A_418] : memref<4x260x64xf32, #tpu.memory_space<vmem>> -> memref<1x64x64xf32, #tpu.memory_space<vmem>>
      %dma_wait3A_420 = tpu.memref_squeeze %dma_wait3A_419 : memref<1x64x64xf32, #tpu.memory_space<vmem>> -> memref<64x64xf32, #tpu.memory_space<vmem>>
      %dma_wait3A_421 = arith.constant 64 : i32
      %dma_wait3A_422 = tpu.memref_slice %arg9[%add3A_400, %dma_wait3A_421] : memref<64x260xi32, #tpu.memory_space<vmem>> -> memref<1x64xi32, #tpu.memory_space<vmem>>
      %dma_wait3A_423 = tpu.memref_squeeze %dma_wait3A_422 : memref<1x64xi32, #tpu.memory_space<vmem>> -> memref<64xi32, #tpu.memory_space<vmem>>
      %dma_wait3A_424 = arith.constant 0 : i32
      %dma_wait3A_425 = arith.constant 0 : i32
      %dma_wait3A_426 = tpu.memref_slice %arg3[%dma_wait3A_424, %dma_wait3A_425] : memref<1000000x64xf32, #tpu.memory_space<hbm>> -> memref<1000000x64xf32, #tpu.memory_space<hbm>>
      %dma_wait3A_427 = tpu.memref_slice %arg10[%dma_wait3A_416] : memref<4x!tpu.dma_semaphore, #tpu.memory_space<semaphore_mem>> -> memref<1x!tpu.dma_semaphore, #tpu.memory_space<semaphore_mem>>
      %dma_wait3A_428 = tpu.memref_squeeze %dma_wait3A_427 : memref<1x!tpu.dma_semaphore, #tpu.memory_space<semaphore_mem>> -> memref<!tpu.dma_semaphore, #tpu.memory_space<semaphore_mem>>
      tpu.wait_indirect_dma semaphore(%dma_wait3A_428 : memref<!tpu.dma_semaphore, #tpu.memory_space<semaphore_mem>>) src(%dma_wait3A_426 : memref<1000000x64xf32, #tpu.memory_space<hbm>>) dst(%dma_wait3A_420 : memref<64x64xf32, #tpu.memory_space<vmem>>)
      %dma_wait3A_429 = arith.constant 1 : i32
      %dma_wait3A_430 = arith.constant 1 : i32
      %dma_wait3A_431 = arith.constant 128 : i32
      %dma_wait3A_432 = arith.constant 0 : i32
      %dma_wait3A_433 = tpu.memref_slice %arg7[%dma_wait3A_429, %dma_wait3A_431, %dma_wait3A_432] : memref<4x260x64xf32, #tpu.memory_space<vmem>> -> memref<1x64x64xf32, #tpu.memory_space<vmem>>
      %dma_wait3A_434 = tpu.memref_squeeze %dma_wait3A_433 : memref<1x64x64xf32, #tpu.memory_space<vmem>> -> memref<64x64xf32, #tpu.memory_space<vmem>>
      %dma_wait3A_435 = arith.constant 128 : i32
      %dma_wait3A_436 = tpu.memref_slice %arg9[%add3A_400, %dma_wait3A_435] : memref<64x260xi32, #tpu.memory_space<vmem>> -> memref<1x64xi32, #tpu.memory_space<vmem>>
      %dma_wait3A_437 = tpu.memref_squeeze %dma_wait3A_436 : memref<1x64xi32, #tpu.memory_space<vmem>> -> memref<64xi32, #tpu.memory_space<vmem>>
      %dma_wait3A_438 = arith.constant 0 : i32
      %dma_wait3A_439 = arith.constant 0 : i32
      %dma_wait3A_440 = tpu.memref_slice %arg3[%dma_wait3A_438, %dma_wait3A_439] : memref<1000000x64xf32, #tpu.memory_space<hbm>> -> memref<1000000x64xf32, #tpu.memory_space<hbm>>
      %dma_wait3A_441 = tpu.memref_slice %arg10[%dma_wait3A_430] : memref<4x!tpu.dma_semaphore, #tpu.memory_space<semaphore_mem>> -> memref<1x!tpu.dma_semaphore, #tpu.memory_space<semaphore_mem>>
      %dma_wait3A_442 = tpu.memref_squeeze %dma_wait3A_441 : memref<1x!tpu.dma_semaphore, #tpu.memory_space<semaphore_mem>> -> memref<!tpu.dma_semaphore, #tpu.memory_space<semaphore_mem>>
      tpu.wait_indirect_dma semaphore(%dma_wait3A_442 : memref<!tpu.dma_semaphore, #tpu.memory_space<semaphore_mem>>) src(%dma_wait3A_440 : memref<1000000x64xf32, #tpu.memory_space<hbm>>) dst(%dma_wait3A_434 : memref<64x64xf32, #tpu.memory_space<vmem>>)
      %dma_wait3A_443 = arith.constant 1 : i32
      %dma_wait3A_444 = arith.constant 1 : i32
      %dma_wait3A_445 = arith.constant 192 : i32
      %dma_wait3A_446 = arith.constant 0 : i32
      %dma_wait3A_447 = tpu.memref_slice %arg7[%dma_wait3A_443, %dma_wait3A_445, %dma_wait3A_446] : memref<4x260x64xf32, #tpu.memory_space<vmem>> -> memref<1x64x64xf32, #tpu.memory_space<vmem>>
      %dma_wait3A_448 = tpu.memref_squeeze %dma_wait3A_447 : memref<1x64x64xf32, #tpu.memory_space<vmem>> -> memref<64x64xf32, #tpu.memory_space<vmem>>
      %dma_wait3A_449 = arith.constant 192 : i32
      %dma_wait3A_450 = tpu.memref_slice %arg9[%add3A_400, %dma_wait3A_449] : memref<64x260xi32, #tpu.memory_space<vmem>> -> memref<1x64xi32, #tpu.memory_space<vmem>>
      %dma_wait3A_451 = tpu.memref_squeeze %dma_wait3A_450 : memref<1x64xi32, #tpu.memory_space<vmem>> -> memref<64xi32, #tpu.memory_space<vmem>>
      %dma_wait3A_452 = arith.constant 0 : i32
      %dma_wait3A_453 = arith.constant 0 : i32
      %dma_wait3A_454 = tpu.memref_slice %arg3[%dma_wait3A_452, %dma_wait3A_453] : memref<1000000x64xf32, #tpu.memory_space<hbm>> -> memref<1000000x64xf32, #tpu.memory_space<hbm>>
      %dma_wait3A_455 = tpu.memref_slice %arg10[%dma_wait3A_444] : memref<4x!tpu.dma_semaphore, #tpu.memory_space<semaphore_mem>> -> memref<1x!tpu.dma_semaphore, #tpu.memory_space<semaphore_mem>>
      %dma_wait3A_456 = tpu.memref_squeeze %dma_wait3A_455 : memref<1x!tpu.dma_semaphore, #tpu.memory_space<semaphore_mem>> -> memref<!tpu.dma_semaphore, #tpu.memory_space<semaphore_mem>>
      tpu.wait_indirect_dma semaphore(%dma_wait3A_456 : memref<!tpu.dma_semaphore, #tpu.memory_space<semaphore_mem>>) src(%dma_wait3A_454 : memref<1000000x64xf32, #tpu.memory_space<hbm>>) dst(%dma_wait3A_448 : memref<64x64xf32, #tpu.memory_space<vmem>>)
      %dma_wait3A_457 = arith.constant 1 : i32
      %dma_wait3A_458 = arith.constant 1 : i32
      %dma_wait3A_459 = arith.constant 256 : i32
      %dma_wait3A_460 = arith.constant 0 : i32
      %dma_wait3A_461 = tpu.memref_slice %arg7[%dma_wait3A_457, %dma_wait3A_459, %dma_wait3A_460] : memref<4x260x64xf32, #tpu.memory_space<vmem>> -> memref<1x4x64xf32, #tpu.memory_space<vmem>>
      %dma_wait3A_462 = tpu.memref_squeeze %dma_wait3A_461 : memref<1x4x64xf32, #tpu.memory_space<vmem>> -> memref<4x64xf32, #tpu.memory_space<vmem>>
      %dma_wait3A_463 = arith.constant 256 : i32
      %dma_wait3A_464 = tpu.memref_slice %arg9[%add3A_400, %dma_wait3A_463] : memref<64x260xi32, #tpu.memory_space<vmem>> -> memref<1x4xi32, #tpu.memory_space<vmem>>
      %dma_wait3A_465 = tpu.memref_squeeze %dma_wait3A_464 : memref<1x4xi32, #tpu.memory_space<vmem>> -> memref<4xi32, #tpu.memory_space<vmem>>
      %dma_wait3A_466 = arith.constant 0 : i32
      %dma_wait3A_467 = arith.constant 0 : i32
      %dma_wait3A_468 = tpu.memref_slice %arg3[%dma_wait3A_466, %dma_wait3A_467] : memref<1000000x64xf32, #tpu.memory_space<hbm>> -> memref<1000000x64xf32, #tpu.memory_space<hbm>>
      %dma_wait3A_469 = tpu.memref_slice %arg10[%dma_wait3A_458] : memref<4x!tpu.dma_semaphore, #tpu.memory_space<semaphore_mem>> -> memref<1x!tpu.dma_semaphore, #tpu.memory_space<semaphore_mem>>
      %dma_wait3A_470 = tpu.memref_squeeze %dma_wait3A_469 : memref<1x!tpu.dma_semaphore, #tpu.memory_space<semaphore_mem>> -> memref<!tpu.dma_semaphore, #tpu.memory_space<semaphore_mem>>
      tpu.wait_indirect_dma semaphore(%dma_wait3A_470 : memref<!tpu.dma_semaphore, #tpu.memory_space<semaphore_mem>>) src(%dma_wait3A_468 : memref<1000000x64xf32, #tpu.memory_space<hbm>>) dst(%dma_wait3A_462 : memref<4x64xf32, #tpu.memory_space<vmem>>)
      %scan3A_471 = arith.constant 0 : i32
      %scan3A_472 = arith.constant 0 : i32
      %scan3A_473 = arith.constant 260 : i32
      %scan3A_474 = arith.addi %scan3A_472, %scan3A_473 : i32
      %scan3A_475 = arith.constant 1 : i32
      scf.for %scan3A_831 = %scan3A_472 to %scan3A_474 step %scan3A_475  : i32 {
        %get3A = arith.constant 1 : i32
        %get3A_832 = arith.index_cast %get3A : i32 to index
        %get3A_833 = arith.index_cast %scan3A_831 : i32 to index
        %get3A_834 = arith.constant 0 : index
        %get3A_835 = tpu.vector_load %arg7[%get3A_832, %get3A_833, %get3A_834] {strides = array<i32>} : memref<4x260x64xf32, #tpu.memory_space<vmem>>, vector<16xf32>,
        %add3A_836 = arith.constant 260 : i32
        %add3A_837 = arith.addi %add3A_836, %scan3A_831 : i32
        %get3A_838 = arith.index_cast %add3A_837 : i32 to index
        %get3A_839 = arith.constant 0 : index
        %get3A_840 = tpu.vector_load %arg6[%get3A_838, %get3A_839] {strides = array<i32>} : memref<520x64xf32, #tpu.memory_space<vmem>>, vector<16xf32>,
        %add3A_841 = arith.addf %get3A_835, %get3A_840 : vector<16xf32>
        %swap3A = arith.constant 1 : i32
        %swap3A_842 = arith.index_cast %swap3A : i32 to index
        %swap3A_843 = arith.index_cast %scan3A_831 : i32 to index
        %swap3A_844 = arith.constant 0 : index
        %swap3A_845 = tpu.vector_load %arg7[%swap3A_842, %swap3A_843, %swap3A_844] {strides = array<i32>} : memref<4x260x64xf32, #tpu.memory_space<vmem>>, vector<16xf32>,
        tpu.vector_store %arg7[%swap3A_842, %swap3A_843, %swap3A_844], %add3A_841 {strides = array<i32>} : memref<4x260x64xf32, #tpu.memory_space<vmem>>, vector<16xf32>,
        %get3A_846 = arith.constant 1 : i32
        %get3A_847 = arith.index_cast %get3A_846 : i32 to index
        %get3A_848 = arith.index_cast %scan3A_831 : i32 to index
        %get3A_849 = arith.constant 16 : index
        %get3A_850 = tpu.vector_load %arg7[%get3A_847, %get3A_848, %get3A_849] {strides = array<i32>} : memref<4x260x64xf32, #tpu.memory_space<vmem>>, vector<16xf32>,
        %add3A_851 = arith.constant 260 : i32
        %add3A_852 = arith.addi %add3A_851, %scan3A_831 : i32
        %get3A_853 = arith.index_cast %add3A_852 : i32 to index
        %get3A_854 = arith.constant 16 : index
        %get3A_855 = tpu.vector_load %arg6[%get3A_853, %get3A_854] {strides = array<i32>} : memref<520x64xf32, #tpu.memory_space<vmem>>, vector<16xf32>,
        %add3A_856 = arith.addf %get3A_850, %get3A_855 : vector<16xf32>
        %swap3A_857 = arith.constant 1 : i32
        %swap3A_858 = arith.index_cast %swap3A_857 : i32 to index
        %swap3A_859 = arith.index_cast %scan3A_831 : i32 to index
        %swap3A_860 = arith.constant 16 : index
        %swap3A_861 = tpu.vector_load %arg7[%swap3A_858, %swap3A_859, %swap3A_860] {strides = array<i32>} : memref<4x260x64xf32, #tpu.memory_space<vmem>>, vector<16xf32>,
        tpu.vector_store %arg7[%swap3A_858, %swap3A_859, %swap3A_860], %add3A_856 {strides = array<i32>} : memref<4x260x64xf32, #tpu.memory_space<vmem>>, vector<16xf32>,
        %get3A_862 = arith.constant 1 : i32
        %get3A_863 = arith.index_cast %get3A_862 : i32 to index
        %get3A_864 = arith.index_cast %scan3A_831 : i32 to index
        %get3A_865 = arith.constant 32 : index
        %get3A_866 = tpu.vector_load %arg7[%get3A_863, %get3A_864, %get3A_865] {strides = array<i32>} : memref<4x260x64xf32, #tpu.memory_space<vmem>>, vector<16xf32>,
        %add3A_867 = arith.constant 260 : i32
        %add3A_868 = arith.addi %add3A_867, %scan3A_831 : i32
        %get3A_869 = arith.index_cast %add3A_868 : i32 to index
        %get3A_870 = arith.constant 32 : index
        %get3A_871 = tpu.vector_load %arg6[%get3A_869, %get3A_870] {strides = array<i32>} : memref<520x64xf32, #tpu.memory_space<vmem>>, vector<16xf32>,
        %add3A_872 = arith.addf %get3A_866, %get3A_871 : vector<16xf32>
        %swap3A_873 = arith.constant 1 : i32
        %swap3A_874 = arith.index_cast %swap3A_873 : i32 to index
        %swap3A_875 = arith.index_cast %scan3A_831 : i32 to index
        %swap3A_876 = arith.constant 32 : index
        %swap3A_877 = tpu.vector_load %arg7[%swap3A_874, %swap3A_875, %swap3A_876] {strides = array<i32>} : memref<4x260x64xf32, #tpu.memory_space<vmem>>, vector<16xf32>,
        tpu.vector_store %arg7[%swap3A_874, %swap3A_875, %swap3A_876], %add3A_872 {strides = array<i32>} : memref<4x260x64xf32, #tpu.memory_space<vmem>>, vector<16xf32>,
        %get3A_878 = arith.constant 1 : i32
        %get3A_879 = arith.index_cast %get3A_878 : i32 to index
        %get3A_880 = arith.index_cast %scan3A_831 : i32 to index
        %get3A_881 = arith.constant 48 : index
        %get3A_882 = tpu.vector_load %arg7[%get3A_879, %get3A_880, %get3A_881] {strides = array<i32>} : memref<4x260x64xf32, #tpu.memory_space<vmem>>, vector<16xf32>,
        %add3A_883 = arith.constant 260 : i32
        %add3A_884 = arith.addi %add3A_883, %scan3A_831 : i32
        %get3A_885 = arith.index_cast %add3A_884 : i32 to index
        %get3A_886 = arith.constant 48 : index
        %get3A_887 = tpu.vector_load %arg6[%get3A_885, %get3A_886] {strides = array<i32>} : memref<520x64xf32, #tpu.memory_space<vmem>>, vector<16xf32>,
        %add3A_888 = arith.addf %get3A_882, %get3A_887 : vector<16xf32>
        %swap3A_889 = arith.constant 1 : i32
        %swap3A_890 = arith.index_cast %swap3A_889 : i32 to index
        %swap3A_891 = arith.index_cast %scan3A_831 : i32 to index
        %swap3A_892 = arith.constant 48 : index
        %swap3A_893 = tpu.vector_load %arg7[%swap3A_890, %swap3A_891, %swap3A_892] {strides = array<i32>} : memref<4x260x64xf32, #tpu.memory_space<vmem>>, vector<16xf32>,
        tpu.vector_store %arg7[%swap3A_890, %swap3A_891, %swap3A_892], %add3A_888 {strides = array<i32>} : memref<4x260x64xf32, #tpu.memory_space<vmem>>, vector<16xf32>,
      }
      %scan3A_476 = arith.constant 260 : i32
      %dma_start3A_477 = arith.constant 1 : i32
      %dma_start3A_478 = arith.constant 1 : i32
      %dma_start3A_479 = arith.constant 0 : i32
      %dma_start3A_480 = arith.constant 0 : i32
      %dma_start3A_481 = tpu.memref_slice %arg7[%dma_start3A_477, %dma_start3A_479, %dma_start3A_480] : memref<4x260x64xf32, #tpu.memory_space<vmem>> -> memref<1x260x64xf32, #tpu.memory_space<vmem>>
      %dma_start3A_482 = tpu.memref_squeeze %dma_start3A_481 : memref<1x260x64xf32, #tpu.memory_space<vmem>> -> memref<260x64xf32, #tpu.memory_space<vmem>>
      %dma_start3A_483 = arith.constant 260 : i32
      %dma_start3A_484 = arith.constant 0 : i32
      %dma_start3A_485 = tpu.memref_slice %arg5[%add3A_396, %dma_start3A_483, %dma_start3A_484] : memref<1024x520x64xf32, #tpu.memory_space<hbm>> -> memref<1x260x64xf32, #tpu.memory_space<hbm>>
      %dma_start3A_486 = tpu.memref_squeeze %dma_start3A_485 : memref<1x260x64xf32, #tpu.memory_space<hbm>> -> memref<260x64xf32, #tpu.memory_space<hbm>>
      %dma_start3A_487 = tpu.memref_slice %arg11[%dma_start3A_478] : memref<4x!tpu.dma_semaphore, #tpu.memory_space<semaphore_mem>> -> memref<1x!tpu.dma_semaphore, #tpu.memory_space<semaphore_mem>>
      %dma_start3A_488 = tpu.memref_squeeze %dma_start3A_487 : memref<1x!tpu.dma_semaphore, #tpu.memory_space<semaphore_mem>> -> memref<!tpu.dma_semaphore, #tpu.memory_space<semaphore_mem>>
      %dma_start3A_489 = arith.constant 260 : i32
      %dma_start3A_490 = arith.constant 0 : i32
      %dma_start3A_491 = tpu.memref_slice %arg5[%add3A_396, %dma_start3A_489, %dma_start3A_490] : memref<1024x520x64xf32, #tpu.memory_space<hbm>> -> memref<1x260x64xf32, #tpu.memory_space<hbm>>
      %dma_start3A_492 = tpu.memref_squeeze %dma_start3A_491 : memref<1x260x64xf32, #tpu.memory_space<hbm>> -> memref<260x64xf32, #tpu.memory_space<hbm>>
      %dma_start3A_493 = arith.constant 0 : i32
      %dma_start3A_494 = arith.constant 0 : i32
      %dma_start3A_495 = tpu.memref_slice %arg7[%dma_start3A_477, %dma_start3A_493, %dma_start3A_494] : memref<4x260x64xf32, #tpu.memory_space<vmem>> -> memref<1x260x64xf32, #tpu.memory_space<vmem>>
      %dma_start3A_496 = tpu.memref_squeeze %dma_start3A_495 : memref<1x260x64xf32, #tpu.memory_space<vmem>> -> memref<260x64xf32, #tpu.memory_space<vmem>>
      tpu.enqueue_dma source(%dma_start3A_496 : memref<260x64xf32, #tpu.memory_space<vmem>>) target(%dma_start3A_492 : memref<260x64xf32, #tpu.memory_space<hbm>>) target_semaphore(%dma_start3A_488 : memref<!tpu.dma_semaphore, #tpu.memory_space<semaphore_mem>>)
      %ge3A_497 = arith.constant 1 : i32
      %ge3A_498 = arith.cmpi sge, %scan3A_211, %ge3A_497 : i32
      %convert_element_type3A_499 = arith.extui %ge3A_498 : i1 to i32
      %cond3A_500 = arith.constant 0 : i32
      %cond3A_501 = arith.cmpi ne, %convert_element_type3A_499, %cond3A_500 : i32
      scf.if %cond3A_501 {
        %sub3A_831 = arith.constant 1 : i32
        %sub3A_832 = arith.subi %add3A_214, %sub3A_831 : i32
        %dma_wait3A_833 = arith.constant 3 : i32
        %dma_wait3A_834 = arith.constant 3 : i32
        %dma_wait3A_835 = arith.constant 0 : i32
        %dma_wait3A_836 = arith.constant 0 : i32
        %dma_wait3A_837 = tpu.memref_slice %arg7[%dma_wait3A_833, %dma_wait3A_835, %dma_wait3A_836] : memref<4x260x64xf32, #tpu.memory_space<vmem>> -> memref<1x260x64xf32, #tpu.memory_space<vmem>>
        %dma_wait3A_838 = tpu.memref_squeeze %dma_wait3A_837 : memref<1x260x64xf32, #tpu.memory_space<vmem>> -> memref<260x64xf32, #tpu.memory_space<vmem>>
        %dma_wait3A_839 = arith.constant 260 : i32
        %dma_wait3A_840 = arith.constant 0 : i32
        %dma_wait3A_841 = tpu.memref_slice %arg5[%sub3A_832, %dma_wait3A_839, %dma_wait3A_840] : memref<1024x520x64xf32, #tpu.memory_space<hbm>> -> memref<1x260x64xf32, #tpu.memory_space<hbm>>
        %dma_wait3A_842 = tpu.memref_squeeze %dma_wait3A_841 : memref<1x260x64xf32, #tpu.memory_space<hbm>> -> memref<260x64xf32, #tpu.memory_space<hbm>>
        %dma_wait3A_843 = tpu.memref_slice %arg11[%dma_wait3A_834] : memref<4x!tpu.dma_semaphore, #tpu.memory_space<semaphore_mem>> -> memref<1x!tpu.dma_semaphore, #tpu.memory_space<semaphore_mem>>
        %dma_wait3A_844 = tpu.memref_squeeze %dma_wait3A_843 : memref<1x!tpu.dma_semaphore, #tpu.memory_space<semaphore_mem>> -> memref<!tpu.dma_semaphore, #tpu.memory_space<semaphore_mem>>
        %dma_wait3A_845 = arith.constant 260 : i32
        %dma_wait3A_846 = arith.constant 0 : i32
        %dma_wait3A_847 = tpu.memref_slice %arg5[%sub3A_832, %dma_wait3A_845, %dma_wait3A_846] : memref<1024x520x64xf32, #tpu.memory_space<hbm>> -> memref<1x260x64xf32, #tpu.memory_space<hbm>>
        %dma_wait3A_848 = tpu.memref_squeeze %dma_wait3A_847 : memref<1x260x64xf32, #tpu.memory_space<hbm>> -> memref<260x64xf32, #tpu.memory_space<hbm>>
        %dma_wait3A_849 = arith.constant 0 : i32
        %dma_wait3A_850 = arith.constant 0 : i32
        %dma_wait3A_851 = tpu.memref_slice %arg7[%dma_wait3A_833, %dma_wait3A_849, %dma_wait3A_850] : memref<4x260x64xf32, #tpu.memory_space<vmem>> -> memref<1x260x64xf32, #tpu.memory_space<vmem>>
        %dma_wait3A_852 = tpu.memref_squeeze %dma_wait3A_851 : memref<1x260x64xf32, #tpu.memory_space<vmem>> -> memref<260x64xf32, #tpu.memory_space<vmem>>
        tpu.wait_dma2 semaphore(%dma_wait3A_844 : memref<!tpu.dma_semaphore, #tpu.memory_space<semaphore_mem>>) src(%dma_wait3A_852 : memref<260x64xf32, #tpu.memory_space<vmem>>) dst(%dma_wait3A_848 : memref<260x64xf32, #tpu.memory_space<hbm>>)
      } else {
      }
      %mul3A_502 = arith.constant 4 : i32
      %mul3A_503 = arith.muli %mul3A_502, %scan3A_211 : i32
      %add3A_504 = arith.constant 1 : i32
      %add3A_505 = arith.addi %mul3A_503, %add3A_504 : i32
      %add3A_506 = arith.constant 2 : i32
      %add3A_507 = arith.addi %add3A_505, %add3A_506 : i32
      %dma_start3A_508 = arith.constant 3 : i32
      %dma_start3A_509 = arith.constant 3 : i32
      %dma_start3A_510 = arith.constant 0 : i32
      %dma_start3A_511 = arith.constant 0 : i32
      %dma_start3A_512 = tpu.memref_slice %arg7[%dma_start3A_508, %dma_start3A_510, %dma_start3A_511] : memref<4x260x64xf32, #tpu.memory_space<vmem>> -> memref<1x64x64xf32, #tpu.memory_space<vmem>>
      %dma_start3A_513 = tpu.memref_squeeze %dma_start3A_512 : memref<1x64x64xf32, #tpu.memory_space<vmem>> -> memref<64x64xf32, #tpu.memory_space<vmem>>
      %dma_start3A_514 = arith.constant 0 : i32
      %dma_start3A_515 = tpu.memref_slice %arg9[%add3A_507, %dma_start3A_514] : memref<64x260xi32, #tpu.memory_space<vmem>> -> memref<1x64xi32, #tpu.memory_space<vmem>>
      %dma_start3A_516 = tpu.memref_squeeze %dma_start3A_515 : memref<1x64xi32, #tpu.memory_space<vmem>> -> memref<64xi32, #tpu.memory_space<vmem>>
      %dma_start3A_517 = arith.constant 0 : i32
      %dma_start3A_518 = arith.constant 0 : i32
      %dma_start3A_519 = tpu.memref_slice %arg3[%dma_start3A_517, %dma_start3A_518] : memref<1000000x64xf32, #tpu.memory_space<hbm>> -> memref<1000000x64xf32, #tpu.memory_space<hbm>>
      %dma_start3A_520 = tpu.memref_slice %arg10[%dma_start3A_509] : memref<4x!tpu.dma_semaphore, #tpu.memory_space<semaphore_mem>> -> memref<1x!tpu.dma_semaphore, #tpu.memory_space<semaphore_mem>>
      %dma_start3A_521 = tpu.memref_squeeze %dma_start3A_520 : memref<1x!tpu.dma_semaphore, #tpu.memory_space<semaphore_mem>> -> memref<!tpu.dma_semaphore, #tpu.memory_space<semaphore_mem>>
      tpu.enqueue_indirect_dma source(%dma_start3A_519 : memref<1000000x64xf32, #tpu.memory_space<hbm>>) target(%dma_start3A_513 : memref<64x64xf32, #tpu.memory_space<vmem>>) offsets(%dma_start3A_516 : memref<64xi32, #tpu.memory_space<vmem>>) semaphore(%dma_start3A_521 : memref<!tpu.dma_semaphore, #tpu.memory_space<semaphore_mem>>)
      %dma_start3A_522 = arith.constant 3 : i32
      %dma_start3A_523 = arith.constant 3 : i32
      %dma_start3A_524 = arith.constant 64 : i32
      %dma_start3A_525 = arith.constant 0 : i32
      %dma_start3A_526 = tpu.memref_slice %arg7[%dma_start3A_522, %dma_start3A_524, %dma_start3A_525] : memref<4x260x64xf32, #tpu.memory_space<vmem>> -> memref<1x64x64xf32, #tpu.memory_space<vmem>>
      %dma_start3A_527 = tpu.memref_squeeze %dma_start3A_526 : memref<1x64x64xf32, #tpu.memory_space<vmem>> -> memref<64x64xf32, #tpu.memory_space<vmem>>
      %dma_start3A_528 = arith.constant 64 : i32
      %dma_start3A_529 = tpu.memref_slice %arg9[%add3A_507, %dma_start3A_528] : memref<64x260xi32, #tpu.memory_space<vmem>> -> memref<1x64xi32, #tpu.memory_space<vmem>>
      %dma_start3A_530 = tpu.memref_squeeze %dma_start3A_529 : memref<1x64xi32, #tpu.memory_space<vmem>> -> memref<64xi32, #tpu.memory_space<vmem>>
      %dma_start3A_531 = arith.constant 0 : i32
      %dma_start3A_532 = arith.constant 0 : i32
      %dma_start3A_533 = tpu.memref_slice %arg3[%dma_start3A_531, %dma_start3A_532] : memref<1000000x64xf32, #tpu.memory_space<hbm>> -> memref<1000000x64xf32, #tpu.memory_space<hbm>>
      %dma_start3A_534 = tpu.memref_slice %arg10[%dma_start3A_523] : memref<4x!tpu.dma_semaphore, #tpu.memory_space<semaphore_mem>> -> memref<1x!tpu.dma_semaphore, #tpu.memory_space<semaphore_mem>>
      %dma_start3A_535 = tpu.memref_squeeze %dma_start3A_534 : memref<1x!tpu.dma_semaphore, #tpu.memory_space<semaphore_mem>> -> memref<!tpu.dma_semaphore, #tpu.memory_space<semaphore_mem>>
      tpu.enqueue_indirect_dma source(%dma_start3A_533 : memref<1000000x64xf32, #tpu.memory_space<hbm>>) target(%dma_start3A_527 : memref<64x64xf32, #tpu.memory_space<vmem>>) offsets(%dma_start3A_530 : memref<64xi32, #tpu.memory_space<vmem>>) semaphore(%dma_start3A_535 : memref<!tpu.dma_semaphore, #tpu.memory_space<semaphore_mem>>)
      %dma_start3A_536 = arith.constant 3 : i32
      %dma_start3A_537 = arith.constant 3 : i32
      %dma_start3A_538 = arith.constant 128 : i32
      %dma_start3A_539 = arith.constant 0 : i32
      %dma_start3A_540 = tpu.memref_slice %arg7[%dma_start3A_536, %dma_start3A_538, %dma_start3A_539] : memref<4x260x64xf32, #tpu.memory_space<vmem>> -> memref<1x64x64xf32, #tpu.memory_space<vmem>>
      %dma_start3A_541 = tpu.memref_squeeze %dma_start3A_540 : memref<1x64x64xf32, #tpu.memory_space<vmem>> -> memref<64x64xf32, #tpu.memory_space<vmem>>
      %dma_start3A_542 = arith.constant 128 : i32
      %dma_start3A_543 = tpu.memref_slice %arg9[%add3A_507, %dma_start3A_542] : memref<64x260xi32, #tpu.memory_space<vmem>> -> memref<1x64xi32, #tpu.memory_space<vmem>>
      %dma_start3A_544 = tpu.memref_squeeze %dma_start3A_543 : memref<1x64xi32, #tpu.memory_space<vmem>> -> memref<64xi32, #tpu.memory_space<vmem>>
      %dma_start3A_545 = arith.constant 0 : i32
      %dma_start3A_546 = arith.constant 0 : i32
      %dma_start3A_547 = tpu.memref_slice %arg3[%dma_start3A_545, %dma_start3A_546] : memref<1000000x64xf32, #tpu.memory_space<hbm>> -> memref<1000000x64xf32, #tpu.memory_space<hbm>>
      %dma_start3A_548 = tpu.memref_slice %arg10[%dma_start3A_537] : memref<4x!tpu.dma_semaphore, #tpu.memory_space<semaphore_mem>> -> memref<1x!tpu.dma_semaphore, #tpu.memory_space<semaphore_mem>>
      %dma_start3A_549 = tpu.memref_squeeze %dma_start3A_548 : memref<1x!tpu.dma_semaphore, #tpu.memory_space<semaphore_mem>> -> memref<!tpu.dma_semaphore, #tpu.memory_space<semaphore_mem>>
      tpu.enqueue_indirect_dma source(%dma_start3A_547 : memref<1000000x64xf32, #tpu.memory_space<hbm>>) target(%dma_start3A_541 : memref<64x64xf32, #tpu.memory_space<vmem>>) offsets(%dma_start3A_544 : memref<64xi32, #tpu.memory_space<vmem>>) semaphore(%dma_start3A_549 : memref<!tpu.dma_semaphore, #tpu.memory_space<semaphore_mem>>)
      %dma_start3A_550 = arith.constant 3 : i32
      %dma_start3A_551 = arith.constant 3 : i32
      %dma_start3A_552 = arith.constant 192 : i32
      %dma_start3A_553 = arith.constant 0 : i32
      %dma_start3A_554 = tpu.memref_slice %arg7[%dma_start3A_550, %dma_start3A_552, %dma_start3A_553] : memref<4x260x64xf32, #tpu.memory_space<vmem>> -> memref<1x64x64xf32, #tpu.memory_space<vmem>>
      %dma_start3A_555 = tpu.memref_squeeze %dma_start3A_554 : memref<1x64x64xf32, #tpu.memory_space<vmem>> -> memref<64x64xf32, #tpu.memory_space<vmem>>
      %dma_start3A_556 = arith.constant 192 : i32
      %dma_start3A_557 = tpu.memref_slice %arg9[%add3A_507, %dma_start3A_556] : memref<64x260xi32, #tpu.memory_space<vmem>> -> memref<1x64xi32, #tpu.memory_space<vmem>>
      %dma_start3A_558 = tpu.memref_squeeze %dma_start3A_557 : memref<1x64xi32, #tpu.memory_space<vmem>> -> memref<64xi32, #tpu.memory_space<vmem>>
      %dma_start3A_559 = arith.constant 0 : i32
      %dma_start3A_560 = arith.constant 0 : i32
      %dma_start3A_561 = tpu.memref_slice %arg3[%dma_start3A_559, %dma_start3A_560] : memref<1000000x64xf32, #tpu.memory_space<hbm>> -> memref<1000000x64xf32, #tpu.memory_space<hbm>>
      %dma_start3A_562 = tpu.memref_slice %arg10[%dma_start3A_551] : memref<4x!tpu.dma_semaphore, #tpu.memory_space<semaphore_mem>> -> memref<1x!tpu.dma_semaphore, #tpu.memory_space<semaphore_mem>>
      %dma_start3A_563 = tpu.memref_squeeze %dma_start3A_562 : memref<1x!tpu.dma_semaphore, #tpu.memory_space<semaphore_mem>> -> memref<!tpu.dma_semaphore, #tpu.memory_space<semaphore_mem>>
      tpu.enqueue_indirect_dma source(%dma_start3A_561 : memref<1000000x64xf32, #tpu.memory_space<hbm>>) target(%dma_start3A_555 : memref<64x64xf32, #tpu.memory_space<vmem>>) offsets(%dma_start3A_558 : memref<64xi32, #tpu.memory_space<vmem>>) semaphore(%dma_start3A_563 : memref<!tpu.dma_semaphore, #tpu.memory_space<semaphore_mem>>)
      %dma_start3A_564 = arith.constant 3 : i32
      %dma_start3A_565 = arith.constant 3 : i32
      %dma_start3A_566 = arith.constant 256 : i32
      %dma_start3A_567 = arith.constant 0 : i32
      %dma_start3A_568 = tpu.memref_slice %arg7[%dma_start3A_564, %dma_start3A_566, %dma_start3A_567] : memref<4x260x64xf32, #tpu.memory_space<vmem>> -> memref<1x4x64xf32, #tpu.memory_space<vmem>>
      %dma_start3A_569 = tpu.memref_squeeze %dma_start3A_568 : memref<1x4x64xf32, #tpu.memory_space<vmem>> -> memref<4x64xf32, #tpu.memory_space<vmem>>
      %dma_start3A_570 = arith.constant 256 : i32
      %dma_start3A_571 = tpu.memref_slice %arg9[%add3A_507, %dma_start3A_570] : memref<64x260xi32, #tpu.memory_space<vmem>> -> memref<1x4xi32, #tpu.memory_space<vmem>>
      %dma_start3A_572 = tpu.memref_squeeze %dma_start3A_571 : memref<1x4xi32, #tpu.memory_space<vmem>> -> memref<4xi32, #tpu.memory_space<vmem>>
      %dma_start3A_573 = arith.constant 0 : i32
      %dma_start3A_574 = arith.constant 0 : i32
      %dma_start3A_575 = tpu.memref_slice %arg3[%dma_start3A_573, %dma_start3A_574] : memref<1000000x64xf32, #tpu.memory_space<hbm>> -> memref<1000000x64xf32, #tpu.memory_space<hbm>>
      %dma_start3A_576 = tpu.memref_slice %arg10[%dma_start3A_565] : memref<4x!tpu.dma_semaphore, #tpu.memory_space<semaphore_mem>> -> memref<1x!tpu.dma_semaphore, #tpu.memory_space<semaphore_mem>>
      %dma_start3A_577 = tpu.memref_squeeze %dma_start3A_576 : memref<1x!tpu.dma_semaphore, #tpu.memory_space<semaphore_mem>> -> memref<!tpu.dma_semaphore, #tpu.memory_space<semaphore_mem>>
      tpu.enqueue_indirect_dma source(%dma_start3A_575 : memref<1000000x64xf32, #tpu.memory_space<hbm>>) target(%dma_start3A_569 : memref<4x64xf32, #tpu.memory_space<vmem>>) offsets(%dma_start3A_572 : memref<4xi32, #tpu.memory_space<vmem>>) semaphore(%dma_start3A_577 : memref<!tpu.dma_semaphore, #tpu.memory_space<semaphore_mem>>)
      %add3A_578 = arith.constant 1 : i32
      %add3A_579 = arith.addi %add3A_214, %add3A_578 : i32
      %mul3A_580 = arith.constant 4 : i32
      %mul3A_581 = arith.muli %mul3A_580, %scan3A_211 : i32
      %add3A_582 = arith.constant 2 : i32
      %add3A_583 = arith.addi %mul3A_581, %add3A_582 : i32
      %dma_wait3A_584 = arith.constant 2 : i32
      %dma_wait3A_585 = arith.constant 2 : i32
      %dma_wait3A_586 = arith.constant 0 : i32
      %dma_wait3A_587 = arith.constant 0 : i32
      %dma_wait3A_588 = tpu.memref_slice %arg7[%dma_wait3A_584, %dma_wait3A_586, %dma_wait3A_587] : memref<4x260x64xf32, #tpu.memory_space<vmem>> -> memref<1x64x64xf32, #tpu.memory_space<vmem>>
      %dma_wait3A_589 = tpu.memref_squeeze %dma_wait3A_588 : memref<1x64x64xf32, #tpu.memory_space<vmem>> -> memref<64x64xf32, #tpu.memory_space<vmem>>
      %dma_wait3A_590 = arith.constant 0 : i32
      %dma_wait3A_591 = tpu.memref_slice %arg9[%add3A_583, %dma_wait3A_590] : memref<64x260xi32, #tpu.memory_space<vmem>> -> memref<1x64xi32, #tpu.memory_space<vmem>>
      %dma_wait3A_592 = tpu.memref_squeeze %dma_wait3A_591 : memref<1x64xi32, #tpu.memory_space<vmem>> -> memref<64xi32, #tpu.memory_space<vmem>>
      %dma_wait3A_593 = arith.constant 0 : i32
      %dma_wait3A_594 = arith.constant 0 : i32
      %dma_wait3A_595 = tpu.memref_slice %arg3[%dma_wait3A_593, %dma_wait3A_594] : memref<1000000x64xf32, #tpu.memory_space<hbm>> -> memref<1000000x64xf32, #tpu.memory_space<hbm>>
      %dma_wait3A_596 = tpu.memref_slice %arg10[%dma_wait3A_585] : memref<4x!tpu.dma_semaphore, #tpu.memory_space<semaphore_mem>> -> memref<1x!tpu.dma_semaphore, #tpu.memory_space<semaphore_mem>>
      %dma_wait3A_597 = tpu.memref_squeeze %dma_wait3A_596 : memref<1x!tpu.dma_semaphore, #tpu.memory_space<semaphore_mem>> -> memref<!tpu.dma_semaphore, #tpu.memory_space<semaphore_mem>>
      tpu.wait_indirect_dma semaphore(%dma_wait3A_597 : memref<!tpu.dma_semaphore, #tpu.memory_space<semaphore_mem>>) src(%dma_wait3A_595 : memref<1000000x64xf32, #tpu.memory_space<hbm>>) dst(%dma_wait3A_589 : memref<64x64xf32, #tpu.memory_space<vmem>>)
      %dma_wait3A_598 = arith.constant 2 : i32
      %dma_wait3A_599 = arith.constant 2 : i32
      %dma_wait3A_600 = arith.constant 64 : i32
      %dma_wait3A_601 = arith.constant 0 : i32
      %dma_wait3A_602 = tpu.memref_slice %arg7[%dma_wait3A_598, %dma_wait3A_600, %dma_wait3A_601] : memref<4x260x64xf32, #tpu.memory_space<vmem>> -> memref<1x64x64xf32, #tpu.memory_space<vmem>>
      %dma_wait3A_603 = tpu.memref_squeeze %dma_wait3A_602 : memref<1x64x64xf32, #tpu.memory_space<vmem>> -> memref<64x64xf32, #tpu.memory_space<vmem>>
      %dma_wait3A_604 = arith.constant 64 : i32
      %dma_wait3A_605 = tpu.memref_slice %arg9[%add3A_583, %dma_wait3A_604] : memref<64x260xi32, #tpu.memory_space<vmem>> -> memref<1x64xi32, #tpu.memory_space<vmem>>
      %dma_wait3A_606 = tpu.memref_squeeze %dma_wait3A_605 : memref<1x64xi32, #tpu.memory_space<vmem>> -> memref<64xi32, #tpu.memory_space<vmem>>
      %dma_wait3A_607 = arith.constant 0 : i32
      %dma_wait3A_608 = arith.constant 0 : i32
      %dma_wait3A_609 = tpu.memref_slice %arg3[%dma_wait3A_607, %dma_wait3A_608] : memref<1000000x64xf32, #tpu.memory_space<hbm>> -> memref<1000000x64xf32, #tpu.memory_space<hbm>>
      %dma_wait3A_610 = tpu.memref_slice %arg10[%dma_wait3A_599] : memref<4x!tpu.dma_semaphore, #tpu.memory_space<semaphore_mem>> -> memref<1x!tpu.dma_semaphore, #tpu.memory_space<semaphore_mem>>
      %dma_wait3A_611 = tpu.memref_squeeze %dma_wait3A_610 : memref<1x!tpu.dma_semaphore, #tpu.memory_space<semaphore_mem>> -> memref<!tpu.dma_semaphore, #tpu.memory_space<semaphore_mem>>
      tpu.wait_indirect_dma semaphore(%dma_wait3A_611 : memref<!tpu.dma_semaphore, #tpu.memory_space<semaphore_mem>>) src(%dma_wait3A_609 : memref<1000000x64xf32, #tpu.memory_space<hbm>>) dst(%dma_wait3A_603 : memref<64x64xf32, #tpu.memory_space<vmem>>)
      %dma_wait3A_612 = arith.constant 2 : i32
      %dma_wait3A_613 = arith.constant 2 : i32
      %dma_wait3A_614 = arith.constant 128 : i32
      %dma_wait3A_615 = arith.constant 0 : i32
      %dma_wait3A_616 = tpu.memref_slice %arg7[%dma_wait3A_612, %dma_wait3A_614, %dma_wait3A_615] : memref<4x260x64xf32, #tpu.memory_space<vmem>> -> memref<1x64x64xf32, #tpu.memory_space<vmem>>
      %dma_wait3A_617 = tpu.memref_squeeze %dma_wait3A_616 : memref<1x64x64xf32, #tpu.memory_space<vmem>> -> memref<64x64xf32, #tpu.memory_space<vmem>>
      %dma_wait3A_618 = arith.constant 128 : i32
      %dma_wait3A_619 = tpu.memref_slice %arg9[%add3A_583, %dma_wait3A_618] : memref<64x260xi32, #tpu.memory_space<vmem>> -> memref<1x64xi32, #tpu.memory_space<vmem>>
      %dma_wait3A_620 = tpu.memref_squeeze %dma_wait3A_619 : memref<1x64xi32, #tpu.memory_space<vmem>> -> memref<64xi32, #tpu.memory_space<vmem>>
      %dma_wait3A_621 = arith.constant 0 : i32
      %dma_wait3A_622 = arith.constant 0 : i32
      %dma_wait3A_623 = tpu.memref_slice %arg3[%dma_wait3A_621, %dma_wait3A_622] : memref<1000000x64xf32, #tpu.memory_space<hbm>> -> memref<1000000x64xf32, #tpu.memory_space<hbm>>
      %dma_wait3A_624 = tpu.memref_slice %arg10[%dma_wait3A_613] : memref<4x!tpu.dma_semaphore, #tpu.memory_space<semaphore_mem>> -> memref<1x!tpu.dma_semaphore, #tpu.memory_space<semaphore_mem>>
      %dma_wait3A_625 = tpu.memref_squeeze %dma_wait3A_624 : memref<1x!tpu.dma_semaphore, #tpu.memory_space<semaphore_mem>> -> memref<!tpu.dma_semaphore, #tpu.memory_space<semaphore_mem>>
      tpu.wait_indirect_dma semaphore(%dma_wait3A_625 : memref<!tpu.dma_semaphore, #tpu.memory_space<semaphore_mem>>) src(%dma_wait3A_623 : memref<1000000x64xf32, #tpu.memory_space<hbm>>) dst(%dma_wait3A_617 : memref<64x64xf32, #tpu.memory_space<vmem>>)
      %dma_wait3A_626 = arith.constant 2 : i32
      %dma_wait3A_627 = arith.constant 2 : i32
      %dma_wait3A_628 = arith.constant 192 : i32
      %dma_wait3A_629 = arith.constant 0 : i32
      %dma_wait3A_630 = tpu.memref_slice %arg7[%dma_wait3A_626, %dma_wait3A_628, %dma_wait3A_629] : memref<4x260x64xf32, #tpu.memory_space<vmem>> -> memref<1x64x64xf32, #tpu.memory_space<vmem>>
      %dma_wait3A_631 = tpu.memref_squeeze %dma_wait3A_630 : memref<1x64x64xf32, #tpu.memory_space<vmem>> -> memref<64x64xf32, #tpu.memory_space<vmem>>
      %dma_wait3A_632 = arith.constant 192 : i32
      %dma_wait3A_633 = tpu.memref_slice %arg9[%add3A_583, %dma_wait3A_632] : memref<64x260xi32, #tpu.memory_space<vmem>> -> memref<1x64xi32, #tpu.memory_space<vmem>>
      %dma_wait3A_634 = tpu.memref_squeeze %dma_wait3A_633 : memref<1x64xi32, #tpu.memory_space<vmem>> -> memref<64xi32, #tpu.memory_space<vmem>>
      %dma_wait3A_635 = arith.constant 0 : i32
      %dma_wait3A_636 = arith.constant 0 : i32
      %dma_wait3A_637 = tpu.memref_slice %arg3[%dma_wait3A_635, %dma_wait3A_636] : memref<1000000x64xf32, #tpu.memory_space<hbm>> -> memref<1000000x64xf32, #tpu.memory_space<hbm>>
      %dma_wait3A_638 = tpu.memref_slice %arg10[%dma_wait3A_627] : memref<4x!tpu.dma_semaphore, #tpu.memory_space<semaphore_mem>> -> memref<1x!tpu.dma_semaphore, #tpu.memory_space<semaphore_mem>>
      %dma_wait3A_639 = tpu.memref_squeeze %dma_wait3A_638 : memref<1x!tpu.dma_semaphore, #tpu.memory_space<semaphore_mem>> -> memref<!tpu.dma_semaphore, #tpu.memory_space<semaphore_mem>>
      tpu.wait_indirect_dma semaphore(%dma_wait3A_639 : memref<!tpu.dma_semaphore, #tpu.memory_space<semaphore_mem>>) src(%dma_wait3A_637 : memref<1000000x64xf32, #tpu.memory_space<hbm>>) dst(%dma_wait3A_631 : memref<64x64xf32, #tpu.memory_space<vmem>>)
      %dma_wait3A_640 = arith.constant 2 : i32
      %dma_wait3A_641 = arith.constant 2 : i32
      %dma_wait3A_642 = arith.constant 256 : i32
      %dma_wait3A_643 = arith.constant 0 : i32
      %dma_wait3A_644 = tpu.memref_slice %arg7[%dma_wait3A_640, %dma_wait3A_642, %dma_wait3A_643] : memref<4x260x64xf32, #tpu.memory_space<vmem>> -> memref<1x4x64xf32, #tpu.memory_space<vmem>>
      %dma_wait3A_645 = tpu.memref_squeeze %dma_wait3A_644 : memref<1x4x64xf32, #tpu.memory_space<vmem>> -> memref<4x64xf32, #tpu.memory_space<vmem>>
      %dma_wait3A_646 = arith.constant 256 : i32
      %dma_wait3A_647 = tpu.memref_slice %arg9[%add3A_583, %dma_wait3A_646] : memref<64x260xi32, #tpu.memory_space<vmem>> -> memref<1x4xi32, #tpu.memory_space<vmem>>
      %dma_wait3A_648 = tpu.memref_squeeze %dma_wait3A_647 : memref<1x4xi32, #tpu.memory_space<vmem>> -> memref<4xi32, #tpu.memory_space<vmem>>
      %dma_wait3A_649 = arith.constant 0 : i32
      %dma_wait3A_650 = arith.constant 0 : i32
      %dma_wait3A_651 = tpu.memref_slice %arg3[%dma_wait3A_649, %dma_wait3A_650] : memref<1000000x64xf32, #tpu.memory_space<hbm>> -> memref<1000000x64xf32, #tpu.memory_space<hbm>>
      %dma_wait3A_652 = tpu.memref_slice %arg10[%dma_wait3A_641] : memref<4x!tpu.dma_semaphore, #tpu.memory_space<semaphore_mem>> -> memref<1x!tpu.dma_semaphore, #tpu.memory_space<semaphore_mem>>
      %dma_wait3A_653 = tpu.memref_squeeze %dma_wait3A_652 : memref<1x!tpu.dma_semaphore, #tpu.memory_space<semaphore_mem>> -> memref<!tpu.dma_semaphore, #tpu.memory_space<semaphore_mem>>
      tpu.wait_indirect_dma semaphore(%dma_wait3A_653 : memref<!tpu.dma_semaphore, #tpu.memory_space<semaphore_mem>>) src(%dma_wait3A_651 : memref<1000000x64xf32, #tpu.memory_space<hbm>>) dst(%dma_wait3A_645 : memref<4x64xf32, #tpu.memory_space<vmem>>)
      %scan3A_654 = arith.constant 0 : i32
      %scan3A_655 = arith.constant 0 : i32
      %scan3A_656 = arith.constant 260 : i32
      %scan3A_657 = arith.addi %scan3A_655, %scan3A_656 : i32
      %scan3A_658 = arith.constant 1 : i32
      scf.for %scan3A_831 = %scan3A_655 to %scan3A_657 step %scan3A_658  : i32 {
        %get3A = arith.constant 2 : i32
        %get3A_832 = arith.index_cast %get3A : i32 to index
        %get3A_833 = arith.index_cast %scan3A_831 : i32 to index
        %get3A_834 = arith.constant 0 : index
        %get3A_835 = tpu.vector_load %arg7[%get3A_832, %get3A_833, %get3A_834] {strides = array<i32>} : memref<4x260x64xf32, #tpu.memory_space<vmem>>, vector<16xf32>,
        %add3A_836 = arith.constant 0 : i32
        %add3A_837 = arith.addi %add3A_836, %scan3A_831 : i32
        %get3A_838 = arith.index_cast %add3A_837 : i32 to index
        %get3A_839 = arith.constant 0 : index
        %get3A_840 = tpu.vector_load %arg6[%get3A_838, %get3A_839] {strides = array<i32>} : memref<520x64xf32, #tpu.memory_space<vmem>>, vector<16xf32>,
        %add3A_841 = arith.addf %get3A_835, %get3A_840 : vector<16xf32>
        %swap3A = arith.constant 2 : i32
        %swap3A_842 = arith.index_cast %swap3A : i32 to index
        %swap3A_843 = arith.index_cast %scan3A_831 : i32 to index
        %swap3A_844 = arith.constant 0 : index
        %swap3A_845 = tpu.vector_load %arg7[%swap3A_842, %swap3A_843, %swap3A_844] {strides = array<i32>} : memref<4x260x64xf32, #tpu.memory_space<vmem>>, vector<16xf32>,
        tpu.vector_store %arg7[%swap3A_842, %swap3A_843, %swap3A_844], %add3A_841 {strides = array<i32>} : memref<4x260x64xf32, #tpu.memory_space<vmem>>, vector<16xf32>,
        %get3A_846 = arith.constant 2 : i32
        %get3A_847 = arith.index_cast %get3A_846 : i32 to index
        %get3A_848 = arith.index_cast %scan3A_831 : i32 to index
        %get3A_849 = arith.constant 16 : index
        %get3A_850 = tpu.vector_load %arg7[%get3A_847, %get3A_848, %get3A_849] {strides = array<i32>} : memref<4x260x64xf32, #tpu.memory_space<vmem>>, vector<16xf32>,
        %add3A_851 = arith.constant 0 : i32
        %add3A_852 = arith.addi %add3A_851, %scan3A_831 : i32
        %get3A_853 = arith.index_cast %add3A_852 : i32 to index
        %get3A_854 = arith.constant 16 : index
        %get3A_855 = tpu.vector_load %arg6[%get3A_853, %get3A_854] {strides = array<i32>} : memref<520x64xf32, #tpu.memory_space<vmem>>, vector<16xf32>,
        %add3A_856 = arith.addf %get3A_850, %get3A_855 : vector<16xf32>
        %swap3A_857 = arith.constant 2 : i32
        %swap3A_858 = arith.index_cast %swap3A_857 : i32 to index
        %swap3A_859 = arith.index_cast %scan3A_831 : i32 to index
        %swap3A_860 = arith.constant 16 : index
        %swap3A_861 = tpu.vector_load %arg7[%swap3A_858, %swap3A_859, %swap3A_860] {strides = array<i32>} : memref<4x260x64xf32, #tpu.memory_space<vmem>>, vector<16xf32>,
        tpu.vector_store %arg7[%swap3A_858, %swap3A_859, %swap3A_860], %add3A_856 {strides = array<i32>} : memref<4x260x64xf32, #tpu.memory_space<vmem>>, vector<16xf32>,
        %get3A_862 = arith.constant 2 : i32
        %get3A_863 = arith.index_cast %get3A_862 : i32 to index
        %get3A_864 = arith.index_cast %scan3A_831 : i32 to index
        %get3A_865 = arith.constant 32 : index
        %get3A_866 = tpu.vector_load %arg7[%get3A_863, %get3A_864, %get3A_865] {strides = array<i32>} : memref<4x260x64xf32, #tpu.memory_space<vmem>>, vector<16xf32>,
        %add3A_867 = arith.constant 0 : i32
        %add3A_868 = arith.addi %add3A_867, %scan3A_831 : i32
        %get3A_869 = arith.index_cast %add3A_868 : i32 to index
        %get3A_870 = arith.constant 32 : index
        %get3A_871 = tpu.vector_load %arg6[%get3A_869, %get3A_870] {strides = array<i32>} : memref<520x64xf32, #tpu.memory_space<vmem>>, vector<16xf32>,
        %add3A_872 = arith.addf %get3A_866, %get3A_871 : vector<16xf32>
        %swap3A_873 = arith.constant 2 : i32
        %swap3A_874 = arith.index_cast %swap3A_873 : i32 to index
        %swap3A_875 = arith.index_cast %scan3A_831 : i32 to index
        %swap3A_876 = arith.constant 32 : index
        %swap3A_877 = tpu.vector_load %arg7[%swap3A_874, %swap3A_875, %swap3A_876] {strides = array<i32>} : memref<4x260x64xf32, #tpu.memory_space<vmem>>, vector<16xf32>,
        tpu.vector_store %arg7[%swap3A_874, %swap3A_875, %swap3A_876], %add3A_872 {strides = array<i32>} : memref<4x260x64xf32, #tpu.memory_space<vmem>>, vector<16xf32>,
        %get3A_878 = arith.constant 2 : i32
        %get3A_879 = arith.index_cast %get3A_878 : i32 to index
        %get3A_880 = arith.index_cast %scan3A_831 : i32 to index
        %get3A_881 = arith.constant 48 : index
        %get3A_882 = tpu.vector_load %arg7[%get3A_879, %get3A_880, %get3A_881] {strides = array<i32>} : memref<4x260x64xf32, #tpu.memory_space<vmem>>, vector<16xf32>,
        %add3A_883 = arith.constant 0 : i32
        %add3A_884 = arith.addi %add3A_883, %scan3A_831 : i32
        %get3A_885 = arith.index_cast %add3A_884 : i32 to index
        %get3A_886 = arith.constant 48 : index
        %get3A_887 = tpu.vector_load %arg6[%get3A_885, %get3A_886] {strides = array<i32>} : memref<520x64xf32, #tpu.memory_space<vmem>>, vector<16xf32>,
        %add3A_888 = arith.addf %get3A_882, %get3A_887 : vector<16xf32>
        %swap3A_889 = arith.constant 2 : i32
        %swap3A_890 = arith.index_cast %swap3A_889 : i32 to index
        %swap3A_891 = arith.index_cast %scan3A_831 : i32 to index
        %swap3A_892 = arith.constant 48 : index
        %swap3A_893 = tpu.vector_load %arg7[%swap3A_890, %swap3A_891, %swap3A_892] {strides = array<i32>} : memref<4x260x64xf32, #tpu.memory_space<vmem>>, vector<16xf32>,
        tpu.vector_store %arg7[%swap3A_890, %swap3A_891, %swap3A_892], %add3A_888 {strides = array<i32>} : memref<4x260x64xf32, #tpu.memory_space<vmem>>, vector<16xf32>,
      }
      %scan3A_659 = arith.constant 260 : i32
      %dma_start3A_660 = arith.constant 2 : i32
      %dma_start3A_661 = arith.constant 2 : i32
      %dma_start3A_662 = arith.constant 0 : i32
      %dma_start3A_663 = arith.constant 0 : i32
      %dma_start3A_664 = tpu.memref_slice %arg7[%dma_start3A_660, %dma_start3A_662, %dma_start3A_663] : memref<4x260x64xf32, #tpu.memory_space<vmem>> -> memref<1x260x64xf32, #tpu.memory_space<vmem>>
      %dma_start3A_665 = tpu.memref_squeeze %dma_start3A_664 : memref<1x260x64xf32, #tpu.memory_space<vmem>> -> memref<260x64xf32, #tpu.memory_space<vmem>>
      %dma_start3A_666 = arith.constant 0 : i32
      %dma_start3A_667 = arith.constant 0 : i32
      %dma_start3A_668 = tpu.memref_slice %arg5[%add3A_579, %dma_start3A_666, %dma_start3A_667] : memref<1024x520x64xf32, #tpu.memory_space<hbm>> -> memref<1x260x64xf32, #tpu.memory_space<hbm>>
      %dma_start3A_669 = tpu.memref_squeeze %dma_start3A_668 : memref<1x260x64xf32, #tpu.memory_space<hbm>> -> memref<260x64xf32, #tpu.memory_space<hbm>>
      %dma_start3A_670 = tpu.memref_slice %arg11[%dma_start3A_661] : memref<4x!tpu.dma_semaphore, #tpu.memory_space<semaphore_mem>> -> memref<1x!tpu.dma_semaphore, #tpu.memory_space<semaphore_mem>>
      %dma_start3A_671 = tpu.memref_squeeze %dma_start3A_670 : memref<1x!tpu.dma_semaphore, #tpu.memory_space<semaphore_mem>> -> memref<!tpu.dma_semaphore, #tpu.memory_space<semaphore_mem>>
      %dma_start3A_672 = arith.constant 0 : i32
      %dma_start3A_673 = arith.constant 0 : i32
      %dma_start3A_674 = tpu.memref_slice %arg5[%add3A_579, %dma_start3A_672, %dma_start3A_673] : memref<1024x520x64xf32, #tpu.memory_space<hbm>> -> memref<1x260x64xf32, #tpu.memory_space<hbm>>
      %dma_start3A_675 = tpu.memref_squeeze %dma_start3A_674 : memref<1x260x64xf32, #tpu.memory_space<hbm>> -> memref<260x64xf32, #tpu.memory_space<hbm>>
      %dma_start3A_676 = arith.constant 0 : i32
      %dma_start3A_677 = arith.constant 0 : i32
      %dma_start3A_678 = tpu.memref_slice %arg7[%dma_start3A_660, %dma_start3A_676, %dma_start3A_677] : memref<4x260x64xf32, #tpu.memory_space<vmem>> -> memref<1x260x64xf32, #tpu.memory_space<vmem>>
      %dma_start3A_679 = tpu.memref_squeeze %dma_start3A_678 : memref<1x260x64xf32, #tpu.memory_space<vmem>> -> memref<260x64xf32, #tpu.memory_space<vmem>>
      tpu.enqueue_dma source(%dma_start3A_679 : memref<260x64xf32, #tpu.memory_space<vmem>>) target(%dma_start3A_675 : memref<260x64xf32, #tpu.memory_space<hbm>>) target_semaphore(%dma_start3A_671 : memref<!tpu.dma_semaphore, #tpu.memory_space<semaphore_mem>>)
      %dma_wait3A_680 = arith.constant 0 : i32
      %dma_wait3A_681 = arith.constant 0 : i32
      %dma_wait3A_682 = arith.constant 0 : i32
      %dma_wait3A_683 = arith.constant 0 : i32
      %dma_wait3A_684 = tpu.memref_slice %arg7[%dma_wait3A_680, %dma_wait3A_682, %dma_wait3A_683] : memref<4x260x64xf32, #tpu.memory_space<vmem>> -> memref<1x260x64xf32, #tpu.memory_space<vmem>>
      %dma_wait3A_685 = tpu.memref_squeeze %dma_wait3A_684 : memref<1x260x64xf32, #tpu.memory_space<vmem>> -> memref<260x64xf32, #tpu.memory_space<vmem>>
      %dma_wait3A_686 = arith.constant 0 : i32
      %dma_wait3A_687 = arith.constant 0 : i32
      %dma_wait3A_688 = tpu.memref_slice %arg5[%add3A_214, %dma_wait3A_686, %dma_wait3A_687] : memref<1024x520x64xf32, #tpu.memory_space<hbm>> -> memref<1x260x64xf32, #tpu.memory_space<hbm>>
      %dma_wait3A_689 = tpu.memref_squeeze %dma_wait3A_688 : memref<1x260x64xf32, #tpu.memory_space<hbm>> -> memref<260x64xf32, #tpu.memory_space<hbm>>
      %dma_wait3A_690 = tpu.memref_slice %arg11[%dma_wait3A_681] : memref<4x!tpu.dma_semaphore, #tpu.memory_space<semaphore_mem>> -> memref<1x!tpu.dma_semaphore, #tpu.memory_space<semaphore_mem>>
      %dma_wait3A_691 = tpu.memref_squeeze %dma_wait3A_690 : memref<1x!tpu.dma_semaphore, #tpu.memory_space<semaphore_mem>> -> memref<!tpu.dma_semaphore, #tpu.memory_space<semaphore_mem>>
      %dma_wait3A_692 = arith.constant 0 : i32
      %dma_wait3A_693 = arith.constant 0 : i32
      %dma_wait3A_694 = tpu.memref_slice %arg5[%add3A_214, %dma_wait3A_692, %dma_wait3A_693] : memref<1024x520x64xf32, #tpu.memory_space<hbm>> -> memref<1x260x64xf32, #tpu.memory_space<hbm>>
      %dma_wait3A_695 = tpu.memref_squeeze %dma_wait3A_694 : memref<1x260x64xf32, #tpu.memory_space<hbm>> -> memref<260x64xf32, #tpu.memory_space<hbm>>
      %dma_wait3A_696 = arith.constant 0 : i32
      %dma_wait3A_697 = arith.constant 0 : i32
      %dma_wait3A_698 = tpu.memref_slice %arg7[%dma_wait3A_680, %dma_wait3A_696, %dma_wait3A_697] : memref<4x260x64xf32, #tpu.memory_space<vmem>> -> memref<1x260x64xf32, #tpu.memory_space<vmem>>
      %dma_wait3A_699 = tpu.memref_squeeze %dma_wait3A_698 : memref<1x260x64xf32, #tpu.memory_space<vmem>> -> memref<260x64xf32, #tpu.memory_space<vmem>>
      tpu.wait_dma2 semaphore(%dma_wait3A_691 : memref<!tpu.dma_semaphore, #tpu.memory_space<semaphore_mem>>) src(%dma_wait3A_699 : memref<260x64xf32, #tpu.memory_space<vmem>>) dst(%dma_wait3A_695 : memref<260x64xf32, #tpu.memory_space<hbm>>)
      %lt3A = arith.constant 15 : i32
      %lt3A_700 = arith.cmpi slt, %scan3A_211, %lt3A : i32
      %convert_element_type3A_701 = arith.extui %lt3A_700 : i1 to i32
      %cond3A_702 = arith.constant 0 : i32
      %cond3A_703 = arith.cmpi ne, %convert_element_type3A_701, %cond3A_702 : i32
      scf.if %cond3A_703 {
        %mul3A_831 = arith.constant 4 : i32
        %mul3A_832 = arith.muli %mul3A_831, %scan3A_211 : i32
        %add3A_833 = arith.constant 2 : i32
        %add3A_834 = arith.addi %mul3A_832, %add3A_833 : i32
        %add3A_835 = arith.constant 2 : i32
        %add3A_836 = arith.addi %add3A_834, %add3A_835 : i32
        %dma_start3A_837 = arith.constant 0 : i32
        %dma_start3A_838 = arith.constant 0 : i32
        %dma_start3A_839 = arith.constant 0 : i32
        %dma_start3A_840 = arith.constant 0 : i32
        %dma_start3A_841 = tpu.memref_slice %arg7[%dma_start3A_837, %dma_start3A_839, %dma_start3A_840] : memref<4x260x64xf32, #tpu.memory_space<vmem>> -> memref<1x64x64xf32, #tpu.memory_space<vmem>>
        %dma_start3A_842 = tpu.memref_squeeze %dma_start3A_841 : memref<1x64x64xf32, #tpu.memory_space<vmem>> -> memref<64x64xf32, #tpu.memory_space<vmem>>
        %dma_start3A_843 = arith.constant 0 : i32
        %dma_start3A_844 = tpu.memref_slice %arg9[%add3A_836, %dma_start3A_843] : memref<64x260xi32, #tpu.memory_space<vmem>> -> memref<1x64xi32, #tpu.memory_space<vmem>>
        %dma_start3A_845 = tpu.memref_squeeze %dma_start3A_844 : memref<1x64xi32, #tpu.memory_space<vmem>> -> memref<64xi32, #tpu.memory_space<vmem>>
        %dma_start3A_846 = arith.constant 0 : i32
        %dma_start3A_847 = arith.constant 0 : i32
        %dma_start3A_848 = tpu.memref_slice %arg3[%dma_start3A_846, %dma_start3A_847] : memref<1000000x64xf32, #tpu.memory_space<hbm>> -> memref<1000000x64xf32, #tpu.memory_space<hbm>>
        %dma_start3A_849 = tpu.memref_slice %arg10[%dma_start3A_838] : memref<4x!tpu.dma_semaphore, #tpu.memory_space<semaphore_mem>> -> memref<1x!tpu.dma_semaphore, #tpu.memory_space<semaphore_mem>>
        %dma_start3A_850 = tpu.memref_squeeze %dma_start3A_849 : memref<1x!tpu.dma_semaphore, #tpu.memory_space<semaphore_mem>> -> memref<!tpu.dma_semaphore, #tpu.memory_space<semaphore_mem>>
        tpu.enqueue_indirect_dma source(%dma_start3A_848 : memref<1000000x64xf32, #tpu.memory_space<hbm>>) target(%dma_start3A_842 : memref<64x64xf32, #tpu.memory_space<vmem>>) offsets(%dma_start3A_845 : memref<64xi32, #tpu.memory_space<vmem>>) semaphore(%dma_start3A_850 : memref<!tpu.dma_semaphore, #tpu.memory_space<semaphore_mem>>)
        %dma_start3A_851 = arith.constant 0 : i32
        %dma_start3A_852 = arith.constant 0 : i32
        %dma_start3A_853 = arith.constant 64 : i32
        %dma_start3A_854 = arith.constant 0 : i32
        %dma_start3A_855 = tpu.memref_slice %arg7[%dma_start3A_851, %dma_start3A_853, %dma_start3A_854] : memref<4x260x64xf32, #tpu.memory_space<vmem>> -> memref<1x64x64xf32, #tpu.memory_space<vmem>>
        %dma_start3A_856 = tpu.memref_squeeze %dma_start3A_855 : memref<1x64x64xf32, #tpu.memory_space<vmem>> -> memref<64x64xf32, #tpu.memory_space<vmem>>
        %dma_start3A_857 = arith.constant 64 : i32
        %dma_start3A_858 = tpu.memref_slice %arg9[%add3A_836, %dma_start3A_857] : memref<64x260xi32, #tpu.memory_space<vmem>> -> memref<1x64xi32, #tpu.memory_space<vmem>>
        %dma_start3A_859 = tpu.memref_squeeze %dma_start3A_858 : memref<1x64xi32, #tpu.memory_space<vmem>> -> memref<64xi32, #tpu.memory_space<vmem>>
        %dma_start3A_860 = arith.constant 0 : i32
        %dma_start3A_861 = arith.constant 0 : i32
        %dma_start3A_862 = tpu.memref_slice %arg3[%dma_start3A_860, %dma_start3A_861] : memref<1000000x64xf32, #tpu.memory_space<hbm>> -> memref<1000000x64xf32, #tpu.memory_space<hbm>>
        %dma_start3A_863 = tpu.memref_slice %arg10[%dma_start3A_852] : memref<4x!tpu.dma_semaphore, #tpu.memory_space<semaphore_mem>> -> memref<1x!tpu.dma_semaphore, #tpu.memory_space<semaphore_mem>>
        %dma_start3A_864 = tpu.memref_squeeze %dma_start3A_863 : memref<1x!tpu.dma_semaphore, #tpu.memory_space<semaphore_mem>> -> memref<!tpu.dma_semaphore, #tpu.memory_space<semaphore_mem>>
        tpu.enqueue_indirect_dma source(%dma_start3A_862 : memref<1000000x64xf32, #tpu.memory_space<hbm>>) target(%dma_start3A_856 : memref<64x64xf32, #tpu.memory_space<vmem>>) offsets(%dma_start3A_859 : memref<64xi32, #tpu.memory_space<vmem>>) semaphore(%dma_start3A_864 : memref<!tpu.dma_semaphore, #tpu.memory_space<semaphore_mem>>)
        %dma_start3A_865 = arith.constant 0 : i32
        %dma_start3A_866 = arith.constant 0 : i32
        %dma_start3A_867 = arith.constant 128 : i32
        %dma_start3A_868 = arith.constant 0 : i32
        %dma_start3A_869 = tpu.memref_slice %arg7[%dma_start3A_865, %dma_start3A_867, %dma_start3A_868] : memref<4x260x64xf32, #tpu.memory_space<vmem>> -> memref<1x64x64xf32, #tpu.memory_space<vmem>>
        %dma_start3A_870 = tpu.memref_squeeze %dma_start3A_869 : memref<1x64x64xf32, #tpu.memory_space<vmem>> -> memref<64x64xf32, #tpu.memory_space<vmem>>
        %dma_start3A_871 = arith.constant 128 : i32
        %dma_start3A_872 = tpu.memref_slice %arg9[%add3A_836, %dma_start3A_871] : memref<64x260xi32, #tpu.memory_space<vmem>> -> memref<1x64xi32, #tpu.memory_space<vmem>>
        %dma_start3A_873 = tpu.memref_squeeze %dma_start3A_872 : memref<1x64xi32, #tpu.memory_space<vmem>> -> memref<64xi32, #tpu.memory_space<vmem>>
        %dma_start3A_874 = arith.constant 0 : i32
        %dma_start3A_875 = arith.constant 0 : i32
        %dma_start3A_876 = tpu.memref_slice %arg3[%dma_start3A_874, %dma_start3A_875] : memref<1000000x64xf32, #tpu.memory_space<hbm>> -> memref<1000000x64xf32, #tpu.memory_space<hbm>>
        %dma_start3A_877 = tpu.memref_slice %arg10[%dma_start3A_866] : memref<4x!tpu.dma_semaphore, #tpu.memory_space<semaphore_mem>> -> memref<1x!tpu.dma_semaphore, #tpu.memory_space<semaphore_mem>>
        %dma_start3A_878 = tpu.memref_squeeze %dma_start3A_877 : memref<1x!tpu.dma_semaphore, #tpu.memory_space<semaphore_mem>> -> memref<!tpu.dma_semaphore, #tpu.memory_space<semaphore_mem>>
        tpu.enqueue_indirect_dma source(%dma_start3A_876 : memref<1000000x64xf32, #tpu.memory_space<hbm>>) target(%dma_start3A_870 : memref<64x64xf32, #tpu.memory_space<vmem>>) offsets(%dma_start3A_873 : memref<64xi32, #tpu.memory_space<vmem>>) semaphore(%dma_start3A_878 : memref<!tpu.dma_semaphore, #tpu.memory_space<semaphore_mem>>)
        %dma_start3A_879 = arith.constant 0 : i32
        %dma_start3A_880 = arith.constant 0 : i32
        %dma_start3A_881 = arith.constant 192 : i32
        %dma_start3A_882 = arith.constant 0 : i32
        %dma_start3A_883 = tpu.memref_slice %arg7[%dma_start3A_879, %dma_start3A_881, %dma_start3A_882] : memref<4x260x64xf32, #tpu.memory_space<vmem>> -> memref<1x64x64xf32, #tpu.memory_space<vmem>>
        %dma_start3A_884 = tpu.memref_squeeze %dma_start3A_883 : memref<1x64x64xf32, #tpu.memory_space<vmem>> -> memref<64x64xf32, #tpu.memory_space<vmem>>
        %dma_start3A_885 = arith.constant 192 : i32
        %dma_start3A_886 = tpu.memref_slice %arg9[%add3A_836, %dma_start3A_885] : memref<64x260xi32, #tpu.memory_space<vmem>> -> memref<1x64xi32, #tpu.memory_space<vmem>>
        %dma_start3A_887 = tpu.memref_squeeze %dma_start3A_886 : memref<1x64xi32, #tpu.memory_space<vmem>> -> memref<64xi32, #tpu.memory_space<vmem>>
        %dma_start3A_888 = arith.constant 0 : i32
        %dma_start3A_889 = arith.constant 0 : i32
        %dma_start3A_890 = tpu.memref_slice %arg3[%dma_start3A_888, %dma_start3A_889] : memref<1000000x64xf32, #tpu.memory_space<hbm>> -> memref<1000000x64xf32, #tpu.memory_space<hbm>>
        %dma_start3A_891 = tpu.memref_slice %arg10[%dma_start3A_880] : memref<4x!tpu.dma_semaphore, #tpu.memory_space<semaphore_mem>> -> memref<1x!tpu.dma_semaphore, #tpu.memory_space<semaphore_mem>>
        %dma_start3A_892 = tpu.memref_squeeze %dma_start3A_891 : memref<1x!tpu.dma_semaphore, #tpu.memory_space<semaphore_mem>> -> memref<!tpu.dma_semaphore, #tpu.memory_space<semaphore_mem>>
        tpu.enqueue_indirect_dma source(%dma_start3A_890 : memref<1000000x64xf32, #tpu.memory_space<hbm>>) target(%dma_start3A_884 : memref<64x64xf32, #tpu.memory_space<vmem>>) offsets(%dma_start3A_887 : memref<64xi32, #tpu.memory_space<vmem>>) semaphore(%dma_start3A_892 : memref<!tpu.dma_semaphore, #tpu.memory_space<semaphore_mem>>)
        %dma_start3A_893 = arith.constant 0 : i32
        %dma_start3A_894 = arith.constant 0 : i32
        %dma_start3A_895 = arith.constant 256 : i32
        %dma_start3A_896 = arith.constant 0 : i32
        %dma_start3A_897 = tpu.memref_slice %arg7[%dma_start3A_893, %dma_start3A_895, %dma_start3A_896] : memref<4x260x64xf32, #tpu.memory_space<vmem>> -> memref<1x4x64xf32, #tpu.memory_space<vmem>>
        %dma_start3A_898 = tpu.memref_squeeze %dma_start3A_897 : memref<1x4x64xf32, #tpu.memory_space<vmem>> -> memref<4x64xf32, #tpu.memory_space<vmem>>
        %dma_start3A_899 = arith.constant 256 : i32
        %dma_start3A_900 = tpu.memref_slice %arg9[%add3A_836, %dma_start3A_899] : memref<64x260xi32, #tpu.memory_space<vmem>> -> memref<1x4xi32, #tpu.memory_space<vmem>>
        %dma_start3A_901 = tpu.memref_squeeze %dma_start3A_900 : memref<1x4xi32, #tpu.memory_space<vmem>> -> memref<4xi32, #tpu.memory_space<vmem>>
        %dma_start3A_902 = arith.constant 0 : i32
        %dma_start3A_903 = arith.constant 0 : i32
        %dma_start3A_904 = tpu.memref_slice %arg3[%dma_start3A_902, %dma_start3A_903] : memref<1000000x64xf32, #tpu.memory_space<hbm>> -> memref<1000000x64xf32, #tpu.memory_space<hbm>>
        %dma_start3A_905 = tpu.memref_slice %arg10[%dma_start3A_894] : memref<4x!tpu.dma_semaphore, #tpu.memory_space<semaphore_mem>> -> memref<1x!tpu.dma_semaphore, #tpu.memory_space<semaphore_mem>>
        %dma_start3A_906 = tpu.memref_squeeze %dma_start3A_905 : memref<1x!tpu.dma_semaphore, #tpu.memory_space<semaphore_mem>> -> memref<!tpu.dma_semaphore, #tpu.memory_space<semaphore_mem>>
        tpu.enqueue_indirect_dma source(%dma_start3A_904 : memref<1000000x64xf32, #tpu.memory_space<hbm>>) target(%dma_start3A_898 : memref<4x64xf32, #tpu.memory_space<vmem>>) offsets(%dma_start3A_901 : memref<4xi32, #tpu.memory_space<vmem>>) semaphore(%dma_start3A_906 : memref<!tpu.dma_semaphore, #tpu.memory_space<semaphore_mem>>)
      } else {
      }
      %add3A_704 = arith.constant 1 : i32
      %add3A_705 = arith.addi %add3A_214, %add3A_704 : i32
      %mul3A_706 = arith.constant 4 : i32
      %mul3A_707 = arith.muli %mul3A_706, %scan3A_211 : i32
      %add3A_708 = arith.constant 3 : i32
      %add3A_709 = arith.addi %mul3A_707, %add3A_708 : i32
      %dma_wait3A_710 = arith.constant 3 : i32
      %dma_wait3A_711 = arith.constant 3 : i32
      %dma_wait3A_712 = arith.constant 0 : i32
      %dma_wait3A_713 = arith.constant 0 : i32
      %dma_wait3A_714 = tpu.memref_slice %arg7[%dma_wait3A_710, %dma_wait3A_712, %dma_wait3A_713] : memref<4x260x64xf32, #tpu.memory_space<vmem>> -> memref<1x64x64xf32, #tpu.memory_space<vmem>>
      %dma_wait3A_715 = tpu.memref_squeeze %dma_wait3A_714 : memref<1x64x64xf32, #tpu.memory_space<vmem>> -> memref<64x64xf32, #tpu.memory_space<vmem>>
      %dma_wait3A_716 = arith.constant 0 : i32
      %dma_wait3A_717 = tpu.memref_slice %arg9[%add3A_709, %dma_wait3A_716] : memref<64x260xi32, #tpu.memory_space<vmem>> -> memref<1x64xi32, #tpu.memory_space<vmem>>
      %dma_wait3A_718 = tpu.memref_squeeze %dma_wait3A_717 : memref<1x64xi32, #tpu.memory_space<vmem>> -> memref<64xi32, #tpu.memory_space<vmem>>
      %dma_wait3A_719 = arith.constant 0 : i32
      %dma_wait3A_720 = arith.constant 0 : i32
      %dma_wait3A_721 = tpu.memref_slice %arg3[%dma_wait3A_719, %dma_wait3A_720] : memref<1000000x64xf32, #tpu.memory_space<hbm>> -> memref<1000000x64xf32, #tpu.memory_space<hbm>>
      %dma_wait3A_722 = tpu.memref_slice %arg10[%dma_wait3A_711] : memref<4x!tpu.dma_semaphore, #tpu.memory_space<semaphore_mem>> -> memref<1x!tpu.dma_semaphore, #tpu.memory_space<semaphore_mem>>
      %dma_wait3A_723 = tpu.memref_squeeze %dma_wait3A_722 : memref<1x!tpu.dma_semaphore, #tpu.memory_space<semaphore_mem>> -> memref<!tpu.dma_semaphore, #tpu.memory_space<semaphore_mem>>
      tpu.wait_indirect_dma semaphore(%dma_wait3A_723 : memref<!tpu.dma_semaphore, #tpu.memory_space<semaphore_mem>>) src(%dma_wait3A_721 : memref<1000000x64xf32, #tpu.memory_space<hbm>>) dst(%dma_wait3A_715 : memref<64x64xf32, #tpu.memory_space<vmem>>)
      %dma_wait3A_724 = arith.constant 3 : i32
      %dma_wait3A_725 = arith.constant 3 : i32
      %dma_wait3A_726 = arith.constant 64 : i32
      %dma_wait3A_727 = arith.constant 0 : i32
      %dma_wait3A_728 = tpu.memref_slice %arg7[%dma_wait3A_724, %dma_wait3A_726, %dma_wait3A_727] : memref<4x260x64xf32, #tpu.memory_space<vmem>> -> memref<1x64x64xf32, #tpu.memory_space<vmem>>
      %dma_wait3A_729 = tpu.memref_squeeze %dma_wait3A_728 : memref<1x64x64xf32, #tpu.memory_space<vmem>> -> memref<64x64xf32, #tpu.memory_space<vmem>>
      %dma_wait3A_730 = arith.constant 64 : i32
      %dma_wait3A_731 = tpu.memref_slice %arg9[%add3A_709, %dma_wait3A_730] : memref<64x260xi32, #tpu.memory_space<vmem>> -> memref<1x64xi32, #tpu.memory_space<vmem>>
      %dma_wait3A_732 = tpu.memref_squeeze %dma_wait3A_731 : memref<1x64xi32, #tpu.memory_space<vmem>> -> memref<64xi32, #tpu.memory_space<vmem>>
      %dma_wait3A_733 = arith.constant 0 : i32
      %dma_wait3A_734 = arith.constant 0 : i32
      %dma_wait3A_735 = tpu.memref_slice %arg3[%dma_wait3A_733, %dma_wait3A_734] : memref<1000000x64xf32, #tpu.memory_space<hbm>> -> memref<1000000x64xf32, #tpu.memory_space<hbm>>
      %dma_wait3A_736 = tpu.memref_slice %arg10[%dma_wait3A_725] : memref<4x!tpu.dma_semaphore, #tpu.memory_space<semaphore_mem>> -> memref<1x!tpu.dma_semaphore, #tpu.memory_space<semaphore_mem>>
      %dma_wait3A_737 = tpu.memref_squeeze %dma_wait3A_736 : memref<1x!tpu.dma_semaphore, #tpu.memory_space<semaphore_mem>> -> memref<!tpu.dma_semaphore, #tpu.memory_space<semaphore_mem>>
      tpu.wait_indirect_dma semaphore(%dma_wait3A_737 : memref<!tpu.dma_semaphore, #tpu.memory_space<semaphore_mem>>) src(%dma_wait3A_735 : memref<1000000x64xf32, #tpu.memory_space<hbm>>) dst(%dma_wait3A_729 : memref<64x64xf32, #tpu.memory_space<vmem>>)
      %dma_wait3A_738 = arith.constant 3 : i32
      %dma_wait3A_739 = arith.constant 3 : i32
      %dma_wait3A_740 = arith.constant 128 : i32
      %dma_wait3A_741 = arith.constant 0 : i32
      %dma_wait3A_742 = tpu.memref_slice %arg7[%dma_wait3A_738, %dma_wait3A_740, %dma_wait3A_741] : memref<4x260x64xf32, #tpu.memory_space<vmem>> -> memref<1x64x64xf32, #tpu.memory_space<vmem>>
      %dma_wait3A_743 = tpu.memref_squeeze %dma_wait3A_742 : memref<1x64x64xf32, #tpu.memory_space<vmem>> -> memref<64x64xf32, #tpu.memory_space<vmem>>
      %dma_wait3A_744 = arith.constant 128 : i32
      %dma_wait3A_745 = tpu.memref_slice %arg9[%add3A_709, %dma_wait3A_744] : memref<64x260xi32, #tpu.memory_space<vmem>> -> memref<1x64xi32, #tpu.memory_space<vmem>>
      %dma_wait3A_746 = tpu.memref_squeeze %dma_wait3A_745 : memref<1x64xi32, #tpu.memory_space<vmem>> -> memref<64xi32, #tpu.memory_space<vmem>>
      %dma_wait3A_747 = arith.constant 0 : i32
      %dma_wait3A_748 = arith.constant 0 : i32
      %dma_wait3A_749 = tpu.memref_slice %arg3[%dma_wait3A_747, %dma_wait3A_748] : memref<1000000x64xf32, #tpu.memory_space<hbm>> -> memref<1000000x64xf32, #tpu.memory_space<hbm>>
      %dma_wait3A_750 = tpu.memref_slice %arg10[%dma_wait3A_739] : memref<4x!tpu.dma_semaphore, #tpu.memory_space<semaphore_mem>> -> memref<1x!tpu.dma_semaphore, #tpu.memory_space<semaphore_mem>>
      %dma_wait3A_751 = tpu.memref_squeeze %dma_wait3A_750 : memref<1x!tpu.dma_semaphore, #tpu.memory_space<semaphore_mem>> -> memref<!tpu.dma_semaphore, #tpu.memory_space<semaphore_mem>>
      tpu.wait_indirect_dma semaphore(%dma_wait3A_751 : memref<!tpu.dma_semaphore, #tpu.memory_space<semaphore_mem>>) src(%dma_wait3A_749 : memref<1000000x64xf32, #tpu.memory_space<hbm>>) dst(%dma_wait3A_743 : memref<64x64xf32, #tpu.memory_space<vmem>>)
      %dma_wait3A_752 = arith.constant 3 : i32
      %dma_wait3A_753 = arith.constant 3 : i32
      %dma_wait3A_754 = arith.constant 192 : i32
      %dma_wait3A_755 = arith.constant 0 : i32
      %dma_wait3A_756 = tpu.memref_slice %arg7[%dma_wait3A_752, %dma_wait3A_754, %dma_wait3A_755] : memref<4x260x64xf32, #tpu.memory_space<vmem>> -> memref<1x64x64xf32, #tpu.memory_space<vmem>>
      %dma_wait3A_757 = tpu.memref_squeeze %dma_wait3A_756 : memref<1x64x64xf32, #tpu.memory_space<vmem>> -> memref<64x64xf32, #tpu.memory_space<vmem>>
      %dma_wait3A_758 = arith.constant 192 : i32
      %dma_wait3A_759 = tpu.memref_slice %arg9[%add3A_709, %dma_wait3A_758] : memref<64x260xi32, #tpu.memory_space<vmem>> -> memref<1x64xi32, #tpu.memory_space<vmem>>
      %dma_wait3A_760 = tpu.memref_squeeze %dma_wait3A_759 : memref<1x64xi32, #tpu.memory_space<vmem>> -> memref<64xi32, #tpu.memory_space<vmem>>
      %dma_wait3A_761 = arith.constant 0 : i32
      %dma_wait3A_762 = arith.constant 0 : i32
      %dma_wait3A_763 = tpu.memref_slice %arg3[%dma_wait3A_761, %dma_wait3A_762] : memref<1000000x64xf32, #tpu.memory_space<hbm>> -> memref<1000000x64xf32, #tpu.memory_space<hbm>>
      %dma_wait3A_764 = tpu.memref_slice %arg10[%dma_wait3A_753] : memref<4x!tpu.dma_semaphore, #tpu.memory_space<semaphore_mem>> -> memref<1x!tpu.dma_semaphore, #tpu.memory_space<semaphore_mem>>
      %dma_wait3A_765 = tpu.memref_squeeze %dma_wait3A_764 : memref<1x!tpu.dma_semaphore, #tpu.memory_space<semaphore_mem>> -> memref<!tpu.dma_semaphore, #tpu.memory_space<semaphore_mem>>
      tpu.wait_indirect_dma semaphore(%dma_wait3A_765 : memref<!tpu.dma_semaphore, #tpu.memory_space<semaphore_mem>>) src(%dma_wait3A_763 : memref<1000000x64xf32, #tpu.memory_space<hbm>>) dst(%dma_wait3A_757 : memref<64x64xf32, #tpu.memory_space<vmem>>)
      %dma_wait3A_766 = arith.constant 3 : i32
      %dma_wait3A_767 = arith.constant 3 : i32
      %dma_wait3A_768 = arith.constant 256 : i32
      %dma_wait3A_769 = arith.constant 0 : i32
      %dma_wait3A_770 = tpu.memref_slice %arg7[%dma_wait3A_766, %dma_wait3A_768, %dma_wait3A_769] : memref<4x260x64xf32, #tpu.memory_space<vmem>> -> memref<1x4x64xf32, #tpu.memory_space<vmem>>
      %dma_wait3A_771 = tpu.memref_squeeze %dma_wait3A_770 : memref<1x4x64xf32, #tpu.memory_space<vmem>> -> memref<4x64xf32, #tpu.memory_space<vmem>>
      %dma_wait3A_772 = arith.constant 256 : i32
      %dma_wait3A_773 = tpu.memref_slice %arg9[%add3A_709, %dma_wait3A_772] : memref<64x260xi32, #tpu.memory_space<vmem>> -> memref<1x4xi32, #tpu.memory_space<vmem>>
      %dma_wait3A_774 = tpu.memref_squeeze %dma_wait3A_773 : memref<1x4xi32, #tpu.memory_space<vmem>> -> memref<4xi32, #tpu.memory_space<vmem>>
      %dma_wait3A_775 = arith.constant 0 : i32
      %dma_wait3A_776 = arith.constant 0 : i32
      %dma_wait3A_777 = tpu.memref_slice %arg3[%dma_wait3A_775, %dma_wait3A_776] : memref<1000000x64xf32, #tpu.memory_space<hbm>> -> memref<1000000x64xf32, #tpu.memory_space<hbm>>
      %dma_wait3A_778 = tpu.memref_slice %arg10[%dma_wait3A_767] : memref<4x!tpu.dma_semaphore, #tpu.memory_space<semaphore_mem>> -> memref<1x!tpu.dma_semaphore, #tpu.memory_space<semaphore_mem>>
      %dma_wait3A_779 = tpu.memref_squeeze %dma_wait3A_778 : memref<1x!tpu.dma_semaphore, #tpu.memory_space<semaphore_mem>> -> memref<!tpu.dma_semaphore, #tpu.memory_space<semaphore_mem>>
      tpu.wait_indirect_dma semaphore(%dma_wait3A_779 : memref<!tpu.dma_semaphore, #tpu.memory_space<semaphore_mem>>) src(%dma_wait3A_777 : memref<1000000x64xf32, #tpu.memory_space<hbm>>) dst(%dma_wait3A_771 : memref<4x64xf32, #tpu.memory_space<vmem>>)
      %scan3A_780 = arith.constant 0 : i32
      %scan3A_781 = arith.constant 0 : i32
      %scan3A_782 = arith.constant 260 : i32
      %scan3A_783 = arith.addi %scan3A_781, %scan3A_782 : i32
      %scan3A_784 = arith.constant 1 : i32
      scf.for %scan3A_831 = %scan3A_781 to %scan3A_783 step %scan3A_784  : i32 {
        %get3A = arith.constant 3 : i32
        %get3A_832 = arith.index_cast %get3A : i32 to index
        %get3A_833 = arith.index_cast %scan3A_831 : i32 to index
        %get3A_834 = arith.constant 0 : index
        %get3A_835 = tpu.vector_load %arg7[%get3A_832, %get3A_833, %get3A_834] {strides = array<i32>} : memref<4x260x64xf32, #tpu.memory_space<vmem>>, vector<16xf32>,
        %add3A_836 = arith.constant 260 : i32
        %add3A_837 = arith.addi %add3A_836, %scan3A_831 : i32
        %get3A_838 = arith.index_cast %add3A_837 : i32 to index
        %get3A_839 = arith.constant 0 : index
        %get3A_840 = tpu.vector_load %arg6[%get3A_838, %get3A_839] {strides = array<i32>} : memref<520x64xf32, #tpu.memory_space<vmem>>, vector<16xf32>,
        %add3A_841 = arith.addf %get3A_835, %get3A_840 : vector<16xf32>
        %swap3A = arith.constant 3 : i32
        %swap3A_842 = arith.index_cast %swap3A : i32 to index
        %swap3A_843 = arith.index_cast %scan3A_831 : i32 to index
        %swap3A_844 = arith.constant 0 : index
        %swap3A_845 = tpu.vector_load %arg7[%swap3A_842, %swap3A_843, %swap3A_844] {strides = array<i32>} : memref<4x260x64xf32, #tpu.memory_space<vmem>>, vector<16xf32>,
        tpu.vector_store %arg7[%swap3A_842, %swap3A_843, %swap3A_844], %add3A_841 {strides = array<i32>} : memref<4x260x64xf32, #tpu.memory_space<vmem>>, vector<16xf32>,
        %get3A_846 = arith.constant 3 : i32
        %get3A_847 = arith.index_cast %get3A_846 : i32 to index
        %get3A_848 = arith.index_cast %scan3A_831 : i32 to index
        %get3A_849 = arith.constant 16 : index
        %get3A_850 = tpu.vector_load %arg7[%get3A_847, %get3A_848, %get3A_849] {strides = array<i32>} : memref<4x260x64xf32, #tpu.memory_space<vmem>>, vector<16xf32>,
        %add3A_851 = arith.constant 260 : i32
        %add3A_852 = arith.addi %add3A_851, %scan3A_831 : i32
        %get3A_853 = arith.index_cast %add3A_852 : i32 to index
        %get3A_854 = arith.constant 16 : index
        %get3A_855 = tpu.vector_load %arg6[%get3A_853, %get3A_854] {strides = array<i32>} : memref<520x64xf32, #tpu.memory_space<vmem>>, vector<16xf32>,
        %add3A_856 = arith.addf %get3A_850, %get3A_855 : vector<16xf32>
        %swap3A_857 = arith.constant 3 : i32
        %swap3A_858 = arith.index_cast %swap3A_857 : i32 to index
        %swap3A_859 = arith.index_cast %scan3A_831 : i32 to index
        %swap3A_860 = arith.constant 16 : index
        %swap3A_861 = tpu.vector_load %arg7[%swap3A_858, %swap3A_859, %swap3A_860] {strides = array<i32>} : memref<4x260x64xf32, #tpu.memory_space<vmem>>, vector<16xf32>,
        tpu.vector_store %arg7[%swap3A_858, %swap3A_859, %swap3A_860], %add3A_856 {strides = array<i32>} : memref<4x260x64xf32, #tpu.memory_space<vmem>>, vector<16xf32>,
        %get3A_862 = arith.constant 3 : i32
        %get3A_863 = arith.index_cast %get3A_862 : i32 to index
        %get3A_864 = arith.index_cast %scan3A_831 : i32 to index
        %get3A_865 = arith.constant 32 : index
        %get3A_866 = tpu.vector_load %arg7[%get3A_863, %get3A_864, %get3A_865] {strides = array<i32>} : memref<4x260x64xf32, #tpu.memory_space<vmem>>, vector<16xf32>,
        %add3A_867 = arith.constant 260 : i32
        %add3A_868 = arith.addi %add3A_867, %scan3A_831 : i32
        %get3A_869 = arith.index_cast %add3A_868 : i32 to index
        %get3A_870 = arith.constant 32 : index
        %get3A_871 = tpu.vector_load %arg6[%get3A_869, %get3A_870] {strides = array<i32>} : memref<520x64xf32, #tpu.memory_space<vmem>>, vector<16xf32>,
        %add3A_872 = arith.addf %get3A_866, %get3A_871 : vector<16xf32>
        %swap3A_873 = arith.constant 3 : i32
        %swap3A_874 = arith.index_cast %swap3A_873 : i32 to index
        %swap3A_875 = arith.index_cast %scan3A_831 : i32 to index
        %swap3A_876 = arith.constant 32 : index
        %swap3A_877 = tpu.vector_load %arg7[%swap3A_874, %swap3A_875, %swap3A_876] {strides = array<i32>} : memref<4x260x64xf32, #tpu.memory_space<vmem>>, vector<16xf32>,
        tpu.vector_store %arg7[%swap3A_874, %swap3A_875, %swap3A_876], %add3A_872 {strides = array<i32>} : memref<4x260x64xf32, #tpu.memory_space<vmem>>, vector<16xf32>,
        %get3A_878 = arith.constant 3 : i32
        %get3A_879 = arith.index_cast %get3A_878 : i32 to index
        %get3A_880 = arith.index_cast %scan3A_831 : i32 to index
        %get3A_881 = arith.constant 48 : index
        %get3A_882 = tpu.vector_load %arg7[%get3A_879, %get3A_880, %get3A_881] {strides = array<i32>} : memref<4x260x64xf32, #tpu.memory_space<vmem>>, vector<16xf32>,
        %add3A_883 = arith.constant 260 : i32
        %add3A_884 = arith.addi %add3A_883, %scan3A_831 : i32
        %get3A_885 = arith.index_cast %add3A_884 : i32 to index
        %get3A_886 = arith.constant 48 : index
        %get3A_887 = tpu.vector_load %arg6[%get3A_885, %get3A_886] {strides = array<i32>} : memref<520x64xf32, #tpu.memory_space<vmem>>, vector<16xf32>,
        %add3A_888 = arith.addf %get3A_882, %get3A_887 : vector<16xf32>
        %swap3A_889 = arith.constant 3 : i32
        %swap3A_890 = arith.index_cast %swap3A_889 : i32 to index
        %swap3A_891 = arith.index_cast %scan3A_831 : i32 to index
        %swap3A_892 = arith.constant 48 : index
        %swap3A_893 = tpu.vector_load %arg7[%swap3A_890, %swap3A_891, %swap3A_892] {strides = array<i32>} : memref<4x260x64xf32, #tpu.memory_space<vmem>>, vector<16xf32>,
        tpu.vector_store %arg7[%swap3A_890, %swap3A_891, %swap3A_892], %add3A_888 {strides = array<i32>} : memref<4x260x64xf32, #tpu.memory_space<vmem>>, vector<16xf32>,
      }
      %scan3A_785 = arith.constant 260 : i32
      %dma_start3A_786 = arith.constant 3 : i32
      %dma_start3A_787 = arith.constant 3 : i32
      %dma_start3A_788 = arith.constant 0 : i32
      %dma_start3A_789 = arith.constant 0 : i32
      %dma_start3A_790 = tpu.memref_slice %arg7[%dma_start3A_786, %dma_start3A_788, %dma_start3A_789] : memref<4x260x64xf32, #tpu.memory_space<vmem>> -> memref<1x260x64xf32, #tpu.memory_space<vmem>>
      %dma_start3A_791 = tpu.memref_squeeze %dma_start3A_790 : memref<1x260x64xf32, #tpu.memory_space<vmem>> -> memref<260x64xf32, #tpu.memory_space<vmem>>
      %dma_start3A_792 = arith.constant 260 : i32
      %dma_start3A_793 = arith.constant 0 : i32
      %dma_start3A_794 = tpu.memref_slice %arg5[%add3A_705, %dma_start3A_792, %dma_start3A_793] : memref<1024x520x64xf32, #tpu.memory_space<hbm>> -> memref<1x260x64xf32, #tpu.memory_space<hbm>>
      %dma_start3A_795 = tpu.memref_squeeze %dma_start3A_794 : memref<1x260x64xf32, #tpu.memory_space<hbm>> -> memref<260x64xf32, #tpu.memory_space<hbm>>
      %dma_start3A_796 = tpu.memref_slice %arg11[%dma_start3A_787] : memref<4x!tpu.dma_semaphore, #tpu.memory_space<semaphore_mem>> -> memref<1x!tpu.dma_semaphore, #tpu.memory_space<semaphore_mem>>
      %dma_start3A_797 = tpu.memref_squeeze %dma_start3A_796 : memref<1x!tpu.dma_semaphore, #tpu.memory_space<semaphore_mem>> -> memref<!tpu.dma_semaphore, #tpu.memory_space<semaphore_mem>>
      %dma_start3A_798 = arith.constant 260 : i32
      %dma_start3A_799 = arith.constant 0 : i32
      %dma_start3A_800 = tpu.memref_slice %arg5[%add3A_705, %dma_start3A_798, %dma_start3A_799] : memref<1024x520x64xf32, #tpu.memory_space<hbm>> -> memref<1x260x64xf32, #tpu.memory_space<hbm>>
      %dma_start3A_801 = tpu.memref_squeeze %dma_start3A_800 : memref<1x260x64xf32, #tpu.memory_space<hbm>> -> memref<260x64xf32, #tpu.memory_space<hbm>>
      %dma_start3A_802 = arith.constant 0 : i32
      %dma_start3A_803 = arith.constant 0 : i32
      %dma_start3A_804 = tpu.memref_slice %arg7[%dma_start3A_786, %dma_start3A_802, %dma_start3A_803] : memref<4x260x64xf32, #tpu.memory_space<vmem>> -> memref<1x260x64xf32, #tpu.memory_space<vmem>>
      %dma_start3A_805 = tpu.memref_squeeze %dma_start3A_804 : memref<1x260x64xf32, #tpu.memory_space<vmem>> -> memref<260x64xf32, #tpu.memory_space<vmem>>
      tpu.enqueue_dma source(%dma_start3A_805 : memref<260x64xf32, #tpu.memory_space<vmem>>) target(%dma_start3A_801 : memref<260x64xf32, #tpu.memory_space<hbm>>) target_semaphore(%dma_start3A_797 : memref<!tpu.dma_semaphore, #tpu.memory_space<semaphore_mem>>)
      %dma_wait3A_806 = arith.constant 1 : i32
      %dma_wait3A_807 = arith.constant 1 : i32
      %dma_wait3A_808 = arith.constant 0 : i32
      %dma_wait3A_809 = arith.constant 0 : i32
      %dma_wait3A_810 = tpu.memref_slice %arg7[%dma_wait3A_806, %dma_wait3A_808, %dma_wait3A_809] : memref<4x260x64xf32, #tpu.memory_space<vmem>> -> memref<1x260x64xf32, #tpu.memory_space<vmem>>
      %dma_wait3A_811 = tpu.memref_squeeze %dma_wait3A_810 : memref<1x260x64xf32, #tpu.memory_space<vmem>> -> memref<260x64xf32, #tpu.memory_space<vmem>>
      %dma_wait3A_812 = arith.constant 260 : i32
      %dma_wait3A_813 = arith.constant 0 : i32
      %dma_wait3A_814 = tpu.memref_slice %arg5[%add3A_214, %dma_wait3A_812, %dma_wait3A_813] : memref<1024x520x64xf32, #tpu.memory_space<hbm>> -> memref<1x260x64xf32, #tpu.memory_space<hbm>>
      %dma_wait3A_815 = tpu.memref_squeeze %dma_wait3A_814 : memref<1x260x64xf32, #tpu.memory_space<hbm>> -> memref<260x64xf32, #tpu.memory_space<hbm>>
      %dma_wait3A_816 = tpu.memref_slice %arg11[%dma_wait3A_807] : memref<4x!tpu.dma_semaphore, #tpu.memory_space<semaphore_mem>> -> memref<1x!tpu.dma_semaphore, #tpu.memory_space<semaphore_mem>>
      %dma_wait3A_817 = tpu.memref_squeeze %dma_wait3A_816 : memref<1x!tpu.dma_semaphore, #tpu.memory_space<semaphore_mem>> -> memref<!tpu.dma_semaphore, #tpu.memory_space<semaphore_mem>>
      %dma_wait3A_818 = arith.constant 260 : i32
      %dma_wait3A_819 = arith.constant 0 : i32
      %dma_wait3A_820 = tpu.memref_slice %arg5[%add3A_214, %dma_wait3A_818, %dma_wait3A_819] : memref<1024x520x64xf32, #tpu.memory_space<hbm>> -> memref<1x260x64xf32, #tpu.memory_space<hbm>>
      %dma_wait3A_821 = tpu.memref_squeeze %dma_wait3A_820 : memref<1x260x64xf32, #tpu.memory_space<hbm>> -> memref<260x64xf32, #tpu.memory_space<hbm>>
      %dma_wait3A_822 = arith.constant 0 : i32
      %dma_wait3A_823 = arith.constant 0 : i32
      %dma_wait3A_824 = tpu.memref_slice %arg7[%dma_wait3A_806, %dma_wait3A_822, %dma_wait3A_823] : memref<4x260x64xf32, #tpu.memory_space<vmem>> -> memref<1x260x64xf32, #tpu.memory_space<vmem>>
      %dma_wait3A_825 = tpu.memref_squeeze %dma_wait3A_824 : memref<1x260x64xf32, #tpu.memory_space<vmem>> -> memref<260x64xf32, #tpu.memory_space<vmem>>
      tpu.wait_dma2 semaphore(%dma_wait3A_817 : memref<!tpu.dma_semaphore, #tpu.memory_space<semaphore_mem>>) src(%dma_wait3A_825 : memref<260x64xf32, #tpu.memory_space<vmem>>) dst(%dma_wait3A_821 : memref<260x64xf32, #tpu.memory_space<hbm>>)
      %lt3A_826 = arith.constant 15 : i32
      %lt3A_827 = arith.cmpi slt, %scan3A_211, %lt3A_826 : i32
      %convert_element_type3A_828 = arith.extui %lt3A_827 : i1 to i32
      %cond3A_829 = arith.constant 0 : i32
      %cond3A_830 = arith.cmpi ne, %convert_element_type3A_828, %cond3A_829 : i32
      scf.if %cond3A_830 {
        %mul3A_831 = arith.constant 4 : i32
        %mul3A_832 = arith.muli %mul3A_831, %scan3A_211 : i32
        %add3A_833 = arith.constant 3 : i32
        %add3A_834 = arith.addi %mul3A_832, %add3A_833 : i32
        %add3A_835 = arith.constant 2 : i32
        %add3A_836 = arith.addi %add3A_834, %add3A_835 : i32
        %dma_start3A_837 = arith.constant 1 : i32
        %dma_start3A_838 = arith.constant 1 : i32
        %dma_start3A_839 = arith.constant 0 : i32
        %dma_start3A_840 = arith.constant 0 : i32
        %dma_start3A_841 = tpu.memref_slice %arg7[%dma_start3A_837, %dma_start3A_839, %dma_start3A_840] : memref<4x260x64xf32, #tpu.memory_space<vmem>> -> memref<1x64x64xf32, #tpu.memory_space<vmem>>
        %dma_start3A_842 = tpu.memref_squeeze %dma_start3A_841 : memref<1x64x64xf32, #tpu.memory_space<vmem>> -> memref<64x64xf32, #tpu.memory_space<vmem>>
        %dma_start3A_843 = arith.constant 0 : i32
        %dma_start3A_844 = tpu.memref_slice %arg9[%add3A_836, %dma_start3A_843] : memref<64x260xi32, #tpu.memory_space<vmem>> -> memref<1x64xi32, #tpu.memory_space<vmem>>
        %dma_start3A_845 = tpu.memref_squeeze %dma_start3A_844 : memref<1x64xi32, #tpu.memory_space<vmem>> -> memref<64xi32, #tpu.memory_space<vmem>>
        %dma_start3A_846 = arith.constant 0 : i32
        %dma_start3A_847 = arith.constant 0 : i32
        %dma_start3A_848 = tpu.memref_slice %arg3[%dma_start3A_846, %dma_start3A_847] : memref<1000000x64xf32, #tpu.memory_space<hbm>> -> memref<1000000x64xf32, #tpu.memory_space<hbm>>
        %dma_start3A_849 = tpu.memref_slice %arg10[%dma_start3A_838] : memref<4x!tpu.dma_semaphore, #tpu.memory_space<semaphore_mem>> -> memref<1x!tpu.dma_semaphore, #tpu.memory_space<semaphore_mem>>
        %dma_start3A_850 = tpu.memref_squeeze %dma_start3A_849 : memref<1x!tpu.dma_semaphore, #tpu.memory_space<semaphore_mem>> -> memref<!tpu.dma_semaphore, #tpu.memory_space<semaphore_mem>>
        tpu.enqueue_indirect_dma source(%dma_start3A_848 : memref<1000000x64xf32, #tpu.memory_space<hbm>>) target(%dma_start3A_842 : memref<64x64xf32, #tpu.memory_space<vmem>>) offsets(%dma_start3A_845 : memref<64xi32, #tpu.memory_space<vmem>>) semaphore(%dma_start3A_850 : memref<!tpu.dma_semaphore, #tpu.memory_space<semaphore_mem>>)
        %dma_start3A_851 = arith.constant 1 : i32
        %dma_start3A_852 = arith.constant 1 : i32
        %dma_start3A_853 = arith.constant 64 : i32
        %dma_start3A_854 = arith.constant 0 : i32
        %dma_start3A_855 = tpu.memref_slice %arg7[%dma_start3A_851, %dma_start3A_853, %dma_start3A_854] : memref<4x260x64xf32, #tpu.memory_space<vmem>> -> memref<1x64x64xf32, #tpu.memory_space<vmem>>
        %dma_start3A_856 = tpu.memref_squeeze %dma_start3A_855 : memref<1x64x64xf32, #tpu.memory_space<vmem>> -> memref<64x64xf32, #tpu.memory_space<vmem>>
        %dma_start3A_857 = arith.constant 64 : i32
        %dma_start3A_858 = tpu.memref_slice %arg9[%add3A_836, %dma_start3A_857] : memref<64x260xi32, #tpu.memory_space<vmem>> -> memref<1x64xi32, #tpu.memory_space<vmem>>
        %dma_start3A_859 = tpu.memref_squeeze %dma_start3A_858 : memref<1x64xi32, #tpu.memory_space<vmem>> -> memref<64xi32, #tpu.memory_space<vmem>>
        %dma_start3A_860 = arith.constant 0 : i32
        %dma_start3A_861 = arith.constant 0 : i32
        %dma_start3A_862 = tpu.memref_slice %arg3[%dma_start3A_860, %dma_start3A_861] : memref<1000000x64xf32, #tpu.memory_space<hbm>> -> memref<1000000x64xf32, #tpu.memory_space<hbm>>
        %dma_start3A_863 = tpu.memref_slice %arg10[%dma_start3A_852] : memref<4x!tpu.dma_semaphore, #tpu.memory_space<semaphore_mem>> -> memref<1x!tpu.dma_semaphore, #tpu.memory_space<semaphore_mem>>
        %dma_start3A_864 = tpu.memref_squeeze %dma_start3A_863 : memref<1x!tpu.dma_semaphore, #tpu.memory_space<semaphore_mem>> -> memref<!tpu.dma_semaphore, #tpu.memory_space<semaphore_mem>>
        tpu.enqueue_indirect_dma source(%dma_start3A_862 : memref<1000000x64xf32, #tpu.memory_space<hbm>>) target(%dma_start3A_856 : memref<64x64xf32, #tpu.memory_space<vmem>>) offsets(%dma_start3A_859 : memref<64xi32, #tpu.memory_space<vmem>>) semaphore(%dma_start3A_864 : memref<!tpu.dma_semaphore, #tpu.memory_space<semaphore_mem>>)
        %dma_start3A_865 = arith.constant 1 : i32
        %dma_start3A_866 = arith.constant 1 : i32
        %dma_start3A_867 = arith.constant 128 : i32
        %dma_start3A_868 = arith.constant 0 : i32
        %dma_start3A_869 = tpu.memref_slice %arg7[%dma_start3A_865, %dma_start3A_867, %dma_start3A_868] : memref<4x260x64xf32, #tpu.memory_space<vmem>> -> memref<1x64x64xf32, #tpu.memory_space<vmem>>
        %dma_start3A_870 = tpu.memref_squeeze %dma_start3A_869 : memref<1x64x64xf32, #tpu.memory_space<vmem>> -> memref<64x64xf32, #tpu.memory_space<vmem>>
        %dma_start3A_871 = arith.constant 128 : i32
        %dma_start3A_872 = tpu.memref_slice %arg9[%add3A_836, %dma_start3A_871] : memref<64x260xi32, #tpu.memory_space<vmem>> -> memref<1x64xi32, #tpu.memory_space<vmem>>
        %dma_start3A_873 = tpu.memref_squeeze %dma_start3A_872 : memref<1x64xi32, #tpu.memory_space<vmem>> -> memref<64xi32, #tpu.memory_space<vmem>>
        %dma_start3A_874 = arith.constant 0 : i32
        %dma_start3A_875 = arith.constant 0 : i32
        %dma_start3A_876 = tpu.memref_slice %arg3[%dma_start3A_874, %dma_start3A_875] : memref<1000000x64xf32, #tpu.memory_space<hbm>> -> memref<1000000x64xf32, #tpu.memory_space<hbm>>
        %dma_start3A_877 = tpu.memref_slice %arg10[%dma_start3A_866] : memref<4x!tpu.dma_semaphore, #tpu.memory_space<semaphore_mem>> -> memref<1x!tpu.dma_semaphore, #tpu.memory_space<semaphore_mem>>
        %dma_start3A_878 = tpu.memref_squeeze %dma_start3A_877 : memref<1x!tpu.dma_semaphore, #tpu.memory_space<semaphore_mem>> -> memref<!tpu.dma_semaphore, #tpu.memory_space<semaphore_mem>>
        tpu.enqueue_indirect_dma source(%dma_start3A_876 : memref<1000000x64xf32, #tpu.memory_space<hbm>>) target(%dma_start3A_870 : memref<64x64xf32, #tpu.memory_space<vmem>>) offsets(%dma_start3A_873 : memref<64xi32, #tpu.memory_space<vmem>>) semaphore(%dma_start3A_878 : memref<!tpu.dma_semaphore, #tpu.memory_space<semaphore_mem>>)
        %dma_start3A_879 = arith.constant 1 : i32
        %dma_start3A_880 = arith.constant 1 : i32
        %dma_start3A_881 = arith.constant 192 : i32
        %dma_start3A_882 = arith.constant 0 : i32
        %dma_start3A_883 = tpu.memref_slice %arg7[%dma_start3A_879, %dma_start3A_881, %dma_start3A_882] : memref<4x260x64xf32, #tpu.memory_space<vmem>> -> memref<1x64x64xf32, #tpu.memory_space<vmem>>
        %dma_start3A_884 = tpu.memref_squeeze %dma_start3A_883 : memref<1x64x64xf32, #tpu.memory_space<vmem>> -> memref<64x64xf32, #tpu.memory_space<vmem>>
        %dma_start3A_885 = arith.constant 192 : i32
        %dma_start3A_886 = tpu.memref_slice %arg9[%add3A_836, %dma_start3A_885] : memref<64x260xi32, #tpu.memory_space<vmem>> -> memref<1x64xi32, #tpu.memory_space<vmem>>
        %dma_start3A_887 = tpu.memref_squeeze %dma_start3A_886 : memref<1x64xi32, #tpu.memory_space<vmem>> -> memref<64xi32, #tpu.memory_space<vmem>>
        %dma_start3A_888 = arith.constant 0 : i32
        %dma_start3A_889 = arith.constant 0 : i32
        %dma_start3A_890 = tpu.memref_slice %arg3[%dma_start3A_888, %dma_start3A_889] : memref<1000000x64xf32, #tpu.memory_space<hbm>> -> memref<1000000x64xf32, #tpu.memory_space<hbm>>
        %dma_start3A_891 = tpu.memref_slice %arg10[%dma_start3A_880] : memref<4x!tpu.dma_semaphore, #tpu.memory_space<semaphore_mem>> -> memref<1x!tpu.dma_semaphore, #tpu.memory_space<semaphore_mem>>
        %dma_start3A_892 = tpu.memref_squeeze %dma_start3A_891 : memref<1x!tpu.dma_semaphore, #tpu.memory_space<semaphore_mem>> -> memref<!tpu.dma_semaphore, #tpu.memory_space<semaphore_mem>>
        tpu.enqueue_indirect_dma source(%dma_start3A_890 : memref<1000000x64xf32, #tpu.memory_space<hbm>>) target(%dma_start3A_884 : memref<64x64xf32, #tpu.memory_space<vmem>>) offsets(%dma_start3A_887 : memref<64xi32, #tpu.memory_space<vmem>>) semaphore(%dma_start3A_892 : memref<!tpu.dma_semaphore, #tpu.memory_space<semaphore_mem>>)
        %dma_start3A_893 = arith.constant 1 : i32
        %dma_start3A_894 = arith.constant 1 : i32
        %dma_start3A_895 = arith.constant 256 : i32
        %dma_start3A_896 = arith.constant 0 : i32
        %dma_start3A_897 = tpu.memref_slice %arg7[%dma_start3A_893, %dma_start3A_895, %dma_start3A_896] : memref<4x260x64xf32, #tpu.memory_space<vmem>> -> memref<1x4x64xf32, #tpu.memory_space<vmem>>
        %dma_start3A_898 = tpu.memref_squeeze %dma_start3A_897 : memref<1x4x64xf32, #tpu.memory_space<vmem>> -> memref<4x64xf32, #tpu.memory_space<vmem>>
        %dma_start3A_899 = arith.constant 256 : i32
        %dma_start3A_900 = tpu.memref_slice %arg9[%add3A_836, %dma_start3A_899] : memref<64x260xi32, #tpu.memory_space<vmem>> -> memref<1x4xi32, #tpu.memory_space<vmem>>
        %dma_start3A_901 = tpu.memref_squeeze %dma_start3A_900 : memref<1x4xi32, #tpu.memory_space<vmem>> -> memref<4xi32, #tpu.memory_space<vmem>>
        %dma_start3A_902 = arith.constant 0 : i32
        %dma_start3A_903 = arith.constant 0 : i32
        %dma_start3A_904 = tpu.memref_slice %arg3[%dma_start3A_902, %dma_start3A_903] : memref<1000000x64xf32, #tpu.memory_space<hbm>> -> memref<1000000x64xf32, #tpu.memory_space<hbm>>
        %dma_start3A_905 = tpu.memref_slice %arg10[%dma_start3A_894] : memref<4x!tpu.dma_semaphore, #tpu.memory_space<semaphore_mem>> -> memref<1x!tpu.dma_semaphore, #tpu.memory_space<semaphore_mem>>
        %dma_start3A_906 = tpu.memref_squeeze %dma_start3A_905 : memref<1x!tpu.dma_semaphore, #tpu.memory_space<semaphore_mem>> -> memref<!tpu.dma_semaphore, #tpu.memory_space<semaphore_mem>>
        tpu.enqueue_indirect_dma source(%dma_start3A_904 : memref<1000000x64xf32, #tpu.memory_space<hbm>>) target(%dma_start3A_898 : memref<4x64xf32, #tpu.memory_space<vmem>>) offsets(%dma_start3A_901 : memref<4xi32, #tpu.memory_space<vmem>>) semaphore(%dma_start3A_906 : memref<!tpu.dma_semaphore, #tpu.memory_space<semaphore_mem>>)
      } else {
      }
    }
    %scan3A_168 = arith.constant 16 : i32
    %add3A_169 = arith.constant 32 : i32
    %add3A_170 = arith.addi %mul3A_2, %add3A_169 : i32
    %sub3A = arith.constant 1 : i32
    %sub3A_171 = arith.subi %add3A_170, %sub3A : i32
    %dma_wait3A = arith.constant 2 : i32
    %dma_wait3A_172 = arith.constant 2 : i32
    %dma_wait3A_173 = arith.constant 0 : i32
    %dma_wait3A_174 = arith.constant 0 : i32
    %dma_wait3A_175 = tpu.memref_slice %arg7[%dma_wait3A, %dma_wait3A_173, %dma_wait3A_174] : memref<4x260x64xf32, #tpu.memory_space<vmem>> -> memref<1x260x64xf32, #tpu.memory_space<vmem>>
    %dma_wait3A_176 = tpu.memref_squeeze %dma_wait3A_175 : memref<1x260x64xf32, #tpu.memory_space<vmem>> -> memref<260x64xf32, #tpu.memory_space<vmem>>
    %dma_wait3A_177 = arith.constant 0 : i32
    %dma_wait3A_178 = arith.constant 0 : i32
    %dma_wait3A_179 = tpu.memref_slice %arg5[%sub3A_171, %dma_wait3A_177, %dma_wait3A_178] : memref<1024x520x64xf32, #tpu.memory_space<hbm>> -> memref<1x260x64xf32, #tpu.memory_space<hbm>>
    %dma_wait3A_180 = tpu.memref_squeeze %dma_wait3A_179 : memref<1x260x64xf32, #tpu.memory_space<hbm>> -> memref<260x64xf32, #tpu.memory_space<hbm>>
    %dma_wait3A_181 = tpu.memref_slice %arg11[%dma_wait3A_172] : memref<4x!tpu.dma_semaphore, #tpu.memory_space<semaphore_mem>> -> memref<1x!tpu.dma_semaphore, #tpu.memory_space<semaphore_mem>>
    %dma_wait3A_182 = tpu.memref_squeeze %dma_wait3A_181 : memref<1x!tpu.dma_semaphore, #tpu.memory_space<semaphore_mem>> -> memref<!tpu.dma_semaphore, #tpu.memory_space<semaphore_mem>>
    %dma_wait3A_183 = arith.constant 0 : i32
    %dma_wait3A_184 = arith.constant 0 : i32
    %dma_wait3A_185 = tpu.memref_slice %arg5[%sub3A_171, %dma_wait3A_183, %dma_wait3A_184] : memref<1024x520x64xf32, #tpu.memory_space<hbm>> -> memref<1x260x64xf32, #tpu.memory_space<hbm>>
    %dma_wait3A_186 = tpu.memref_squeeze %dma_wait3A_185 : memref<1x260x64xf32, #tpu.memory_space<hbm>> -> memref<260x64xf32, #tpu.memory_space<hbm>>
    %dma_wait3A_187 = arith.constant 0 : i32
    %dma_wait3A_188 = arith.constant 0 : i32
    %dma_wait3A_189 = tpu.memref_slice %arg7[%dma_wait3A, %dma_wait3A_187, %dma_wait3A_188] : memref<4x260x64xf32, #tpu.memory_space<vmem>> -> memref<1x260x64xf32, #tpu.memory_space<vmem>>
    %dma_wait3A_190 = tpu.memref_squeeze %dma_wait3A_189 : memref<1x260x64xf32, #tpu.memory_space<vmem>> -> memref<260x64xf32, #tpu.memory_space<vmem>>
    tpu.wait_dma2 semaphore(%dma_wait3A_182 : memref<!tpu.dma_semaphore, #tpu.memory_space<semaphore_mem>>) src(%dma_wait3A_190 : memref<260x64xf32, #tpu.memory_space<vmem>>) dst(%dma_wait3A_186 : memref<260x64xf32, #tpu.memory_space<hbm>>)
    %dma_wait3A_191 = arith.constant 3 : i32
    %dma_wait3A_192 = arith.constant 3 : i32
    %dma_wait3A_193 = arith.constant 0 : i32
    %dma_wait3A_194 = arith.constant 0 : i32
    %dma_wait3A_195 = tpu.memref_slice %arg7[%dma_wait3A_191, %dma_wait3A_193, %dma_wait3A_194] : memref<4x260x64xf32, #tpu.memory_space<vmem>> -> memref<1x260x64xf32, #tpu.memory_space<vmem>>
    %dma_wait3A_196 = tpu.memref_squeeze %dma_wait3A_195 : memref<1x260x64xf32, #tpu.memory_space<vmem>> -> memref<260x64xf32, #tpu.memory_space<vmem>>
    %dma_wait3A_197 = arith.constant 260 : i32
    %dma_wait3A_198 = arith.constant 0 : i32
    %dma_wait3A_199 = tpu.memref_slice %arg5[%sub3A_171, %dma_wait3A_197, %dma_wait3A_198] : memref<1024x520x64xf32, #tpu.memory_space<hbm>> -> memref<1x260x64xf32, #tpu.memory_space<hbm>>
    %dma_wait3A_200 = tpu.memref_squeeze %dma_wait3A_199 : memref<1x260x64xf32, #tpu.memory_space<hbm>> -> memref<260x64xf32, #tpu.memory_space<hbm>>
    %dma_wait3A_201 = tpu.memref_slice %arg11[%dma_wait3A_192] : memref<4x!tpu.dma_semaphore, #tpu.memory_space<semaphore_mem>> -> memref<1x!tpu.dma_semaphore, #tpu.memory_space<semaphore_mem>>
    %dma_wait3A_202 = tpu.memref_squeeze %dma_wait3A_201 : memref<1x!tpu.dma_semaphore, #tpu.memory_space<semaphore_mem>> -> memref<!tpu.dma_semaphore, #tpu.memory_space<semaphore_mem>>
    %dma_wait3A_203 = arith.constant 260 : i32
    %dma_wait3A_204 = arith.constant 0 : i32
    %dma_wait3A_205 = tpu.memref_slice %arg5[%sub3A_171, %dma_wait3A_203, %dma_wait3A_204] : memref<1024x520x64xf32, #tpu.memory_space<hbm>> -> memref<1x260x64xf32, #tpu.memory_space<hbm>>
    %dma_wait3A_206 = tpu.memref_squeeze %dma_wait3A_205 : memref<1x260x64xf32, #tpu.memory_space<hbm>> -> memref<260x64xf32, #tpu.memory_space<hbm>>
    %dma_wait3A_207 = arith.constant 0 : i32
    %dma_wait3A_208 = arith.constant 0 : i32
    %dma_wait3A_209 = tpu.memref_slice %arg7[%dma_wait3A_191, %dma_wait3A_207, %dma_wait3A_208] : memref<4x260x64xf32, #tpu.memory_space<vmem>> -> memref<1x260x64xf32, #tpu.memory_space<vmem>>
    %dma_wait3A_210 = tpu.memref_squeeze %dma_wait3A_209 : memref<1x260x64xf32, #tpu.memory_space<vmem>> -> memref<260x64xf32, #tpu.memory_space<vmem>>
    tpu.wait_dma2 semaphore(%dma_wait3A_202 : memref<!tpu.dma_semaphore, #tpu.memory_space<semaphore_mem>>) src(%dma_wait3A_210 : memref<260x64xf32, #tpu.memory_space<vmem>>) dst(%dma_wait3A_206 : memref<260x64xf32, #tpu.memory_space<hbm>>)
    return
  }
}

</mosaic_0001>

<sc_bundles>
// kernel: kernel.3.cloned.1.call-start
scs
__scs_entry_jumppad:
0x0: {  	(pc) =	sbr.rel $0x88, $3  }
0x1: {  	(tag) =	ssettag $0x0;
	lr =	simm.s32 $0x1  }
0x2: {  	[smem:$0x3F9E] =	sst lr;
	_ =	strace $0xD0000000  }
0x3: {  	_ = 	snop  }
0x4: {  	_ = 	snop  }
0x5: {  	_ = 	snop  }
0x6: {  	_ = 	snop  }
0x7: {  	_ = 	snop  }
__scs_overlays_trampoline_lowered:
0x8: {  	[smem:$0x3FAD] =	sst s0  }
0x9: {  	[smem:$0x3FAE] =	sst s1  }
0xa: {  	[smem:$0x3FAF] =	sst s2  }
0xb: {  	[smem:$0x3FB0] =	sst s3  }
0xc: {  	[smem:$0x3FB1] =	sst s4  }
0xd: {  	[smem:$0x3FB2] =	sst s5  }
0xe: {  	[smem:$0x3FB3] =	sst s6  }
0xf: {  	[smem:$0x3FB4] =	sst s7  }
0x10: {  	[smem:$0x3FB5] =	sst s8  }
0x11: {  	[smem:$0x3FB6] =	sst s9;
	s0 =	simm.s32 @!p0 $0x0  }
0x12: {  	s1 =	sld [smem:$0x3F9C];
	s0 =	simm.s32 @p0 $0x1  }
0x13: {  	[smem:$0x3FB7] =	sst s0;
	s0 =	simm.s32 @!p1 $0x0  }
0x14: {  	s2 =	sld [smem:$0x3F9B];
	s0 =	simm.s32 @p1 $0x1  }
0x15: {  	[smem:$0x3FB8] =	sst s0;
	s0 =	simm.s32 @!p2 $0x0  }
0x16: {  	s3 =	sld [smem:$0x3FDB];
	s0 =	simm.s32 @p2 $0x1  }
0x17: {  	s4 =	simm.s32 $0x1BF5;
	[smem:$0x3FBA] =	sst s0  }
0x18: {  	s0 =	sld [smem:$0x3F9D];
	_ =	swait.ge [sflag:s4], $0x0  }
0x19: {  	s7 =	sld [smem:$0x3F9E]  }
0x1a: {  	s8 =	sadd.s32 $0xFFFFE003, lr  }
0x1b: {  	s9 =	sadd.s32 $0xFFFFFEF7, lr;
	s5 =	simm.s32 $0xFFFFFFFF;
	p2 =	slt.u32 s8, $0xFFFFF086  }
0x1c: {  	p1 =	slt.u32 s9, $0xF7A;
	s5 =	simm.s32 @!p2 $0x0  }
0x1d: {  	s5 =	simm.s32 @p1 $0x1;
	p0 =	seq.s32 s7, s2  }
0x1e: {  	s7 =	smul.u32 @!p0 $0xF7A, s2;
	p2 =	seq.s32 @!p0 s5, $0x0  }
0x1f: {  	s9 =	smul.u32 $0xF7A, s1;
	s8 =	simm.s32 @!p0 $0x1BF5;
	p2 =	por !p2, p0  }
0x20: {  	[sflag:s8] =	ssyncset.s32 @!p0 $0xFFFFF086;
	s6 =	sadd.s32 @!p0 s3, s7;
	s7 =	simm.s32 @!p0 $0x108  }
0x21: {  	s3 =	sadd.s32 s3, s9;
	s6 =	sadd.s32 @!p0 $0x88, s6;
	s7 =	simm.s32 @p2 $0x1082  }
0x22: {  	[simem:s7], [sflag:s8] =	dma.local @!p0 [hbm:s6], $0xF7A  }
0x23: {  	s9 =	sor.u32 $0xD0000000, s2;
	s6 =	simm.s32 $0x108;
	_ =	swait.ge @!p0 [sflag:s8], $0x0  }
0x24: {  	s3 =	sadd.s32 $0x88, s3;
	s6 =	simm.s32 @!p1 $0x1082;
	[sflag:s4] =	ssyncset.s32 $0xFFFFF086  }
0x25: {  	[simem:s6], [sflag:s4] =	dma.local [hbm:s3], $0xF7A  }
0x26: {  	[smem:$0x3F9E] =	sst s1;
	(tag) =	ssettag s2;
	_ =	strace s9  }
0x27: {  	s1 =	sld [smem:$0x3FAE]  }
0x28: {  	s2 =	sld [smem:$0x3FAF]  }
0x29: {  	s4 =	sld [smem:$0x3FB1]  }
0x2a: {  	p0 =	seq.s32 s5, $0x0;
	s5 =	sld [smem:$0x3FB2]  }
0x2b: {  	s6 =	sld [smem:$0x3FB3]  }
0x2c: {  	s7 =	sld [smem:$0x3FB4]  }
0x2d: {  	s3 =	simm.s32 $0x108;
	s8 =	sld [smem:$0x3FB5]  }
0x2e: {  	s3 =	simm.s32 @!p0 $0x1082;
	s9 =	sld [smem:$0x3FB6]  }
0x2f: {  	lr =	sadd.s32 s0, s3;
	s0 =	sld [smem:$0x3FAD]  }
0x30: {  	s3 =	sld [smem:$0x3FB0]  }
0x31: {  	[smem:$0x3FB9] =	sst s10  }
0x32: {  	s10 =	sld [smem:$0x3FB7];
	_ =	sdelay $0x3  }
0x33: {  	p0 =	seq.s32 s10, $0x1;
	s10 =	sld [smem:$0x3FB9];
	_ =	sdelay $0x3  }
0x34: {  	[smem:$0x3FB9] =	sst s10  }
0x35: {  	s10 =	sld [smem:$0x3FB8];
	_ =	sdelay $0x3  }
0x36: {  	p1 =	seq.s32 s10, $0x1;
	s10 =	sld [smem:$0x3FB9];
	_ =	sdelay $0x3  }
0x37: {  	[smem:$0x3FB9] =	sst s10  }
0x38: {  	s10 =	sld [smem:$0x3FBA]  }
0x39: {  	_ = 	snop;
	(pc) =	sbr.ind lr, $3  }
0x3a: {  	_ = 	snop  }
0x3b: {  	_ = 	snop  }
0x3c: {  	p2 =	seq.s32 s10, $0x1;
	s10 =	sld [smem:$0x3FB9]  }
0x3d: {  	_ =	shalt  }
0x3e: {  	_ =	shalt  }
0x3f: {  	_ =	shalt  }
0x40: {  	_ =	shalt  }
0x41: {  	_ =	shalt  }
0x42: {  	_ =	shalt  }
0x43: {  	_ =	shalt  }
0x44: {  	_ =	shalt  }
0x45: {  	_ =	shalt  }
0x46: {  	_ =	shalt  }
0x47: {  	_ =	shalt  }
0x48: {  	_ =	shalt  }
0x49: {  	_ =	shalt  }
0x4a: {  	_ =	shalt  }
0x4b: {  	_ =	shalt  }
0x4c: {  	_ =	shalt  }
0x4d: {  	_ =	shalt  }
0x4e: {  	_ =	shalt  }
0x4f: {  	_ =	shalt  }
0x50: {  	_ =	shalt  }
0x51: {  	_ =	shalt  }
0x52: {  	_ =	shalt  }
0x53: {  	_ =	shalt  }
0x54: {  	_ =	shalt  }
0x55: {  	_ =	shalt  }
0x56: {  	_ =	shalt  }
0x57: {  	_ =	shalt  }
0x58: {  	_ =	shalt  }
0x59: {  	_ =	shalt  }
0x5a: {  	_ =	shalt  }
0x5b: {  	_ =	shalt  }
0x5c: {  	_ =	shalt  }
0x5d: {  	_ =	shalt  }
0x5e: {  	_ =	shalt  }
0x5f: {  	_ =	shalt  }
0x60: {  	_ =	shalt  }
0x61: {  	_ =	shalt  }
0x62: {  	_ =	shalt  }
0x63: {  	_ =	shalt  }
0x64: {  	_ =	shalt  }
0x65: {  	_ =	shalt  }
0x66: {  	_ =	shalt  }
0x67: {  	_ =	shalt  }
0x68: {  	_ =	shalt  }
0x69: {  	_ =	shalt  }
0x6a: {  	_ =	shalt  }
0x6b: {  	_ =	shalt  }
0x6c: {  	_ =	shalt  }
0x6d: {  	_ =	shalt  }
0x6e: {  	_ =	shalt  }
0x6f: {  	_ =	shalt  }
0x70: {  	_ =	shalt  }
0x71: {  	_ =	shalt  }
0x72: {  	_ =	shalt  }
0x73: {  	_ =	shalt  }
0x74: {  	_ =	shalt  }
0x75: {  	_ =	shalt  }
0x76: {  	_ =	shalt  }
0x77: {  	_ =	shalt  }
0x78: {  	_ =	shalt  }
0x79: {  	_ =	shalt  }
0x7a: {  	_ =	shalt  }
0x7b: {  	_ =	shalt  }
0x7c: {  	_ =	shalt  }
0x7d: {  	_ =	shalt  }
0x7e: {  	_ =	shalt  }
0x7f: {  	_ =	shalt  }
0x80: {  	_ =	shalt  }
0x81: {  	_ =	shalt  }
0x82: {  	_ =	shalt  }
0x83: {  	_ =	shalt  }
0x84: {  	_ =	shalt  }
0x85: {  	_ =	shalt  }
0x86: {  	_ =	shalt  }
0x87: {  	_ =	shalt  }
.Lfunc_end0:
.L_simem_size_0:
called_computation.1_lowered:
.L_overlay_start_0:
0x88: {  	s2 =	sld [smem:$0x3FD9]  }
0x89: {  	s3 =	sld [smem:$0x3FFE];
	_ =	sdelay $0x1  }
0x8a: {  	s1 =	srdreg.scid  }
0x8b: {  	s0 =	sand.u32 $0x1, s1  }
0x8c: {  	s17 =	sshll.u32 s0, $0xA;
	s2 =	sadd.s32 s3, s2  }
0x8d: {  	s2 =	sadd.s32 s2, s17  }
0x8e: {  	[smem:$0x3FC5] =	sst s2  }
0x8f: {  	_ = 	snop  }
0x90: {  	s2 =	sld [smem:$0x3FD0];
	(tm) =	ssettm $0x1  }
0x91: {  	s18 =	sld [smem:$0x3FFB];
	_ =	sdelay $0x3  }
0x92: {  	_ =	strace s18  }
0x93: {  	s3 =	sld [smem:$0x3FFC];
	_ =	sdelay $0x3  }
0x94: {  	_ =	strace s3  }
0x95: {  	s3 =	sld [smem:$0x3FFD];
	_ =	sdelay $0x3  }
0x96: {  	_ =	strace s3  }
0x97: {  	_ =	strace $0x8FFFFFFF  }
0x98: {  	s19 =	sld [smem:$0x3FDB];
	_ =	sdelay $0x1  }
0x99: {  	s4 =	simm.s32 $_scs_section_size  }
0x9a: {  	s5 =	simm.s32 $_size__tile_overlayer_lowered;
	s6 =	simm.s32 $_tile_overlayer_lowered  }
0x9b: {  	s22 =	simm.s32 $0x1BFF;
	s21 =	sshll.u32 s6, $0x1;
	s3 =	sadd.s32 s4, s19  }
0x9c: {  	s7 =	simm.s32 $0x0;
	s20 =	sshll.u32 s5, $0x1;
	s5 =	sadd.s32 s21, s3  }
0x9d: {  	[timem:s7], [sflag:s22] =	dma.local [hbm:s5], s20  }
0x9e: {  	_ =	swait.ge [sflag:s22], s20  }
0x9f: {  	s4 =	ssub.s32 $0x0, s20;
	[sflag:s22] =	ssyncset.done $0x0  }
0xa0: {  	[sflag:s22] =	ssyncadd.s32 s4;
	_ =	sdelay $0x1  }
0xa1: {  	s23 =	simm.s32 $0x1B8B  }
0xa2: {  	_ =	swait.ge [sflag:s23], $0x1  }
0xa3: {  	[sflag:s23] =	ssyncset.done $0x0  }
0xa4: {  	s25 =	simm.s32 $0x1B8E;
	s24 =	sld [smem:$0x3FFE];
	[sflag:s23] =	ssyncadd.s32 $0xFFFFFFFF  }
0xa5: {  	s26 =	simm.s32 $execute0_lowered;
	[smem:$0x3FD2] =	sst s25  }
0xa6: {  	s5 =	sshll.u32 s26, $0x1;
	_ =	strace $0x80000046;
	[dreg:$0x1] =	wrdreg $0xFFFFFFFF  }
0xa7: {  	s28 =	simm.s32 $_size_execute0_lowered;
	s3 =	sadd.s32 s3, s5;
	[dreg:$0x0] =	wrdreg $0x0  }
0xa8: {  	s5 =	sshll.u32 s28, $0x1;
	[dreg:$0x2] =	wrdreg s3  }
0xa9: {  	[dreg:$0x3] =	wrdreg s5  }
0xaa: {  	[dreg:$0x4] =	wrdreg $0xC0  }
0xab: {  	_ =	task [dreg:s7], $0x5FFFF  }
0xac: {  	[dreg:$0x1] =	wrdreg $0xFFFFFFFF  }
0xad: {  	[dreg:$0x0] =	wrdreg $0x60  }
0xae: {  	[dreg:$0x2] =	wrdreg s24  }
0xaf: {  	[dreg:$0x3] =	wrdreg s2  }
0xb0: {  	[dreg:$0x4] =	wrdreg $0x9  }
0xb1: {  	_ =	task.clear_ibuf [dreg:s7], $0x5FFFF;
	_ =	strace $0x90000046  }
0xb2: {  	s29 =	simm.s32 $0x9;
	_ =	strace $0x80000048  }
0xb3: {  	_ =	swait.ge [sflag:s29], $0x1  }
0xb4: {  	[sflag:s29] =	ssyncadd.s32 $0xFFFFFFFF  }
0xb5: {  	_ =	strace $0x90000048  }
0xb6: {  	_ =	sfence  }
0xb7: {  	s30 =	sld [smem:$0x0];
	_ =	sdelay $0x2  }
0xb8: {  	s31 =	sshll.u32 s1, $0xD;
	s1 =	sshrl.u32 s1, $0x2  }
0xb9: {  	s3 =	sand.u32 $0x4000, s31;
	s1 =	sadd.s32 s1, s30  }
0xba: {  	s0 =	sor.u32 s3, s0;
	s1 =	sshll.u32 s1, $0x11  }
0xbb: {  	s0 =	sor.u32 s1, s0  }
0xbc: {  	s0 =	sadd.s32 $0x8F2B, s0  }
0xbd: {  	[sflag:s0] =	ssyncadd.remote.s32 $0x1  }
0xbe: {  	_ =	sfence.sel $0xFFFF  }
0xbf: {  	[dreg:$0x0] =	wrdreg $0xFFFFFFFF;
	(pc) =	sbr.abs _section_cstart, $3  }
0xc0: {  	[dreg:$0x1] =	wrdreg $0xFFFFFFFF  }
0xc1: {  	_ =	task.clear_ibuf [dreg:s7], $0x2FFFF;
	_ =	strace $0x9FFFFFFF  }
0xc2: {  	(tm) =	ssettm $0x7FFFFFFF  }
0xc3: {  	_ =	shalt  }
tec
execute0_lowered:
.L_overlay_start_1:
0x0: {  	(tag) =	ssettag $0x1  }
0x1: {  	s0 =	rddreg [dreg:$0x0]  }
0x2: {  	s1 =	srdreg.scid;
	s2 =	stileid.u32;
	s3 =	simm.s32 $0x0  }
0x3: {  	s17 =	simm.s32 $0x9;
	s11 =	simm.s32 $0x20;
	s12 =	simm.s32 $0x400  }
0x4: {  	s13 =	simm.s32 $0x1A680;
	s14 =	simm.s32 $0x40;
	s15 =	simm.s32 $0x8200  }
0x5: {  	s22 =	simm.s32 $0x4;
	s18 =	simm.s32 $0x1;
	s19 =	simm.s32 $0x10400  }
0x6: {  	s20 =	simm.s32 $0x11400;
	s21 =	simm.s32 $0x12400;
	s23 =	simm.s32 $0x13400  }
0x7: {  	s24 =	simm.s32 $0x14400;
	s25 =	simm.s32 $0x2;
	s28 =	simm.s32 $0x14500  }
0x8: {  	s30 =	simm.s32 $0x15500;
	s16 =	simm.s32 $0x17500;
	s9 =	simm.s32 $0x3  }
0x9: {  	s7 =	simm.s32 $0x5;
	s8 =	simm.s32 $0x6;
	s1 =	sand.u32 $0x1, s1  }
0xa: {  	s10 =	simm.s32 $0x0;
	s2 =	sshll.u32 s2, $0x6;
	s4 =	sshll.u32 s1, $0x5  }
0xb: {  	v0 =	vlaneseq.u32;
	[smem:$0x7FF] =	sst s3;
	s5 =	sadd.s32 $0xF43000, s0;
	s4 =	sor.u32 s4, s2  }
0xc: {  	v0 =	vmul.u32 $0x210, v0;
	_ =	strace $0x80000047;
	s1 =	ssub.s32 $0x2, s1;
	s2 =	sshrl.u32 s4, $0x3  }
.Ltmp0:
0xd: {  	s2 =	sadd.s32 s2, s0;
	s0 =	sadd.s32 $0x11000, s0;
	(pc) =	sbr.rel .LBB2_1-.Ltmp0, $4  }
0xe: {  	s6 =	sshrl.u32 s1, $0x1;
	v1 =	vadd.s32 $0x2100, v0;
	v2 =	vadd.s32 $0x68, v0;
	[dreg:$0x3] =	wrdreg s0;
	s29 =	sadd.s32 $0xC00, s2  }
0xf: {  	v3 =	vadd.s32 $0x2168, v0;
	v4 =	vadd.s32 $0xD0, v0;
	v5 =	vadd.s32 $0x21D0, v0;
	s26 =	ssub.s32 s1, s6;
	s31 =	sadd.s32 $0x1100, s2;
	[dreg:$0x4] =	wrdreg s29  }
0x10: {  	v6 =	vadd.s32 $0x108, v0;
	v7 =	vadd.s32 $0x2208, v0;
	v8 =	vadd.s32 $0x170, v0;
	s6 =	simm.s32 $0x18500;
	s0 =	smax.u32 s26, $0x1;
	[dreg:$0x5] =	wrdreg s31  }
0x11: {  	v9 =	vadd.s32 $0x2270, v0;
	v10 =	vadd.s32 $0x1D8, v0;
	v11 =	vadd.s32 $0x22D8, v0;
	s26 =	simm.s32 $0xC300;
	[dreg:$0x6] =	wrdreg s0;
	s0 =	simm.s32 $0x16500  }
.LBB2_20:
0x12: {  	s1 =	simm.s32 $0x7  }
0x13: {  	_ =	swait.ge [sflag:s1], $0x4100  }
0x14: {  	[sflag:s1] =	ssyncset.done $0x0  }
0x15: {  	s2 =	simm.s32 $0x8;
	[sflag:s1] =	ssyncadd.s32 $0xFFFFBF00  }
0x16: {  	_ =	swait.ge [sflag:s2], $0x4100  }
0x17: {  	s10 =	rddreg [dreg:$0x7]  }
0x18: {  	s31 =	rddreg [dreg:$0x6];
	s10 =	sadd.s32 $0x1, s10  }
0x19: {  	p0 =	sne.s32 s10, s31  }
.Ltmp1:
0x1a: {  	_ = 	snop;
	(pc) =	sbr.rel @!p0 .LBB2_21-.Ltmp1, $3  }
0x1b: {  	_ =	sdelay $0x1  }
0x1c: {  	[sflag:s2] =	ssyncset.done $0x0  }
0x1d: {  	s17 =	simm.s32 $0x9;
	[sflag:s2] =	ssyncadd.s32 $0xFFFFBF00  }
.LBB2_1:
0x1e: {  	[dreg:$0x7] =	wrdreg s10  }
0x1f: {  	s1 =	rddreg [dreg:$0x3]  }
0x20: {  	[tilespmem:s3], [sflag:$0x9] =	stream.linear.gather [hbm4b:s1+s3], $0x8200, $0x38;
	[tilespmem:$0x1E880] =	vst v63  }
0x21: {  	_ =	swait.ge [sflag:s17], $0x8200  }
0x22: {  	s31 =	simm.s32 $0x18600;
	[sflag:s17] =	ssyncset.done $0x0  }
0x23: {  	s1 =	simm.s32 $0x500;
	s2 =	rddreg [dreg:$0x4];
	[sflag:s17] =	ssyncadd.s32 $0xFFFF7E00  }
0x24: {  	[tilespmem:s31], [sflag:$0x9] =	stream.strided.gather [hbm4b:s2+s11], $0x140, s12, s11, $0x38;
	[tilespmem:$0x1E880] =	vst v63  }
.LBB2_2:
0x25: {  	p0 =	sne.s32 s1, $0x7D00  }
.Ltmp2:
0x26: {  	_ = 	snop;
	(pc) =	sbr.rel @p0 .LBB2_2-.Ltmp2, $4  }
0x27: {  	_ = 	snop  }
0x28: {  	s10 =	sshra.s32 s1, $0x2;
	s1 =	sadd.s32 $0x500, s1  }
0x29: {  	s2 =	sadd.s32 $0xA00, s2;
	s10 =	sadd.s32 $0x18600, s10  }
0x2a: {  	[tilespmem:s10], [sflag:$0x9] =	stream.strided.gather [hbm4b:s2+s11], $0x140, s12, s11, $0x38;
	[tilespmem:$0x1E880] =	vst v63  }
0x2b: {  	_ =	swait.ge [sflag:s17], $0x2080;
	s1 =	simm.s32 $0x0  }
0x2c: {  	[sflag:s17] =	ssyncset.done $0x0;
	v12 =	vmov s1  }
0x2d: {  	s10 =	simm.s32 $0x186A0;
	[sflag:s17] =	ssyncadd.s32 $0xFFFFDF80;
	v13 =	vand.u32 $0x1F, v12  }
0x2e: {  	v14 =	vld [tilespmem:s10+$0xFFFFFF60];
	v15 =	vadd.s32 v0, v13;
	_ =	sdelay $0x4  }
0x2f: {  	[tilespmem:v15+s13+$0x0] =	vst.idx.msk $0xffff, v14  }
0x30: {  	v15 =	vadd.s32 v1, v13;
	v14 =	vld [tilespmem:s10+$0xFFFFFF70];
	_ =	sdelay $0x3  }
0x31: {  	v16 =	vadd.s32 $0x1A, v12  }
0x32: {  	[tilespmem:v15+s13+$0x0] =	vst.idx.msk $0xffff, v14;
	v14 =	vand.u32 $0x3F, v16  }
0x33: {  	v15 =	vld [tilespmem:s10+$0xFFFFFF80];
	v16 =	vadd.s32 v0, v14;
	_ =	sdelay $0x4  }
0x34: {  	[tilespmem:v16+s13+$0x0] =	vst.idx.msk $0xffff, v15  }
0x35: {  	v14 =	vadd.s32 v1, v14;
	v15 =	vld [tilespmem:s10+$0xFFFFFF90];
	_ =	sdelay $0x3  }
0x36: {  	v16 =	vadd.s32 $0x34, v12  }
0x37: {  	[tilespmem:v14+s13+$0x0] =	vst.idx.msk $0xffff, v15;
	v14 =	vand.u32 $0x7F, v16  }
0x38: {  	v15 =	vld [tilespmem:s10+$0xFFFFFFA0];
	v16 =	vadd.s32 v0, v14;
	_ =	sdelay $0x4  }
0x39: {  	[tilespmem:v16+s13+$0x0] =	vst.idx.msk $0xffff, v15  }
0x3a: {  	v14 =	vadd.s32 v1, v14;
	v15 =	vld [tilespmem:s10+$0xFFFFFFB0];
	_ =	sdelay $0x3  }
0x3b: {  	v16 =	vadd.s32 $0x4E, v12  }
0x3c: {  	[tilespmem:v14+s13+$0x0] =	vst.idx.msk $0xffff, v15;
	v14 =	vand.u32 $0x7F, v16  }
0x3d: {  	v15 =	vld [tilespmem:s10+$0xFFFFFFC0];
	v16 =	vadd.s32 v0, v14;
	_ =	sdelay $0x4  }
0x3e: {  	[tilespmem:v16+s13+$0x0] =	vst.idx.msk $0xffff, v15  }
0x3f: {  	v14 =	vadd.s32 v1, v14;
	v15 =	vld [tilespmem:s10+$0xFFFFFFD0];
	_ =	sdelay $0x4  }
0x40: {  	[tilespmem:v14+s13+$0x0] =	vst.idx.msk $0xffff, v15  }
0x41: {  	v15 =	vadd.s32 v2, v13;
	v14 =	vld [tilespmem:s10+$0xFFFFFFE0];
	_ =	sdelay $0x4  }
0x42: {  	[tilespmem:v15+s13+$0x0] =	vst.idx.msk $0xffff, v14  }
0x43: {  	v15 =	vadd.s32 v3, v13;
	v14 =	vld [tilespmem:s10+$0xFFFFFFF0];
	_ =	sdelay $0x3  }
0x44: {  	v16 =	vadd.s32 $0x82, v12  }
0x45: {  	[tilespmem:v15+s13+$0x0] =	vst.idx.msk $0xffff, v14;
	v14 =	vand.u32 $0xBF, v16  }
0x46: {  	v15 =	vld [tilespmem:s10+$0x0];
	v16 =	vadd.s32 v0, v14;
	_ =	sdelay $0x4  }
0x47: {  	[tilespmem:v16+s13+$0x0] =	vst.idx.msk $0xffff, v15  }
0x48: {  	v14 =	vadd.s32 v1, v14;
	v15 =	vld [tilespmem:s10+$0x10];
	_ =	sdelay $0x3  }
0x49: {  	v16 =	vadd.s32 $0x9C, v12  }
0x4a: {  	[tilespmem:v14+s13+$0x0] =	vst.idx.msk $0xffff, v15;
	v14 =	vand.u32 $0xBF, v16  }
0x4b: {  	v15 =	vld [tilespmem:s10+$0x20];
	v16 =	vadd.s32 v0, v14;
	_ =	sdelay $0x4  }
0x4c: {  	[tilespmem:v16+s13+$0x0] =	vst.idx.msk $0xffff, v15  }
0x4d: {  	v14 =	vadd.s32 v1, v14;
	v15 =	vld [tilespmem:s10+$0x30];
	_ =	sdelay $0x3  }
0x4e: {  	v16 =	vadd.s32 $0xB6, v12  }
0x4f: {  	[tilespmem:v14+s13+$0x0] =	vst.idx.msk $0xffff, v15;
	v14 =	vand.u32 $0xFF, v16  }
0x50: {  	v15 =	vld [tilespmem:s10+$0x40];
	v16 =	vadd.s32 v0, v14;
	_ =	sdelay $0x4  }
0x51: {  	[tilespmem:v16+s13+$0x0] =	vst.idx.msk $0xffff, v15  }
0x52: {  	v14 =	vadd.s32 v1, v14;
	v15 =	vld [tilespmem:s10+$0x50];
	_ =	sdelay $0x4  }
0x53: {  	[tilespmem:v14+s13+$0x0] =	vst.idx.msk $0xffff, v15  }
0x54: {  	v15 =	vadd.s32 v4, v13;
	v14 =	vld [tilespmem:s10+$0x60];
	_ =	sdelay $0x4  }
0x55: {  	[tilespmem:v15+s13+$0x0] =	vst.idx.msk $0xffff, v14  }
0x56: {  	v13 =	vadd.s32 v5, v13;
	v14 =	vld [tilespmem:s10+$0x70];
	_ =	sdelay $0x3  }
0x57: {  	v12 =	vadd.s32 $0xEA, v12  }
0x58: {  	v12 =	vand.u32 $0x1FF, v12;
	[tilespmem:v13+s13+$0x0] =	vst.idx.msk $0xffff, v14  }
0x59: {  	v14 =	vadd.s32 v0, v12;
	v13 =	vld [tilespmem:s10+$0x80];
	_ =	sdelay $0x4  }
0x5a: {  	[tilespmem:v14+s13+$0x0] =	vst.idx.msk $0xffff, v13  }
0x5b: {  	v15 =	vadd.s32 v1, v12;
	v14 =	vld [tilespmem:s10+$0x90];
	_ =	sdelay $0x2  }
0x5c: {  	s31 =	simm.s32 $0x1  }
0x5d: {  	s2 =	simm.s32 $0x2;
	v12 =	vmov s31  }
.LBB2_4:
0x5e: {  	p0 =	sne.s32 s2, $0x19;
	v13 =	vand.u32 $0x1F, v12;
	[tilespmem:v15+s13+$0x0] =	vst.idx.msk $0xffff, v14;
	s10 =	sadd.s32 $0x140, s10  }
0x5f: {  	v14 =	vld [tilespmem:s10+$0xFFFFFF60];
	v15 =	vadd.s32 v0, v13;
	_ =	sdelay $0x4  }
0x60: {  	[tilespmem:v15+s13+$0x0] =	vst.idx.msk $0xffff, v14  }
0x61: {  	v15 =	vadd.s32 v1, v13;
	v14 =	vld [tilespmem:s10+$0xFFFFFF70];
	_ =	sdelay $0x3  }
0x62: {  	v16 =	vadd.s32 $0x1A, v12  }
0x63: {  	[tilespmem:v15+s13+$0x0] =	vst.idx.msk $0xffff, v14;
	v14 =	vand.u32 $0x3F, v16  }
0x64: {  	v15 =	vld [tilespmem:s10+$0xFFFFFF80];
	v16 =	vadd.s32 v0, v14;
	_ =	sdelay $0x4  }
0x65: {  	[tilespmem:v16+s13+$0x0] =	vst.idx.msk $0xffff, v15  }
0x66: {  	v14 =	vadd.s32 v1, v14;
	v15 =	vld [tilespmem:s10+$0xFFFFFF90];
	_ =	sdelay $0x3  }
0x67: {  	v16 =	vadd.s32 $0x34, v12  }
0x68: {  	[tilespmem:v14+s13+$0x0] =	vst.idx.msk $0xffff, v15;
	v14 =	vand.u32 $0x7F, v16  }
0x69: {  	v15 =	vld [tilespmem:s10+$0xFFFFFFA0];
	v16 =	vadd.s32 v0, v14;
	_ =	sdelay $0x4  }
0x6a: {  	[tilespmem:v16+s13+$0x0] =	vst.idx.msk $0xffff, v15  }
0x6b: {  	v14 =	vadd.s32 v1, v14;
	v15 =	vld [tilespmem:s10+$0xFFFFFFB0];
	_ =	sdelay $0x3  }
0x6c: {  	v16 =	vadd.s32 $0x4E, v12  }
0x6d: {  	[tilespmem:v14+s13+$0x0] =	vst.idx.msk $0xffff, v15;
	v14 =	vand.u32 $0x7F, v16  }
0x6e: {  	v15 =	vld [tilespmem:s10+$0xFFFFFFC0];
	v16 =	vadd.s32 v0, v14;
	_ =	sdelay $0x4  }
0x6f: {  	[tilespmem:v16+s13+$0x0] =	vst.idx.msk $0xffff, v15  }
0x70: {  	v14 =	vadd.s32 v1, v14;
	v15 =	vld [tilespmem:s10+$0xFFFFFFD0];
	_ =	sdelay $0x4  }
0x71: {  	[tilespmem:v14+s13+$0x0] =	vst.idx.msk $0xffff, v15  }
0x72: {  	v15 =	vadd.s32 v2, v13;
	v14 =	vld [tilespmem:s10+$0xFFFFFFE0];
	_ =	sdelay $0x4  }
0x73: {  	[tilespmem:v15+s13+$0x0] =	vst.idx.msk $0xffff, v14  }
0x74: {  	v15 =	vadd.s32 v3, v13;
	v14 =	vld [tilespmem:s10+$0xFFFFFFF0];
	_ =	sdelay $0x3  }
0x75: {  	v16 =	vadd.s32 $0x82, v12  }
0x76: {  	[tilespmem:v15+s13+$0x0] =	vst.idx.msk $0xffff, v14;
	v14 =	vand.u32 $0xBF, v16  }
0x77: {  	v15 =	vld [tilespmem:s10+$0x0];
	v16 =	vadd.s32 v0, v14;
	_ =	sdelay $0x4  }
0x78: {  	[tilespmem:v16+s13+$0x0] =	vst.idx.msk $0xffff, v15  }
0x79: {  	v14 =	vadd.s32 v1, v14;
	v15 =	vld [tilespmem:s10+$0x10];
	_ =	sdelay $0x3  }
0x7a: {  	v16 =	vadd.s32 $0x9C, v12  }
0x7b: {  	[tilespmem:v14+s13+$0x0] =	vst.idx.msk $0xffff, v15;
	v14 =	vand.u32 $0xBF, v16  }
0x7c: {  	v15 =	vld [tilespmem:s10+$0x20];
	v16 =	vadd.s32 v0, v14;
	_ =	sdelay $0x4  }
0x7d: {  	[tilespmem:v16+s13+$0x0] =	vst.idx.msk $0xffff, v15  }
0x7e: {  	v14 =	vadd.s32 v1, v14;
	v15 =	vld [tilespmem:s10+$0x30];
	_ =	sdelay $0x3  }
0x7f: {  	v16 =	vadd.s32 $0xB6, v12  }
0x80: {  	[tilespmem:v14+s13+$0x0] =	vst.idx.msk $0xffff, v15;
	v14 =	vand.u32 $0xFF, v16  }
0x81: {  	v15 =	vld [tilespmem:s10+$0x40];
	v16 =	vadd.s32 v0, v14;
	_ =	sdelay $0x4  }
0x82: {  	[tilespmem:v16+s13+$0x0] =	vst.idx.msk $0xffff, v15  }
0x83: {  	v14 =	vadd.s32 v1, v14;
	v15 =	vld [tilespmem:s10+$0x50];
	_ =	sdelay $0x4  }
0x84: {  	[tilespmem:v14+s13+$0x0] =	vst.idx.msk $0xffff, v15  }
0x85: {  	v15 =	vadd.s32 v4, v13;
	v14 =	vld [tilespmem:s10+$0x60];
	_ =	sdelay $0x4  }
0x86: {  	[tilespmem:v15+s13+$0x0] =	vst.idx.msk $0xffff, v14  }
0x87: {  	v13 =	vadd.s32 v5, v13;
	v14 =	vld [tilespmem:s10+$0x70];
	_ =	sdelay $0x3  }
0x88: {  	v12 =	vadd.s32 $0xEA, v12  }
0x89: {  	v12 =	vand.u32 $0x1FF, v12;
	[tilespmem:v13+s13+$0x0] =	vst.idx.msk $0xffff, v14  }
0x8a: {  	v14 =	vadd.s32 v0, v12;
	v13 =	vld [tilespmem:s10+$0x80];
	_ =	sdelay $0x4  }
0x8b: {  	[tilespmem:v14+s13+$0x0] =	vst.idx.msk $0xffff, v13  }
.Ltmp3:
0x8c: {  	v15 =	vadd.s32 v1, v12;
	v14 =	vld [tilespmem:s10+$0x90];
	(pc) =	sbr.rel @p0 .LBB2_4-.Ltmp3, $2  }
0x8d: {  	_ =	sdelay $0x2  }
0x8e: {  	v12 =	vmov s2;
	s2 =	sadd.s32 $0x1, s2  }
0x8f: {  	_ =	sdelay $0x3  }
0x90: {  	v13 =	vand.u32 $0x1F, v12;
	[tilespmem:v15+s13+$0x0] =	vst.idx.msk $0xffff, v14;
	s2 =	sadd.s32 $0x140, s10  }
0x91: {  	v14 =	vld [tilespmem:s2+$0xFFFFFF60];
	v46 =	vadd.s32 v0, v13;
	_ =	sdelay $0x4  }
0x92: {  	[tilespmem:v46+s13+$0x0] =	vst.idx.msk $0xffff, v14  }
0x93: {  	v47 =	vadd.s32 v1, v13;
	v14 =	vld [tilespmem:s2+$0xFFFFFF70];
	_ =	sdelay $0x3  }
0x94: {  	v16 =	vadd.s32 $0x1A, v12  }
0x95: {  	v48 =	vand.u32 $0x3F, v16;
	[tilespmem:v47+s13+$0x0] =	vst.idx.msk $0xffff, v14  }
0x96: {  	v16 =	vadd.s32 v0, v48;
	v15 =	vld [tilespmem:s2+$0xFFFFFF80];
	_ =	sdelay $0x4  }
0x97: {  	[tilespmem:v16+s13+$0x0] =	vst.idx.msk $0xffff, v15  }
0x98: {  	v14 =	vadd.s32 v1, v48;
	v15 =	vld [tilespmem:s2+$0xFFFFFF90];
	_ =	sdelay $0x3  }
0x99: {  	v49 =	vadd.s32 $0x34, v12  }
0x9a: {  	v50 =	vand.u32 $0x7F, v49;
	[tilespmem:v14+s13+$0x0] =	vst.idx.msk $0xffff, v15  }
0x9b: {  	v16 =	vadd.s32 v0, v50;
	v15 =	vld [tilespmem:s2+$0xFFFFFFA0];
	_ =	sdelay $0x4  }
0x9c: {  	[tilespmem:v16+s13+$0x0] =	vst.idx.msk $0xffff, v15  }
0x9d: {  	v14 =	vadd.s32 v1, v50;
	v15 =	vld [tilespmem:s2+$0xFFFFFFB0];
	_ =	sdelay $0x3  }
0x9e: {  	v51 =	vadd.s32 $0x4E, v12  }
0x9f: {  	v52 =	vand.u32 $0x7F, v51;
	[tilespmem:v14+s13+$0x0] =	vst.idx.msk $0xffff, v15  }
0xa0: {  	v16 =	vadd.s32 v0, v52;
	v15 =	vld [tilespmem:s2+$0xFFFFFFC0];
	_ =	sdelay $0x4  }
0xa1: {  	[tilespmem:v16+s13+$0x0] =	vst.idx.msk $0xffff, v15  }
0xa2: {  	v14 =	vadd.s32 v1, v52;
	v15 =	vld [tilespmem:s2+$0xFFFFFFD0];
	_ =	sdelay $0x4  }
0xa3: {  	[tilespmem:v14+s13+$0x0] =	vst.idx.msk $0xffff, v15  }
0xa4: {  	v53 =	vadd.s32 v2, v13;
	v14 =	vld [tilespmem:s2+$0xFFFFFFE0];
	_ =	sdelay $0x4  }
0xa5: {  	[tilespmem:v53+s13+$0x0] =	vst.idx.msk $0xffff, v14  }
0xa6: {  	v54 =	vadd.s32 v3, v13;
	v14 =	vld [tilespmem:s2+$0xFFFFFFF0];
	_ =	sdelay $0x3  }
0xa7: {  	v55 =	vadd.s32 $0x82, v12  }
0xa8: {  	v56 =	vand.u32 $0xBF, v55;
	[tilespmem:v54+s13+$0x0] =	vst.idx.msk $0xffff, v14  }
0xa9: {  	v16 =	vadd.s32 v0, v56;
	v15 =	vld [tilespmem:s2+$0x0];
	_ =	sdelay $0x4  }
0xaa: {  	[tilespmem:v16+s13+$0x0] =	vst.idx.msk $0xffff, v15  }
0xab: {  	v14 =	vadd.s32 v1, v56;
	v15 =	vld [tilespmem:s2+$0x10];
	_ =	sdelay $0x3  }
0xac: {  	v57 =	vadd.s32 $0x9C, v12  }
0xad: {  	v58 =	vand.u32 $0xBF, v57;
	[tilespmem:v14+s13+$0x0] =	vst.idx.msk $0xffff, v15  }
0xae: {  	v16 =	vadd.s32 v0, v58;
	v15 =	vld [tilespmem:s2+$0x20];
	_ =	sdelay $0x4  }
0xaf: {  	[tilespmem:v16+s13+$0x0] =	vst.idx.msk $0xffff, v15  }
0xb0: {  	v14 =	vadd.s32 v1, v58;
	v15 =	vld [tilespmem:s2+$0x30];
	_ =	sdelay $0x3  }
0xb1: {  	v59 =	vadd.s32 $0xB6, v12  }
0xb2: {  	v60 =	vand.u32 $0xFF, v59;
	[tilespmem:v14+s13+$0x0] =	vst.idx.msk $0xffff, v15  }
0xb3: {  	v16 =	vadd.s32 v0, v60;
	v15 =	vld [tilespmem:s2+$0x40];
	_ =	sdelay $0x4  }
0xb4: {  	[tilespmem:v16+s13+$0x0] =	vst.idx.msk $0xffff, v15  }
0xb5: {  	v14 =	vadd.s32 v1, v60;
	v15 =	vld [tilespmem:s2+$0x50];
	_ =	sdelay $0x4  }
0xb6: {  	[tilespmem:v14+s13+$0x0] =	vst.idx.msk $0xffff, v15  }
0xb7: {  	v61 =	vadd.s32 v4, v13;
	v14 =	vld [tilespmem:s2+$0x60];
	_ =	sdelay $0x4  }
0xb8: {  	[tilespmem:v61+s13+$0x0] =	vst.idx.msk $0xffff, v14  }
0xb9: {  	v13 =	vadd.s32 v5, v13;
	v14 =	vld [tilespmem:s2+$0x70];
	_ =	sdelay $0x3  }
0xba: {  	v62 =	vadd.s32 $0xEA, v12  }
0xbb: {  	v12 =	vand.u32 $0x1FF, v62;
	[tilespmem:v13+s13+$0x0] =	vst.idx.msk $0xffff, v14  }
0xbc: {  	v63 =	vadd.s32 v0, v12;
	v13 =	vld [tilespmem:s2+$0x80];
	_ =	sdelay $0x4  }
0xbd: {  	[tilespmem:v63+s13+$0x0] =	vst.idx.msk $0xffff, v13  }
0xbe: {  	v12 =	vadd.s32 v1, v12;
	v13 =	vld [tilespmem:s2+$0x90];
	_ =	sdelay $0x4  }
0xbf: {  	s1 =	simm.s32 $0x18600;
	s2 =	rddreg [dreg:$0x5];
	[tilespmem:v12+s13+$0x0] =	vst.idx.msk $0xffff, v13  }
0xc0: {  	[tilespmem:s1], [sflag:$0x9] =	stream.strided.gather [hbm4b:s2+s11], $0x140, s12, s11, $0x38;
	[tilespmem:$0x1E880] =	vst v63  }
0xc1: {  	s1 =	simm.s32 $0x500  }
.LBB2_6:
0xc2: {  	p0 =	sne.s32 s1, $0x7D00  }
.Ltmp4:
0xc3: {  	_ = 	snop;
	(pc) =	sbr.rel @p0 .LBB2_6-.Ltmp4, $4  }
0xc4: {  	_ = 	snop  }
0xc5: {  	s10 =	sshra.s32 s1, $0x2;
	s1 =	sadd.s32 $0x500, s1  }
0xc6: {  	s2 =	sadd.s32 $0xA00, s2;
	s10 =	sadd.s32 $0x18600, s10  }
0xc7: {  	[tilespmem:s10], [sflag:$0x9] =	stream.strided.gather [hbm4b:s2+s11], $0x140, s12, s11, $0x38;
	[tilespmem:$0x1E880] =	vst v63  }
0xc8: {  	_ =	swait.ge [sflag:s17], $0x2080;
	s1 =	simm.s32 $0x0  }
0xc9: {  	[sflag:s17] =	ssyncset.done $0x0;
	v12 =	vmov s1  }
0xca: {  	s10 =	simm.s32 $0x186A0;
	[sflag:s17] =	ssyncadd.s32 $0xFFFFDF80;
	v13 =	vand.u32 $0x1F, v12  }
0xcb: {  	v14 =	vld [tilespmem:s10+$0xFFFFFF60];
	v15 =	vadd.s32 v6, v13;
	_ =	sdelay $0x4  }
0xcc: {  	[tilespmem:v15+s13+$0x0] =	vst.idx.msk $0xffff, v14  }
0xcd: {  	v15 =	vadd.s32 v7, v13;
	v14 =	vld [tilespmem:s10+$0xFFFFFF70];
	_ =	sdelay $0x3  }
0xce: {  	v16 =	vadd.s32 $0x1A, v12  }
0xcf: {  	[tilespmem:v15+s13+$0x0] =	vst.idx.msk $0xffff, v14;
	v14 =	vand.u32 $0x3F, v16  }
0xd0: {  	v15 =	vld [tilespmem:s10+$0xFFFFFF80];
	v16 =	vadd.s32 v6, v14;
	_ =	sdelay $0x4  }
0xd1: {  	[tilespmem:v16+s13+$0x0] =	vst.idx.msk $0xffff, v15  }
0xd2: {  	v14 =	vadd.s32 v7, v14;
	v15 =	vld [tilespmem:s10+$0xFFFFFF90];
	_ =	sdelay $0x3  }
0xd3: {  	v16 =	vadd.s32 $0x34, v12  }
0xd4: {  	[tilespmem:v14+s13+$0x0] =	vst.idx.msk $0xffff, v15;
	v14 =	vand.u32 $0x7F, v16  }
0xd5: {  	v15 =	vld [tilespmem:s10+$0xFFFFFFA0];
	v16 =	vadd.s32 v6, v14;
	_ =	sdelay $0x4  }
0xd6: {  	[tilespmem:v16+s13+$0x0] =	vst.idx.msk $0xffff, v15  }
0xd7: {  	v14 =	vadd.s32 v7, v14;
	v15 =	vld [tilespmem:s10+$0xFFFFFFB0];
	_ =	sdelay $0x3  }
0xd8: {  	v16 =	vadd.s32 $0x4E, v12  }
0xd9: {  	[tilespmem:v14+s13+$0x0] =	vst.idx.msk $0xffff, v15;
	v14 =	vand.u32 $0x7F, v16  }
0xda: {  	v15 =	vld [tilespmem:s10+$0xFFFFFFC0];
	v16 =	vadd.s32 v6, v14;
	_ =	sdelay $0x4  }
0xdb: {  	[tilespmem:v16+s13+$0x0] =	vst.idx.msk $0xffff, v15  }
0xdc: {  	v14 =	vadd.s32 v7, v14;
	v15 =	vld [tilespmem:s10+$0xFFFFFFD0];
	_ =	sdelay $0x4  }
0xdd: {  	[tilespmem:v14+s13+$0x0] =	vst.idx.msk $0xffff, v15  }
0xde: {  	v15 =	vadd.s32 v8, v13;
	v14 =	vld [tilespmem:s10+$0xFFFFFFE0];
	_ =	sdelay $0x4  }
0xdf: {  	[tilespmem:v15+s13+$0x0] =	vst.idx.msk $0xffff, v14  }
0xe0: {  	v15 =	vadd.s32 v9, v13;
	v14 =	vld [tilespmem:s10+$0xFFFFFFF0];
	_ =	sdelay $0x3  }
0xe1: {  	v16 =	vadd.s32 $0x82, v12  }
0xe2: {  	[tilespmem:v15+s13+$0x0] =	vst.idx.msk $0xffff, v14;
	v14 =	vand.u32 $0xBF, v16  }
0xe3: {  	v15 =	vld [tilespmem:s10+$0x0];
	v16 =	vadd.s32 v6, v14;
	_ =	sdelay $0x4  }
0xe4: {  	[tilespmem:v16+s13+$0x0] =	vst.idx.msk $0xffff, v15  }
0xe5: {  	v14 =	vadd.s32 v7, v14;
	v15 =	vld [tilespmem:s10+$0x10];
	_ =	sdelay $0x3  }
0xe6: {  	v16 =	vadd.s32 $0x9C, v12  }
0xe7: {  	[tilespmem:v14+s13+$0x0] =	vst.idx.msk $0xffff, v15;
	v14 =	vand.u32 $0xBF, v16  }
0xe8: {  	v15 =	vld [tilespmem:s10+$0x20];
	v16 =	vadd.s32 v6, v14;
	_ =	sdelay $0x4  }
0xe9: {  	[tilespmem:v16+s13+$0x0] =	vst.idx.msk $0xffff, v15  }
0xea: {  	v14 =	vadd.s32 v7, v14;
	v15 =	vld [tilespmem:s10+$0x30];
	_ =	sdelay $0x3  }
0xeb: {  	v16 =	vadd.s32 $0xB6, v12  }
0xec: {  	[tilespmem:v14+s13+$0x0] =	vst.idx.msk $0xffff, v15;
	v14 =	vand.u32 $0xFF, v16  }
0xed: {  	v15 =	vld [tilespmem:s10+$0x40];
	v16 =	vadd.s32 v6, v14;
	_ =	sdelay $0x4  }
0xee: {  	[tilespmem:v16+s13+$0x0] =	vst.idx.msk $0xffff, v15  }
0xef: {  	v14 =	vadd.s32 v7, v14;
	v15 =	vld [tilespmem:s10+$0x50];
	_ =	sdelay $0x4  }
0xf0: {  	[tilespmem:v14+s13+$0x0] =	vst.idx.msk $0xffff, v15  }
0xf1: {  	v15 =	vadd.s32 v10, v13;
	v14 =	vld [tilespmem:s10+$0x60];
	_ =	sdelay $0x4  }
0xf2: {  	[tilespmem:v15+s13+$0x0] =	vst.idx.msk $0xffff, v14  }
0xf3: {  	v13 =	vadd.s32 v11, v13;
	v14 =	vld [tilespmem:s10+$0x70];
	_ =	sdelay $0x3  }
0xf4: {  	v12 =	vadd.s32 $0xEA, v12  }
0xf5: {  	v12 =	vand.u32 $0x1FF, v12;
	[tilespmem:v13+s13+$0x0] =	vst.idx.msk $0xffff, v14  }
0xf6: {  	v14 =	vadd.s32 v6, v12;
	v13 =	vld [tilespmem:s10+$0x80];
	_ =	sdelay $0x4  }
0xf7: {  	[tilespmem:v14+s13+$0x0] =	vst.idx.msk $0xffff, v13  }
0xf8: {  	v15 =	vadd.s32 v7, v12;
	v14 =	vld [tilespmem:s10+$0x90];
	_ =	sdelay $0x2  }
0xf9: {  	s31 =	simm.s32 $0x1  }
0xfa: {  	s2 =	simm.s32 $0x2;
	v12 =	vmov s31  }
.LBB2_8:
0xfb: {  	p0 =	sne.s32 s2, $0x19;
	v13 =	vand.u32 $0x1F, v12;
	[tilespmem:v15+s13+$0x0] =	vst.idx.msk $0xffff, v14;
	s10 =	sadd.s32 $0x140, s10  }
0xfc: {  	v14 =	vld [tilespmem:s10+$0xFFFFFF60];
	v15 =	vadd.s32 v6, v13;
	_ =	sdelay $0x4  }
0xfd: {  	[tilespmem:v15+s13+$0x0] =	vst.idx.msk $0xffff, v14  }
0xfe: {  	v15 =	vadd.s32 v7, v13;
	v14 =	vld [tilespmem:s10+$0xFFFFFF70];
	_ =	sdelay $0x3  }
0xff: {  	v16 =	vadd.s32 $0x1A, v12  }
0x100: {  	[tilespmem:v15+s13+$0x0] =	vst.idx.msk $0xffff, v14;
	v14 =	vand.u32 $0x3F, v16  }
0x101: {  	v15 =	vld [tilespmem:s10+$0xFFFFFF80];
	v16 =	vadd.s32 v6, v14;
	_ =	sdelay $0x4  }
0x102: {  	[tilespmem:v16+s13+$0x0] =	vst.idx.msk $0xffff, v15  }
0x103: {  	v14 =	vadd.s32 v7, v14;
	v15 =	vld [tilespmem:s10+$0xFFFFFF90];
	_ =	sdelay $0x3  }
0x104: {  	v16 =	vadd.s32 $0x34, v12  }
0x105: {  	[tilespmem:v14+s13+$0x0] =	vst.idx.msk $0xffff, v15;
	v14 =	vand.u32 $0x7F, v16  }
0x106: {  	v15 =	vld [tilespmem:s10+$0xFFFFFFA0];
	v16 =	vadd.s32 v6, v14;
	_ =	sdelay $0x4  }
0x107: {  	[tilespmem:v16+s13+$0x0] =	vst.idx.msk $0xffff, v15  }
0x108: {  	v14 =	vadd.s32 v7, v14;
	v15 =	vld [tilespmem:s10+$0xFFFFFFB0];
	_ =	sdelay $0x3  }
0x109: {  	v16 =	vadd.s32 $0x4E, v12  }
0x10a: {  	[tilespmem:v14+s13+$0x0] =	vst.idx.msk $0xffff, v15;
	v14 =	vand.u32 $0x7F, v16  }
0x10b: {  	v15 =	vld [tilespmem:s10+$0xFFFFFFC0];
	v16 =	vadd.s32 v6, v14;
	_ =	sdelay $0x4  }
0x10c: {  	[tilespmem:v16+s13+$0x0] =	vst.idx.msk $0xffff, v15  }
0x10d: {  	v14 =	vadd.s32 v7, v14;
	v15 =	vld [tilespmem:s10+$0xFFFFFFD0];
	_ =	sdelay $0x4  }
0x10e: {  	[tilespmem:v14+s13+$0x0] =	vst.idx.msk $0xffff, v15  }
0x10f: {  	v15 =	vadd.s32 v8, v13;
	v14 =	vld [tilespmem:s10+$0xFFFFFFE0];
	_ =	sdelay $0x4  }
0x110: {  	[tilespmem:v15+s13+$0x0] =	vst.idx.msk $0xffff, v14  }
0x111: {  	v15 =	vadd.s32 v9, v13;
	v14 =	vld [tilespmem:s10+$0xFFFFFFF0];
	_ =	sdelay $0x3  }
0x112: {  	v16 =	vadd.s32 $0x82, v12  }
0x113: {  	[tilespmem:v15+s13+$0x0] =	vst.idx.msk $0xffff, v14;
	v14 =	vand.u32 $0xBF, v16  }
0x114: {  	v15 =	vld [tilespmem:s10+$0x0];
	v16 =	vadd.s32 v6, v14;
	_ =	sdelay $0x4  }
0x115: {  	[tilespmem:v16+s13+$0x0] =	vst.idx.msk $0xffff, v15  }
0x116: {  	v14 =	vadd.s32 v7, v14;
	v15 =	vld [tilespmem:s10+$0x10];
	_ =	sdelay $0x3  }
0x117: {  	v16 =	vadd.s32 $0x9C, v12  }
0x118: {  	[tilespmem:v14+s13+$0x0] =	vst.idx.msk $0xffff, v15;
	v14 =	vand.u32 $0xBF, v16  }
0x119: {  	v15 =	vld [tilespmem:s10+$0x20];
	v16 =	vadd.s32 v6, v14;
	_ =	sdelay $0x4  }
0x11a: {  	[tilespmem:v16+s13+$0x0] =	vst.idx.msk $0xffff, v15  }
0x11b: {  	v14 =	vadd.s32 v7, v14;
	v15 =	vld [tilespmem:s10+$0x30];
	_ =	sdelay $0x3  }
0x11c: {  	v16 =	vadd.s32 $0xB6, v12  }
0x11d: {  	[tilespmem:v14+s13+$0x0] =	vst.idx.msk $0xffff, v15;
	v14 =	vand.u32 $0xFF, v16  }
0x11e: {  	v15 =	vld [tilespmem:s10+$0x40];
	v16 =	vadd.s32 v6, v14;
	_ =	sdelay $0x4  }
0x11f: {  	[tilespmem:v16+s13+$0x0] =	vst.idx.msk $0xffff, v15  }
0x120: {  	v14 =	vadd.s32 v7, v14;
	v15 =	vld [tilespmem:s10+$0x50];
	_ =	sdelay $0x4  }
0x121: {  	[tilespmem:v14+s13+$0x0] =	vst.idx.msk $0xffff, v15  }
0x122: {  	v15 =	vadd.s32 v10, v13;
	v14 =	vld [tilespmem:s10+$0x60];
	_ =	sdelay $0x4  }
0x123: {  	[tilespmem:v15+s13+$0x0] =	vst.idx.msk $0xffff, v14  }
0x124: {  	v13 =	vadd.s32 v11, v13;
	v14 =	vld [tilespmem:s10+$0x70];
	_ =	sdelay $0x3  }
0x125: {  	v12 =	vadd.s32 $0xEA, v12  }
0x126: {  	v12 =	vand.u32 $0x1FF, v12;
	[tilespmem:v13+s13+$0x0] =	vst.idx.msk $0xffff, v14  }
0x127: {  	v14 =	vadd.s32 v6, v12;
	v13 =	vld [tilespmem:s10+$0x80];
	_ =	sdelay $0x4  }
0x128: {  	[tilespmem:v14+s13+$0x0] =	vst.idx.msk $0xffff, v13  }
.Ltmp5:
0x129: {  	v15 =	vadd.s32 v7, v12;
	v14 =	vld [tilespmem:s10+$0x90];
	(pc) =	sbr.rel @p0 .LBB2_8-.Ltmp5, $2  }
0x12a: {  	_ =	sdelay $0x2  }
0x12b: {  	v12 =	vmov s2;
	s2 =	sadd.s32 $0x1, s2  }
0x12c: {  	_ =	sdelay $0x3  }
0x12d: {  	v13 =	vand.u32 $0x1F, v12;
	[tilespmem:v15+s13+$0x0] =	vst.idx.msk $0xffff, v14;
	s2 =	sadd.s32 $0x140, s10  }
0x12e: {  	v14 =	vld [tilespmem:s2+$0xFFFFFF60];
	v46 =	vadd.s32 v6, v13;
	_ =	sdelay $0x4  }
0x12f: {  	[tilespmem:v46+s13+$0x0] =	vst.idx.msk $0xffff, v14  }
0x130: {  	v47 =	vadd.s32 v7, v13;
	v14 =	vld [tilespmem:s2+$0xFFFFFF70];
	_ =	sdelay $0x3  }
0x131: {  	v16 =	vadd.s32 $0x1A, v12  }
0x132: {  	v48 =	vand.u32 $0x3F, v16;
	[tilespmem:v47+s13+$0x0] =	vst.idx.msk $0xffff, v14  }
0x133: {  	v16 =	vadd.s32 v6, v48;
	v15 =	vld [tilespmem:s2+$0xFFFFFF80];
	_ =	sdelay $0x4  }
0x134: {  	[tilespmem:v16+s13+$0x0] =	vst.idx.msk $0xffff, v15  }
0x135: {  	v14 =	vadd.s32 v7, v48;
	v15 =	vld [tilespmem:s2+$0xFFFFFF90];
	_ =	sdelay $0x3  }
0x136: {  	v49 =	vadd.s32 $0x34, v12  }
0x137: {  	v50 =	vand.u32 $0x7F, v49;
	[tilespmem:v14+s13+$0x0] =	vst.idx.msk $0xffff, v15  }
0x138: {  	v16 =	vadd.s32 v6, v50;
	v15 =	vld [tilespmem:s2+$0xFFFFFFA0];
	_ =	sdelay $0x4  }
0x139: {  	[tilespmem:v16+s13+$0x0] =	vst.idx.msk $0xffff, v15  }
0x13a: {  	v14 =	vadd.s32 v7, v50;
	v15 =	vld [tilespmem:s2+$0xFFFFFFB0];
	_ =	sdelay $0x3  }
0x13b: {  	v51 =	vadd.s32 $0x4E, v12  }
0x13c: {  	v52 =	vand.u32 $0x7F, v51;
	[tilespmem:v14+s13+$0x0] =	vst.idx.msk $0xffff, v15  }
0x13d: {  	v16 =	vadd.s32 v6, v52;
	v15 =	vld [tilespmem:s2+$0xFFFFFFC0];
	_ =	sdelay $0x4  }
0x13e: {  	[tilespmem:v16+s13+$0x0] =	vst.idx.msk $0xffff, v15  }
0x13f: {  	v14 =	vadd.s32 v7, v52;
	v15 =	vld [tilespmem:s2+$0xFFFFFFD0];
	_ =	sdelay $0x4  }
0x140: {  	[tilespmem:v14+s13+$0x0] =	vst.idx.msk $0xffff, v15  }
0x141: {  	v53 =	vadd.s32 v8, v13;
	v14 =	vld [tilespmem:s2+$0xFFFFFFE0];
	_ =	sdelay $0x4  }
0x142: {  	[tilespmem:v53+s13+$0x0] =	vst.idx.msk $0xffff, v14  }
0x143: {  	v54 =	vadd.s32 v9, v13;
	v14 =	vld [tilespmem:s2+$0xFFFFFFF0];
	_ =	sdelay $0x3  }
0x144: {  	v55 =	vadd.s32 $0x82, v12  }
0x145: {  	v56 =	vand.u32 $0xBF, v55;
	[tilespmem:v54+s13+$0x0] =	vst.idx.msk $0xffff, v14  }
0x146: {  	v16 =	vadd.s32 v6, v56;
	v15 =	vld [tilespmem:s2+$0x0];
	_ =	sdelay $0x4  }
0x147: {  	[tilespmem:v16+s13+$0x0] =	vst.idx.msk $0xffff, v15  }
0x148: {  	v14 =	vadd.s32 v7, v56;
	v15 =	vld [tilespmem:s2+$0x10];
	_ =	sdelay $0x3  }
0x149: {  	v57 =	vadd.s32 $0x9C, v12  }
0x14a: {  	v58 =	vand.u32 $0xBF, v57;
	[tilespmem:v14+s13+$0x0] =	vst.idx.msk $0xffff, v15  }
0x14b: {  	v16 =	vadd.s32 v6, v58;
	v15 =	vld [tilespmem:s2+$0x20];
	_ =	sdelay $0x4  }
0x14c: {  	[tilespmem:v16+s13+$0x0] =	vst.idx.msk $0xffff, v15  }
0x14d: {  	v14 =	vadd.s32 v7, v58;
	v15 =	vld [tilespmem:s2+$0x30];
	_ =	sdelay $0x3  }
0x14e: {  	v59 =	vadd.s32 $0xB6, v12  }
0x14f: {  	v60 =	vand.u32 $0xFF, v59;
	[tilespmem:v14+s13+$0x0] =	vst.idx.msk $0xffff, v15  }
0x150: {  	v16 =	vadd.s32 v6, v60;
	v15 =	vld [tilespmem:s2+$0x40];
	_ =	sdelay $0x4  }
0x151: {  	[tilespmem:v16+s13+$0x0] =	vst.idx.msk $0xffff, v15  }
0x152: {  	v14 =	vadd.s32 v7, v60;
	v15 =	vld [tilespmem:s2+$0x50];
	_ =	sdelay $0x4  }
0x153: {  	[tilespmem:v14+s13+$0x0] =	vst.idx.msk $0xffff, v15  }
0x154: {  	v61 =	vadd.s32 v10, v13;
	v14 =	vld [tilespmem:s2+$0x60];
	_ =	sdelay $0x4  }
0x155: {  	[tilespmem:v61+s13+$0x0] =	vst.idx.msk $0xffff, v14  }
0x156: {  	v13 =	vadd.s32 v11, v13;
	v14 =	vld [tilespmem:s2+$0x70];
	_ =	sdelay $0x3  }
0x157: {  	v62 =	vadd.s32 $0xEA, v12  }
0x158: {  	v12 =	vand.u32 $0x1FF, v62;
	[tilespmem:v13+s13+$0x0] =	vst.idx.msk $0xffff, v14  }
0x159: {  	v63 =	vadd.s32 v6, v12;
	v13 =	vld [tilespmem:s2+$0x80];
	_ =	sdelay $0x4  }
0x15a: {  	[tilespmem:v63+s13+$0x0] =	vst.idx.msk $0xffff, v13  }
0x15b: {  	v12 =	vadd.s32 v7, v12;
	v13 =	vld [tilespmem:s2+$0x90];
	_ =	sdelay $0x4  }
0x15c: {  	[tilespmem:v12+s13+$0x0] =	vst.idx.msk $0xffff, v13  }
0x15d: {  	[tilespmem:s15], [sflag:$0x1] =	stream.indirect.gather [hbm4b:s5+s14], $0x40, s13, s14, $0xb8;
	[tilespmem:$0x1E880] =	vst v63  }
0x15e: {  	s1 =	simm.s32 $0x1A6C0;
	s17 =	simm.s32 $0x9200  }
0x15f: {  	[tilespmem:s17], [sflag:$0x1] =	stream.indirect.gather [hbm4b:s5+s14], $0x40, s1, s14, $0xb8;
	[tilespmem:$0x1E880] =	vst v63  }
0x160: {  	s29 =	simm.s32 $0x1A700;
	s31 =	simm.s32 $0xA200  }
0x161: {  	[tilespmem:s31], [sflag:$0x1] =	stream.indirect.gather [hbm4b:s5+s14], $0x40, s29, s14, $0xb8;
	[tilespmem:$0x1E880] =	vst v63  }
0x162: {  	s10 =	simm.s32 $0x1A740;
	s17 =	simm.s32 $0xB200  }
0x163: {  	[tilespmem:s17], [sflag:$0x1] =	stream.indirect.gather [hbm4b:s5+s14], $0x40, s10, s14, $0xb8;
	[tilespmem:$0x1E880] =	vst v63  }
0x164: {  	s29 =	simm.s32 $0x1A780;
	s31 =	simm.s32 $0xC200  }
0x165: {  	[tilespmem:s31], [sflag:$0x1] =	stream.indirect.gather [hbm4b:s5+s22], $0x40, s29, s22, $0xb8;
	[tilespmem:$0x1E880] =	vst v63  }
0x166: {  	s2 =	simm.s32 $0x1A788  }
0x167: {  	[tilespmem:s26], [sflag:$0x2] =	stream.indirect.gather [hbm4b:s5+s14], $0x40, s2, s14, $0xb8;
	[tilespmem:$0x1E880] =	vst v63  }
0x168: {  	s10 =	simm.s32 $0x1A7C8;
	s17 =	simm.s32 $0xD300  }
0x169: {  	[tilespmem:s17], [sflag:$0x2] =	stream.indirect.gather [hbm4b:s5+s14], $0x40, s10, s14, $0xb8;
	[tilespmem:$0x1E880] =	vst v63  }
0x16a: {  	s29 =	simm.s32 $0x1A808;
	s31 =	simm.s32 $0xE300  }
0x16b: {  	[tilespmem:s31], [sflag:$0x2] =	stream.indirect.gather [hbm4b:s5+s14], $0x40, s29, s14, $0xb8;
	[tilespmem:$0x1E880] =	vst v63  }
0x16c: {  	s10 =	simm.s32 $0x1A848;
	s17 =	simm.s32 $0xF300  }
0x16d: {  	[tilespmem:s17], [sflag:$0x2] =	stream.indirect.gather [hbm4b:s5+s14], $0x40, s10, s14, $0xb8;
	[tilespmem:$0x1E880] =	vst v63  }
0x16e: {  	s29 =	simm.s32 $0x1A888;
	s31 =	simm.s32 $0x10300;
	s10 =	simm.s32 $0x0  }
0x16f: {  	[tilespmem:s31], [sflag:$0x2] =	stream.indirect.gather [hbm4b:s5+s22], $0x40, s29, s22, $0xb8;
	[tilespmem:$0x1E880] =	vst v63  }
.LBB2_10:
0x170: {  	_ =	swait.ge [sflag:s18], $0x1000  }
0x171: {  	[sflag:s18] =	ssyncset.done $0x0  }
0x172: {  	[sflag:s18] =	ssyncadd.s32 $0xFFFFF000  }
0x173: {  	_ =	swait.ge [sflag:s18], $0x1000  }
0x174: {  	[sflag:s18] =	ssyncset.done $0x0  }
0x175: {  	[sflag:s18] =	ssyncadd.s32 $0xFFFFF000  }
0x176: {  	_ =	swait.ge [sflag:s18], $0x1000  }
0x177: {  	[sflag:s18] =	ssyncset.done $0x0  }
0x178: {  	[sflag:s18] =	ssyncadd.s32 $0xFFFFF000  }
0x179: {  	_ =	swait.ge [sflag:s18], $0x1000  }
0x17a: {  	[sflag:s18] =	ssyncset.done $0x0  }
0x17b: {  	[sflag:s18] =	ssyncadd.s32 $0xFFFFF000  }
0x17c: {  	_ =	swait.ge [sflag:s18], $0x100  }
0x17d: {  	[sflag:s18] =	ssyncset.done $0x0  }
0x17e: {  	s2 =	simm.s32 $0x0;
	[sflag:s18] =	ssyncadd.s32 $0xFFFFFF00  }
0x17f: {  	v17 =	vld [tilespmem:s2+$0x0]  }
0x180: {  	v18 =	vld [tilespmem:s2+$0x10]  }
0x181: {  	v13 =	vld [tilespmem:s2+$0x20]  }
0x182: {  	v12 =	vld [tilespmem:s2+$0x30]  }
0x183: {  	v15 =	vld [tilespmem:s2+$0x8200]  }
0x184: {  	v16 =	vld [tilespmem:s2+$0x8210]  }
0x185: {  	s29 =	simm.s32 $0x100;
	v14 =	vld [tilespmem:s2+$0x8220]  }
.LBB2_11:
0x186: {  	s1 =	sshra.s32 s29, $0x2;
	p0 =	sne.s32 s29, $0x10300;
	v19 =	vld [tilespmem:s2+$0x8230];
	v20 =	vmov v13  }
0x187: {  	v21 =	vld [tilespmem:s1+$0x0];
	v22 =	vmov v12  }
0x188: {  	v23 =	vld [tilespmem:s1+$0x10];
	v15 =	vadd.f32 v17, v15  }
.Ltmp6:
0x189: {  	v13 =	vld [tilespmem:s1+$0x20];
	v16 =	vadd.f32 v18, v16;
	(pc) =	sbr.rel @p0 .LBB2_11-.Ltmp6, $4  }
0x18a: {  	v12 =	vld [tilespmem:s1+$0x30];
	[tilespmem:s2+$0x8200] =	vst v15;
	v14 =	vadd.f32 v20, v14  }
0x18b: {  	v15 =	vld [tilespmem:s1+$0x8200];
	[tilespmem:s2+$0x8210] =	vst v16;
	v19 =	vadd.f32 v22, v19  }
0x18c: {  	v16 =	vld [tilespmem:s1+$0x8210];
	[tilespmem:s2+$0x8220] =	vst v14;
	v17 =	vmov v21  }
0x18d: {  	s29 =	sadd.s32 $0x100, s29;
	v14 =	vld [tilespmem:s1+$0x8220];
	[tilespmem:s2+$0x8230] =	vst v19;
	v18 =	vmov v23;
	s2 =	smov.u32 s1  }
0x18e: {  	v19 =	vld [tilespmem:s2+$0x8230];
	_ =	sdelay $0x1  }
0x18f: {  	s1 =	sshll.u32 s10, $0x1;
	v15 =	vadd.f32 v17, v15  }
0x190: {  	s1 =	sadd.s32 s4, s1;
	v16 =	vadd.f32 v18, v16  }
0x191: {  	s1 =	smul.u32 $0x8200, s1;
	[tilespmem:s2+$0x8200] =	vst v15;
	v13 =	vadd.f32 v13, v14  }
0x192: {  	[tilespmem:s2+$0x8210] =	vst v16;
	v12 =	vadd.f32 v12, v19  }
0x193: {  	s17 =	rddreg [dreg:$0x1];
	p0 =	seq.s32 s10, $0x0;
	s1 =	sshrl.u32 s1, $0x3;
	[tilespmem:s2+$0x8220] =	vst v13  }
0x194: {  	s29 =	sadd.s32 s17, s1;
	s1 =	simm.s32 @!p0 $0x7;
	s17 =	smul.u32 $0x1080, s10;
	[tilespmem:s2+$0x8230] =	vst v12  }
0x195: {  	[hbm4b:s29+s3] =	stream.linear.scatter [tilespmem:s15], [sflag:$0x5], $0x4100, $0x38;
	[tilespmem:$0x1E880] =	vst v63  }
0x196: {  	_ =	swait.ge @!p0 [sflag:s1], $0x4100  }
0x197: {  	s2 =	sshra.s32 s17, $0x2;
	[sflag:s1] =	ssyncset.done @!p0 $0x0  }
0x198: {  	s17 =	sadd.s32 $0x1A890, s2;
	[sflag:s1] =	ssyncadd.s32 @!p0 $0xFFFFBF00  }
0x199: {  	[tilespmem:s19], [sflag:$0x3] =	stream.indirect.gather [hbm4b:s5+s14], $0x40, s17, s14, $0xb8;
	[tilespmem:$0x1E880] =	vst v63  }
0x19a: {  	s17 =	sadd.s32 $0x1A8D0, s2  }
0x19b: {  	[tilespmem:s20], [sflag:$0x3] =	stream.indirect.gather [hbm4b:s5+s14], $0x40, s17, s14, $0xb8;
	[tilespmem:$0x1E880] =	vst v63  }
0x19c: {  	s17 =	sadd.s32 $0x1A910, s2  }
0x19d: {  	[tilespmem:s21], [sflag:$0x3] =	stream.indirect.gather [hbm4b:s5+s14], $0x40, s17, s14, $0xb8;
	[tilespmem:$0x1E880] =	vst v63  }
0x19e: {  	s17 =	sadd.s32 $0x1A950, s2  }
0x19f: {  	[tilespmem:s23], [sflag:$0x3] =	stream.indirect.gather [hbm4b:s5+s14], $0x40, s17, s14, $0xb8;
	[tilespmem:$0x1E880] =	vst v63  }
0x1a0: {  	s17 =	sadd.s32 $0x1A990, s2  }
0x1a1: {  	[tilespmem:s24], [sflag:$0x3] =	stream.indirect.gather [hbm4b:s5+s22], $0x40, s17, s22, $0xb8;
	[tilespmem:$0x1E880] =	vst v63  }
0x1a2: {  	_ =	swait.ge [sflag:s25], $0x1000  }
0x1a3: {  	[sflag:s25] =	ssyncset.done $0x0  }
0x1a4: {  	[sflag:s25] =	ssyncadd.s32 $0xFFFFF000  }
0x1a5: {  	_ =	swait.ge [sflag:s25], $0x1000  }
0x1a6: {  	[sflag:s25] =	ssyncset.done $0x0  }
0x1a7: {  	[sflag:s25] =	ssyncadd.s32 $0xFFFFF000  }
0x1a8: {  	_ =	swait.ge [sflag:s25], $0x1000  }
0x1a9: {  	[sflag:s25] =	ssyncset.done $0x0  }
0x1aa: {  	[sflag:s25] =	ssyncadd.s32 $0xFFFFF000  }
0x1ab: {  	_ =	swait.ge [sflag:s25], $0x1000  }
0x1ac: {  	[sflag:s25] =	ssyncset.done $0x0  }
0x1ad: {  	[sflag:s25] =	ssyncadd.s32 $0xFFFFF000  }
0x1ae: {  	_ =	swait.ge [sflag:s25], $0x100  }
0x1af: {  	[sflag:s25] =	ssyncset.done $0x0  }
0x1b0: {  	s31 =	simm.s32 $0x0;
	[sflag:s25] =	ssyncadd.s32 $0xFFFFFF00  }
0x1b1: {  	v17 =	vld [tilespmem:s31+$0x4100]  }
0x1b2: {  	v18 =	vld [tilespmem:s31+$0x4110]  }
0x1b3: {  	v13 =	vld [tilespmem:s31+$0x4120]  }
0x1b4: {  	v12 =	vld [tilespmem:s31+$0x4130]  }
0x1b5: {  	v14 =	vld [tilespmem:s31+$0xC300]  }
0x1b6: {  	v16 =	vld [tilespmem:s31+$0xC310]  }
0x1b7: {  	s1 =	simm.s32 $0x100;
	v15 =	vld [tilespmem:s31+$0xC320]  }
.LBB2_13:
0x1b8: {  	s17 =	sshra.s32 s1, $0x2;
	p1 =	sne.s32 s1, $0x10300;
	v19 =	vld [tilespmem:s31+$0xC330];
	v20 =	vmov v13  }
0x1b9: {  	v21 =	vld [tilespmem:s17+$0x4100];
	v22 =	vmov v12  }
0x1ba: {  	v23 =	vld [tilespmem:s17+$0x4110];
	v14 =	vadd.f32 v17, v14  }
.Ltmp7:
0x1bb: {  	v13 =	vld [tilespmem:s17+$0x4120];
	v16 =	vadd.f32 v18, v16;
	(pc) =	sbr.rel @p1 .LBB2_13-.Ltmp7, $4  }
0x1bc: {  	v12 =	vld [tilespmem:s17+$0x4130];
	[tilespmem:s31+$0xC300] =	vst v14;
	v15 =	vadd.f32 v20, v15  }
0x1bd: {  	v14 =	vld [tilespmem:s17+$0xC300];
	[tilespmem:s31+$0xC310] =	vst v16;
	v19 =	vadd.f32 v22, v19  }
0x1be: {  	v16 =	vld [tilespmem:s17+$0xC310];
	[tilespmem:s31+$0xC320] =	vst v15;
	v17 =	vmov v21  }
0x1bf: {  	s1 =	sadd.s32 $0x100, s1;
	v15 =	vld [tilespmem:s17+$0xC320];
	[tilespmem:s31+$0xC330] =	vst v19;
	v18 =	vmov v23;
	s31 =	smov.u32 s17  }
0x1c0: {  	v19 =	vld [tilespmem:s31+$0xC330];
	_ =	sdelay $0x1  }
0x1c1: {  	v14 =	vadd.f32 v17, v14  }
0x1c2: {  	v16 =	vadd.f32 v18, v16  }
0x1c3: {  	[tilespmem:s31+$0xC300] =	vst v14;
	v13 =	vadd.f32 v13, v15  }
0x1c4: {  	[tilespmem:s31+$0xC310] =	vst v16;
	v12 =	vadd.f32 v12, v19  }
0x1c5: {  	[tilespmem:s31+$0xC320] =	vst v13  }
0x1c6: {  	s1 =	sadd.s32 $0x820, s29;
	[tilespmem:s31+$0xC330] =	vst v12  }
0x1c7: {  	[hbm4b:s1+s3] =	stream.linear.scatter [tilespmem:s26], [sflag:$0x6], $0x4100, $0x38;
	[tilespmem:$0x1E880] =	vst v63  }
0x1c8: {  	s1 =	simm.s32 @!p0 $0x8  }
0x1c9: {  	_ =	swait.ge @!p0 [sflag:s1], $0x4100  }
0x1ca: {  	[sflag:s1] =	ssyncset.done @!p0 $0x0  }
0x1cb: {  	s17 =	sadd.s32 $0x1A998, s2;
	[sflag:s1] =	ssyncadd.s32 @!p0 $0xFFFFBF00  }
0x1cc: {  	[tilespmem:s28], [sflag:$0x4] =	stream.indirect.gather [hbm4b:s5+s14], $0x40, s17, s14, $0xb8;
	[tilespmem:$0x1E880] =	vst v63  }
0x1cd: {  	s17 =	sadd.s32 $0x1A9D8, s2  }
0x1ce: {  	[tilespmem:s30], [sflag:$0x4] =	stream.indirect.gather [hbm4b:s5+s14], $0x40, s17, s14, $0xb8;
	[tilespmem:$0x1E880] =	vst v63  }
0x1cf: {  	s17 =	sadd.s32 $0x1AA18, s2  }
0x1d0: {  	[tilespmem:s0], [sflag:$0x4] =	stream.indirect.gather [hbm4b:s5+s14], $0x40, s17, s14, $0xb8;
	[tilespmem:$0x1E880] =	vst v63  }
0x1d1: {  	s17 =	sadd.s32 $0x1AA58, s2  }
0x1d2: {  	[tilespmem:s16], [sflag:$0x4] =	stream.indirect.gather [hbm4b:s5+s14], $0x40, s17, s14, $0xb8;
	[tilespmem:$0x1E880] =	vst v63  }
0x1d3: {  	s17 =	sadd.s32 $0x1AA98, s2  }
0x1d4: {  	[tilespmem:s6], [sflag:$0x4] =	stream.indirect.gather [hbm4b:s5+s22], $0x40, s17, s22, $0xb8;
	[tilespmem:$0x1E880] =	vst v63  }
0x1d5: {  	_ =	swait.ge [sflag:s9], $0x1000  }
0x1d6: {  	[sflag:s9] =	ssyncset.done $0x0  }
0x1d7: {  	[sflag:s9] =	ssyncadd.s32 $0xFFFFF000  }
0x1d8: {  	_ =	swait.ge [sflag:s9], $0x1000  }
0x1d9: {  	[sflag:s9] =	ssyncset.done $0x0  }
0x1da: {  	[sflag:s9] =	ssyncadd.s32 $0xFFFFF000  }
0x1db: {  	_ =	swait.ge [sflag:s9], $0x1000  }
0x1dc: {  	[sflag:s9] =	ssyncset.done $0x0  }
0x1dd: {  	[sflag:s9] =	ssyncadd.s32 $0xFFFFF000  }
0x1de: {  	_ =	swait.ge [sflag:s9], $0x1000  }
0x1df: {  	[sflag:s9] =	ssyncset.done $0x0  }
0x1e0: {  	[sflag:s9] =	ssyncadd.s32 $0xFFFFF000  }
0x1e1: {  	_ =	swait.ge [sflag:s9], $0x100  }
0x1e2: {  	[sflag:s9] =	ssyncset.done $0x0  }
0x1e3: {  	s31 =	simm.s32 $0x0;
	[sflag:s9] =	ssyncadd.s32 $0xFFFFFF00  }
0x1e4: {  	v17 =	vld [tilespmem:s31+$0x0]  }
0x1e5: {  	v18 =	vld [tilespmem:s31+$0x10]  }
0x1e6: {  	v13 =	vld [tilespmem:s31+$0x20]  }
0x1e7: {  	v12 =	vld [tilespmem:s31+$0x30]  }
0x1e8: {  	v14 =	vld [tilespmem:s31+$0x10400]  }
0x1e9: {  	v16 =	vld [tilespmem:s31+$0x10410]  }
0x1ea: {  	s1 =	simm.s32 $0x100;
	v15 =	vld [tilespmem:s31+$0x10420]  }
.LBB2_15:
0x1eb: {  	s17 =	sshra.s32 s1, $0x2;
	p0 =	sne.s32 s1, $0x10300;
	v19 =	vld [tilespmem:s31+$0x10430];
	v20 =	vmov v13  }
0x1ec: {  	v21 =	vld [tilespmem:s17+$0x0];
	v22 =	vmov v12  }
0x1ed: {  	v23 =	vld [tilespmem:s17+$0x10];
	v14 =	vadd.f32 v17, v14  }
.Ltmp8:
0x1ee: {  	v13 =	vld [tilespmem:s17+$0x20];
	v16 =	vadd.f32 v18, v16;
	(pc) =	sbr.rel @p0 .LBB2_15-.Ltmp8, $4  }
0x1ef: {  	v12 =	vld [tilespmem:s17+$0x30];
	[tilespmem:s31+$0x10400] =	vst v14;
	v15 =	vadd.f32 v20, v15  }
0x1f0: {  	v14 =	vld [tilespmem:s17+$0x10400];
	[tilespmem:s31+$0x10410] =	vst v16;
	v19 =	vadd.f32 v22, v19  }
0x1f1: {  	v16 =	vld [tilespmem:s17+$0x10410];
	[tilespmem:s31+$0x10420] =	vst v15;
	v17 =	vmov v21  }
0x1f2: {  	s1 =	sadd.s32 $0x100, s1;
	v15 =	vld [tilespmem:s17+$0x10420];
	[tilespmem:s31+$0x10430] =	vst v19;
	v18 =	vmov v23;
	s31 =	smov.u32 s17  }
0x1f3: {  	v19 =	vld [tilespmem:s31+$0x10430];
	_ =	sdelay $0x1  }
0x1f4: {  	v14 =	vadd.f32 v17, v14  }
0x1f5: {  	v16 =	vadd.f32 v18, v16  }
0x1f6: {  	[tilespmem:s31+$0x10400] =	vst v14;
	v13 =	vadd.f32 v13, v15  }
0x1f7: {  	[tilespmem:s31+$0x10410] =	vst v16;
	v12 =	vadd.f32 v12, v19  }
0x1f8: {  	[tilespmem:s31+$0x10420] =	vst v13  }
0x1f9: {  	s1 =	sadd.s32 $0x1040, s29;
	[tilespmem:s31+$0x10430] =	vst v12  }
0x1fa: {  	[hbm4b:s1+s3] =	stream.linear.scatter [tilespmem:s19], [sflag:$0x7], $0x4100, $0x38;
	[tilespmem:$0x1E880] =	vst v63  }
0x1fb: {  	p0 =	seq.s32 s10, $0xF;
	_ =	swait.ge [sflag:s7], $0x4100  }
0x1fc: {  	s17 =	simm.s32 @!p0 $0x40;
	[sflag:s7] =	ssyncset.done $0x0  }
0x1fd: {  	s31 =	simm.s32 @!p0 $0x8200;
	s1 =	sadd.s32 @!p0 $0x1AAA0, s2;
	[sflag:s7] =	ssyncadd.s32 $0xFFFFBF00  }
0x1fe: {  	[tilespmem:s31], [sflag:$0x1] =	stream.indirect.gather @!p0 [hbm4b:s5+s17], $0x40, s1, s17, $0xb8;
	[tilespmem:$0x1E880] =	vst v63  }
0x1ff: {  	s1 =	sadd.s32 @!p0 $0x1AAE0, s2;
	s31 =	simm.s32 @!p0 $0x9200  }
0x200: {  	[tilespmem:s31], [sflag:$0x1] =	stream.indirect.gather @!p0 [hbm4b:s5+s17], $0x40, s1, s17, $0xb8;
	[tilespmem:$0x1E880] =	vst v63  }
0x201: {  	s1 =	sadd.s32 @!p0 $0x1AB20, s2;
	s31 =	simm.s32 @!p0 $0xA200  }
0x202: {  	[tilespmem:s31], [sflag:$0x1] =	stream.indirect.gather @!p0 [hbm4b:s5+s17], $0x40, s1, s17, $0xb8;
	[tilespmem:$0x1E880] =	vst v63  }
0x203: {  	s1 =	sadd.s32 @!p0 $0x1AB60, s2;
	s31 =	simm.s32 @!p0 $0xB200  }
0x204: {  	[tilespmem:s31], [sflag:$0x1] =	stream.indirect.gather @!p0 [hbm4b:s5+s17], $0x40, s1, s17, $0xb8;
	[tilespmem:$0x1E880] =	vst v63  }
0x205: {  	s1 =	sadd.s32 @!p0 $0x1ABA0, s2;
	s17 =	simm.s32 @!p0 $0x4;
	s31 =	simm.s32 @!p0 $0xC200  }
0x206: {  	[tilespmem:s31], [sflag:$0x1] =	stream.indirect.gather @!p0 [hbm4b:s5+s17], $0x40, s1, s17, $0xb8;
	[tilespmem:$0x1E880] =	vst v63  }
0x207: {  	_ =	swait.ge [sflag:s22], $0x1000  }
0x208: {  	[sflag:s22] =	ssyncset.done $0x0  }
0x209: {  	[sflag:s22] =	ssyncadd.s32 $0xFFFFF000  }
0x20a: {  	_ =	swait.ge [sflag:s22], $0x1000  }
0x20b: {  	[sflag:s22] =	ssyncset.done $0x0  }
0x20c: {  	[sflag:s22] =	ssyncadd.s32 $0xFFFFF000  }
0x20d: {  	_ =	swait.ge [sflag:s22], $0x1000  }
0x20e: {  	[sflag:s22] =	ssyncset.done $0x0  }
0x20f: {  	[sflag:s22] =	ssyncadd.s32 $0xFFFFF000  }
0x210: {  	_ =	swait.ge [sflag:s22], $0x1000  }
0x211: {  	[sflag:s22] =	ssyncset.done $0x0  }
0x212: {  	[sflag:s22] =	ssyncadd.s32 $0xFFFFF000  }
0x213: {  	_ =	swait.ge [sflag:s22], $0x100  }
0x214: {  	[sflag:s22] =	ssyncset.done $0x0  }
0x215: {  	s31 =	simm.s32 $0x0;
	[sflag:s22] =	ssyncadd.s32 $0xFFFFFF00  }
0x216: {  	v17 =	vld [tilespmem:s31+$0x4100]  }
0x217: {  	v18 =	vld [tilespmem:s31+$0x4110]  }
0x218: {  	v13 =	vld [tilespmem:s31+$0x4120]  }
0x219: {  	v12 =	vld [tilespmem:s31+$0x4130]  }
0x21a: {  	v14 =	vld [tilespmem:s31+$0x14500]  }
0x21b: {  	v16 =	vld [tilespmem:s31+$0x14510]  }
0x21c: {  	s1 =	simm.s32 $0x100;
	v15 =	vld [tilespmem:s31+$0x14520]  }
.LBB2_17:
0x21d: {  	s17 =	sshra.s32 s1, $0x2;
	p1 =	sne.s32 s1, $0x10300;
	v19 =	vld [tilespmem:s31+$0x14530];
	v20 =	vmov v13  }
0x21e: {  	v21 =	vld [tilespmem:s17+$0x4100];
	v22 =	vmov v12  }
0x21f: {  	v23 =	vld [tilespmem:s17+$0x4110];
	v14 =	vadd.f32 v17, v14  }
.Ltmp9:
0x220: {  	v13 =	vld [tilespmem:s17+$0x4120];
	v16 =	vadd.f32 v18, v16;
	(pc) =	sbr.rel @p1 .LBB2_17-.Ltmp9, $4  }
0x221: {  	v12 =	vld [tilespmem:s17+$0x4130];
	[tilespmem:s31+$0x14500] =	vst v14;
	v15 =	vadd.f32 v20, v15  }
0x222: {  	v14 =	vld [tilespmem:s17+$0x14500];
	[tilespmem:s31+$0x14510] =	vst v16;
	v19 =	vadd.f32 v22, v19  }
0x223: {  	v16 =	vld [tilespmem:s17+$0x14510];
	[tilespmem:s31+$0x14520] =	vst v15;
	v17 =	vmov v21  }
0x224: {  	s1 =	sadd.s32 $0x100, s1;
	v15 =	vld [tilespmem:s17+$0x14520];
	[tilespmem:s31+$0x14530] =	vst v19;
	v18 =	vmov v23;
	s31 =	smov.u32 s17  }
0x225: {  	v19 =	vld [tilespmem:s31+$0x14530];
	_ =	sdelay $0x1  }
0x226: {  	v14 =	vadd.f32 v17, v14  }
0x227: {  	v16 =	vadd.f32 v18, v16  }
0x228: {  	[tilespmem:s31+$0x14500] =	vst v14;
	v13 =	vadd.f32 v13, v15  }
0x229: {  	[tilespmem:s31+$0x14510] =	vst v16;
	v12 =	vadd.f32 v12, v19  }
0x22a: {  	[tilespmem:s31+$0x14520] =	vst v13  }
.Ltmp10:
0x22b: {  	s1 =	sadd.s32 $0x1860, s29;
	[tilespmem:s31+$0x14530] =	vst v12;
	(pc) =	sbr.rel @p0 .LBB2_20-.Ltmp10, $4  }
0x22c: {  	[hbm4b:s1+s3] =	stream.linear.scatter [tilespmem:s28], [sflag:$0x8], $0x4100, $0x38;
	[tilespmem:$0x1E880] =	vst v63  }
0x22d: {  	_ =	swait.ge [sflag:s8], $0x4100  }
0x22e: {  	[sflag:s8] =	ssyncset.done $0x0  }
0x22f: {  	[sflag:s8] =	ssyncadd.s32 $0xFFFFBF00  }
0x230: {  	s1 =	sadd.s32 $0x1ABA8, s2  }
0x231: {  	[tilespmem:s26], [sflag:$0x2] =	stream.indirect.gather [hbm4b:s5+s14], $0x40, s1, s14, $0xb8;
	[tilespmem:$0x1E880] =	vst v63  }
0x232: {  	s31 =	sadd.s32 $0x1ABE8, s2;
	s17 =	simm.s32 $0xD300  }
0x233: {  	[tilespmem:s17], [sflag:$0x2] =	stream.indirect.gather [hbm4b:s5+s14], $0x40, s31, s14, $0xb8;
	[tilespmem:$0x1E880] =	vst v63  }
0x234: {  	s29 =	sadd.s32 $0x1AC28, s2;
	s31 =	simm.s32 $0xE300  }
0x235: {  	[tilespmem:s31], [sflag:$0x2] =	stream.indirect.gather [hbm4b:s5+s14], $0x40, s29, s14, $0xb8;
	[tilespmem:$0x1E880] =	vst v63  }
.Ltmp11:
0x236: {  	_ = 	snop;
	(pc) =	sbr.rel .LBB2_10-.Ltmp11, $4  }
0x237: {  	s29 =	sadd.s32 $0x1AC68, s2;
	s31 =	simm.s32 $0xF300  }
0x238: {  	[tilespmem:s31], [sflag:$0x2] =	stream.indirect.gather [hbm4b:s5+s14], $0x40, s29, s14, $0xb8;
	[tilespmem:$0x1E880] =	vst v63  }
0x239: {  	s10 =	sadd.s32 $0x1, s10;
	s29 =	sadd.s32 $0x1ACA8, s2;
	s31 =	simm.s32 $0x10300  }
0x23a: {  	[tilespmem:s31], [sflag:$0x2] =	stream.indirect.gather [hbm4b:s5+s22], $0x40, s29, s22, $0xb8;
	[tilespmem:$0x1E880] =	vst v63  }
.LBB2_21:
0x23b: {  	_ =	sfence.sel $0x180000  }
0x23c: {  	[bflag:$0x0] =	sbarrier.arrive $0xFFFF  }
0x23d: {  	_ =	strace $0x90000047  }
0x23e: {  	s0 =	stileid.u32;
	[bflag:$0x2] =	sbarrier.arrive $0xFFFF  }
0x23f: {  	p0 =	sne.s32 s0, $0x0;
	s0 =	rddreg [dreg:$0x2]  }
0x240: {  	s0 =	sadd.s32 @!p0 $0x100000, s0  }
0x241: {  	[sflag:s0] =	ssyncadd.tile.s32 @!p0 $0x1;
	_ =	shalt  }
.Lfunc_end2:
_tile_overlayer_lowered:
.L_overlay_start_2:
0x242: {  	(tag) =	ssettag $0x2  }
0x243: {  	s0 =	rddreg [dreg:$0x0];
	s2 =	stileid.u32  }
0x244: {  	s1 =	rddreg [dreg:$0x1];
	p0 =	sne.s32 s2, $0x0  }
0x245: {  	s3 =	rddreg [dreg:$0x2];
	[bflag:$0x3] =	sbarrier.arrive $0xFFFF;
	s2 =	simm.s32 @!p0 $0x1C09  }
0x246: {  	[timem:s3], [sflag:s2] =	dma.local @!p0 [hbm:s0], s1  }
0x247: {  	s0 =	simm.s32 @!p0 $0x9  }
0x248: {  	_ =	swait.ge @!p0 [sflag:s0], s1  }
0x249: {  	s1 =	ssub.s32 @!p0 $0x0, s1;
	[sflag:s0] =	ssyncset.done @!p0 $0x0  }
0x24a: {  	[sflag:s0] =	ssyncadd.s32 @!p0 s1  }
0x24b: {  	[bflag:$0x3] =	sbarrier.arrive $0xFFFF  }
0x24c: {  	_ =	shalt  }

// kernel: sparse-core-data-format-call.cloned.1.call-start
scs
called_computation_lowered:
.L_overlay_start_0:
0x0: {  	s2 =	sld [smem:$0x3FD9]  }
0x1: {  	s3 =	sld [smem:$0x3FFE];
	_ =	sdelay $0x1  }
0x2: {  	s1 =	srdreg.scid  }
0x3: {  	s0 =	sand.u32 $0x1, s1  }
0x4: {  	s18 =	sshll.u32 s0, $0xA;
	s2 =	sadd.s32 s3, s2  }
0x5: {  	s2 =	sadd.s32 s2, s18  }
0x6: {  	[smem:$0x3FC5] =	sst s2  }
0x7: {  	_ = 	snop  }
0x8: {  	s2 =	sld [smem:$0x3FD0];
	(tm) =	ssettm $0x1  }
0x9: {  	s19 =	sld [smem:$0x3FFB];
	_ =	sdelay $0x3  }
0xa: {  	_ =	strace s19  }
0xb: {  	s3 =	sld [smem:$0x3FFC];
	_ =	sdelay $0x3  }
0xc: {  	_ =	strace s3  }
0xd: {  	s3 =	sld [smem:$0x3FFD];
	_ =	sdelay $0x3  }
0xe: {  	_ =	strace s3  }
0xf: {  	_ =	strace $0x8FFFFFFF  }
0x10: {  	s20 =	sld [smem:$0x3FDB];
	_ =	sdelay $0x1  }
0x11: {  	s4 =	simm.s32 $_scs_section_size  }
0x12: {  	s5 =	simm.s32 $_size__tile_overlayer_lowered;
	s6 =	simm.s32 $_tile_overlayer_lowered  }
0x13: {  	s23 =	simm.s32 $0x1BFF;
	s22 =	sshll.u32 s6, $0x1;
	s3 =	sadd.s32 s4, s20  }
0x14: {  	s7 =	simm.s32 $0x0;
	s21 =	sshll.u32 s5, $0x1;
	s5 =	sadd.s32 s22, s3  }
0x15: {  	[timem:s7], [sflag:s23] =	dma.local [hbm:s5], s21  }
0x16: {  	_ =	swait.ge [sflag:s23], s21  }
0x17: {  	s4 =	ssub.s32 $0x0, s21;
	[sflag:s23] =	ssyncset.done $0x0  }
0x18: {  	[sflag:s23] =	ssyncadd.s32 s4;
	_ =	sdelay $0x1  }
0x19: {  	s24 =	simm.s32 $0x1B8B  }
0x1a: {  	_ =	swait.ge [sflag:s24], $0x1  }
0x1b: {  	[sflag:s24] =	ssyncset.done $0x0  }
0x1c: {  	s26 =	simm.s32 $0x1B8E;
	s25 =	sld [smem:$0x3FFE];
	[sflag:s24] =	ssyncadd.s32 $0xFFFFFFFF  }
0x1d: {  	s27 =	simm.s32 $execute0_lowered;
	[smem:$0x3FD2] =	sst s26  }
0x1e: {  	s5 =	sshll.u32 s27, $0x1;
	_ =	strace $0x80000049;
	[dreg:$0x1] =	wrdreg $0xFFFFFFFF  }
0x1f: {  	s28 =	simm.s32 $_size_execute0_lowered;
	s3 =	sadd.s32 s3, s5;
	[dreg:$0x0] =	wrdreg $0x0  }
0x20: {  	s5 =	sshll.u32 s28, $0x1;
	[dreg:$0x2] =	wrdreg s3  }
0x21: {  	[dreg:$0x3] =	wrdreg s5  }
0x22: {  	[dreg:$0x4] =	wrdreg $0xC0  }
0x23: {  	_ =	task [dreg:s7], $0x5FFFF  }
0x24: {  	[dreg:$0x1] =	wrdreg $0xFFFFFFFF  }
0x25: {  	[dreg:$0x0] =	wrdreg $0x60  }
0x26: {  	[dreg:$0x2] =	wrdreg s25  }
0x27: {  	[dreg:$0x3] =	wrdreg s2  }
0x28: {  	[dreg:$0x4] =	wrdreg $0x9  }
0x29: {  	_ =	task.clear_ibuf [dreg:s7], $0x5FFFF;
	_ =	strace $0x90000049  }
0x2a: {  	s29 =	simm.s32 $0x9;
	_ =	strace $0x8000004B  }
0x2b: {  	_ =	swait.ge [sflag:s29], $0x1  }
0x2c: {  	[sflag:s29] =	ssyncadd.s32 $0xFFFFFFFF  }
0x2d: {  	_ =	strace $0x9000004B  }
0x2e: {  	_ =	sfence  }
0x2f: {  	s30 =	sld [smem:$0x0];
	_ =	sdelay $0x2  }
0x30: {  	s31 =	sshll.u32 s1, $0xD;
	s1 =	sshrl.u32 s1, $0x2  }
0x31: {  	s3 =	sand.u32 $0x4000, s31;
	s1 =	sadd.s32 s1, s30  }
0x32: {  	s0 =	sor.u32 s3, s0;
	s1 =	sshll.u32 s1, $0x11  }
0x33: {  	s0 =	sor.u32 s1, s0  }
0x34: {  	s0 =	sadd.s32 $0x8F2B, s0  }
0x35: {  	[sflag:s0] =	ssyncadd.remote.s32 $0x1  }
0x36: {  	_ =	sfence.sel $0xFFFF  }
0x37: {  	[dreg:$0x0] =	wrdreg $0xFFFFFFFF;
	(pc) =	sbr.abs _section_cstart, $3  }
0x38: {  	[dreg:$0x1] =	wrdreg $0xFFFFFFFF  }
0x39: {  	_ =	task.clear_ibuf [dreg:s7], $0x2FFFF;
	_ =	strace $0x9FFFFFFF  }
0x3a: {  	(tm) =	ssettm $0x7FFFFFFF  }
0x3b: {  	_ =	shalt  }
tec
execute0_lowered:
.L_overlay_start_1:
0x0: {  	(tag) =	ssettag $0x1  }
0x1: {  	s0 =	stileid.u32;
	s6 =	rddreg [dreg:$0x0]  }
0x2: {  	s2 =	rddreg [dreg:$0x1];
	s5 =	srdreg.scid  }
0x3: {  	s31 =	simm.s32 $0x2;
	s13 =	simm.s32 $0x0;
	s1 =	sshll.u32 s0, $0x7  }
0x4: {  	s14 =	simm.s32 $0x0;
	s12 =	simm.s32 $0x0;
	s3 =	sand.u32 $0x380, s1  }
0x5: {  	s5 =	sshll.u32 s5, $0x4;
	s6 =	sadd.s32 $0xC00, s6;
	s4 =	ssub.s32 $0x400, s3  }
0x6: {  	s1 =	rddreg [dreg:$0x2];
	_ =	strace $0x8000004A;
	s7 =	sand.u32 $0x380, s4  }
0x7: {  	s5 =	sand.u32 $0x10, s5;
	p0 =	sne.s32 s7, $0x0;
	s7 =	simm.s32 $0x1  }
.Ltmp0:
0x8: {  	s8 =	sshrl.u32 s4, $0xA;
	s7 =	simm.s32 @!p0 $0x0;
	(pc) =	sbr.rel .LBB1_1-.Ltmp0, $4  }
0x9: {  	s9 =	sor.u32 s0, s5;
	s4 =	simm.s32 $0x1;
	s30 =	sadd.s32 s7, s8  }
0xa: {  	s11 =	smov.u32 s3;
	[sflag:s4] =	ssyncpa.u1 $0x0;
	s5 =	smul.u32 $0x82, s30  }
0xb: {  	[sflag:s31] =	ssyncpa.u1 $0x0;
	p0 =	por $0x0, $0x0;
	s7 =	sshrl.u32 s9, $0x3  }
0xc: {  	s9 =	simm.s32 $0x2000;
	s10 =	smov.u32 s7;
	s8 =	sor.u32 $0x1, s5  }
.LBB1_4:
0xd: {  	s17 =	sand.u32 $0x1F80, s14;
	s13 =	sshll.u32 s13, $0xD  }
0xe: {  	[tilespmem:s16+$0x810 ss:$0x81] =	vst.msk $0xffff, v2;
	s18 =	sshrl.u32 s14, $0x3;
	s31 =	sand.u32 $0x7, s14;
	s17 =	sadd.s32 s2, s17  }
0xf: {  	[tilespmem:s16+$0x1020 ss:$0x81] =	vst.msk $0xffff, v0;
	s18 =	sand.u32 $0xF, s18;
	s14 =	sshll.u32 s31, $0x12;
	s13 =	sadd.s32 s13, s17  }
0x10: {  	[tilespmem:s16+$0x0 ss:$0x81] =	vst.msk $0xffff, v1;
	s14 =	sor.u32 $0x400, s14;
	s13 =	sadd.s32 s18, s13  }
0x11: {  	[hbm4b:s13+s14] =	stream.strided.scatter [tilespmem:s15], [sflag:$0x2], $0x2000, s9, s14, $0x20;
	[tilespmem:$0x8080] =	vst v63  }
.LBB1_5:
0x12: {  	s15 =	sadd.s32 $0x4, s10  }
0x13: {  	s13 =	sadd.s32 $0x400, s11;
	s17 =	smov.u32 s11;
	p2 =	sgt.s32 s15, $0x207  }
0x14: {  	s17 =	smov.u32 @p2 s13  }
0x15: {  	s15 =	smov.u32 @p2 s7;
	p2 =	sgt.s32 s17, $0x3FF  }
0x16: {  	s17 =	smov.u32 @p2 s3;
	p2 =	sne.s32 s12, s8  }
.Ltmp1:
0x17: {  	p1 =	slt.u32 s12, $0x2;
	(pc) =	sbr.rel @!p2 .LBB1_6-.Ltmp1, $4  }
0x18: {  	s16 =	simm.s32 @!p1 $0x2  }
0x19: {  	s14 =	smov.u32 s11;
	p0 =	por !p0, !p0;
	_ =	swait.ge @!p1 [sflag:s16], $0x2000  }
0x1a: {  	s13 =	smov.u32 s10;
	[sflag:s16] =	ssyncset.done @!p1 $0x0;
	s10 =	smov.u32 s15  }
0x1b: {  	s12 =	sadd.s32 $0x1, s12;
	[sflag:s16] =	ssyncadd.s32 @!p1 $0xFFFFE000;
	s11 =	smov.u32 s17  }
.LBB1_1:
0x1c: {  	p1 =	sge.u32 s12, s5  }
0x1d: {  	s15 =	sand.u32 @!p1 $0x1FFFFFF, s10  }
0x1e: {  	s16 =	smulhi.u32 @!p1 $0xFC0FC1, s15;
	_ =	sdelay $0x1  }
0x1f: {  	s16 =	sshrl.u32 @!p1 s16, $0x1  }
0x20: {  	s16 =	smul.u32 @!p1 $0x208, s16  }
0x21: {  	s17 =	sxor.u32 @!p1 $0xFFFFFFFF, s12;
	s18 =	smul.u32 @!p1 $0x2080, s11  }
0x22: {  	s31 =	sadd.s32 $0xFFFFFFFF, s12;
	s17 =	sshll.u32 @!p1 s17, $0xD;
	s15 =	ssub.s32 @!p1 s15, s16  }
0x23: {  	s16 =	sand.u32 @!p1 $0x2000, s17;
	s17 =	sadd.s32 @!p1 s6, s18;
	s15 =	sshll.u32 @!p1 s15, $0x4  }
0x24: {  	s18 =	simm.s32 @!p1 $0x10400;
	s15 =	sadd.s32 @!p1 s15, s17;
	s17 =	simm.s32 @!p1 $0x40  }
0x25: {  	[tilespmem:s16], [sflag:$0x1] =	stream.strided.gather @!p1 [hbm4b:s15+s17], $0x2000, s18, s17, $0x38;
	[tilespmem:$0x8080] =	vst v63  }
0x26: {  	p1 =	sge.u32 s31, s5  }
.Ltmp2:
0x27: {  	_ = 	snop;
	(pc) =	sbr.rel @p1 .LBB1_5-.Ltmp2, $1  }
0x28: {  	_ =	sdelay $0x3  }
0x29: {  	s15 =	simm.s32 $0x1  }
0x2a: {  	_ =	swait.ge [sflag:s4], $0x2000;
	s15 =	simm.s32 @!p0 $0x0  }
0x2b: {  	[sflag:s4] =	ssyncset.done $0x0;
	s16 =	sshll.u32 s15, $0xD  }
0x2c: {  	[sflag:s4] =	ssyncadd.s32 $0xFFFFE000;
	s19 =	sor.u32 $0x20, s16  }
0x2d: {  	s15 =	smul.u32 $0x8100, s15;
	v3 =	vld [tilespmem:s19+$0x10]  }
0x2e: {  	s30 =	sand.u32 $0x1, s12;
	v2 =	vld [tilespmem:s19+$0xFFFFFFF0]  }
0x2f: {  	s16 =	smul.u32 $0x8100, s30;
	s15 =	sshrl.u32 s15, $0x2;
	v0 =	vld [tilespmem:s19+$0x0]  }
0x30: {  	v1 =	vld [tilespmem:s19+$0xFFFFFFE0];
	s17 =	sor.u32 $0x4000, s15  }
0x31: {  	s31 =	sshrl.u32 s16, $0x2;
	s16 =	sadd.s32 $0x0, s17  }
0x32: {  	s18 =	simm.s32 $0x4;
	s19 =	sadd.s32 $0x40, s19;
	s15 =	sor.u32 $0x4000, s31;
	[tilespmem:s16+$0x1830 ss:$0x81] =	vst.msk $0xffff, v3  }
.LBB1_3:
0x33: {  	v3 =	vld [tilespmem:s19+$0x10];
	p1 =	sne.s32 s18, $0x1FC;
	[tilespmem:s16+$0x810 ss:$0x81] =	vst.msk $0xffff, v2;
	s20 =	smov.u32 s18;
	s18 =	sadd.s32 $0x4, s18  }
.Ltmp3:
0x34: {  	v2 =	vld [tilespmem:s19+$0xFFFFFFF0];
	[tilespmem:s16+$0x1020 ss:$0x81] =	vst.msk $0xffff, v0;
	(pc) =	sbr.rel @p1 .LBB1_3-.Ltmp3, $4  }
0x35: {  	v0 =	vld [tilespmem:s19+$0x0];
	[tilespmem:s16+$0x0 ss:$0x81] =	vst.msk $0xffff, v1  }
0x36: {  	s16 =	sshra.s32 s20, $0x2;
	v1 =	vld [tilespmem:s19+$0xFFFFFFE0]  }
0x37: {  	s16 =	sadd.s32 s16, s17  }
0x38: {  	s19 =	sadd.s32 $0x40, s19;
	[tilespmem:s16+$0x1830 ss:$0x81] =	vst.msk $0xffff, v3  }
.Ltmp4:
0x39: {  	_ = 	snop;
	(pc) =	sbr.rel .LBB1_4-.Ltmp4, $1  }
0x3a: {  	_ =	sdelay $0x3  }
.LBB1_6:
0x3b: {  	_ =	sfence.sel $0x180000  }
0x3c: {  	s2 =	simm.s32 $0x1;
	[bflag:$0x0] =	sbarrier.arrive $0xFFFF  }
0x3d: {  	s31 =	simm.s32 $0x2;
	[sflag:s2] =	ssyncpa.u1 $0x1  }
0x3e: {  	[sflag:s31] =	ssyncpa.u1 $0x1  }
0x3f: {  	p0 =	sne.s32 s0, $0x0;
	_ =	strace $0x9000004A  }
0x40: {  	s0 =	sadd.s32 @!p0 $0x100000, s1;
	[bflag:$0x2] =	sbarrier.arrive $0xFFFF  }
0x41: {  	[sflag:s0] =	ssyncadd.tile.s32 @!p0 $0x1;
	_ =	shalt  }
.Lfunc_end1:
_tile_overlayer_lowered:
.L_overlay_start_2:
0x42: {  	(tag) =	ssettag $0x2  }
0x43: {  	s0 =	rddreg [dreg:$0x0];
	s2 =	stileid.u32  }
0x44: {  	s1 =	rddreg [dreg:$0x1];
	p0 =	sne.s32 s2, $0x0  }
0x45: {  	s3 =	rddreg [dreg:$0x2];
	[bflag:$0x3] =	sbarrier.arrive $0xFFFF;
	s2 =	simm.s32 @!p0 $0x1C01  }
0x46: {  	[timem:s3], [sflag:s2] =	dma.local @!p0 [hbm:s0], s1  }
0x47: {  	s0 =	simm.s32 @!p0 $0x1  }
0x48: {  	_ =	swait.ge @!p0 [sflag:s0], s1  }
0x49: {  	s1 =	ssub.s32 @!p0 $0x0, s1;
	[sflag:s0] =	ssyncset.done @!p0 $0x0  }
0x4a: {  	[sflag:s0] =	ssyncadd.s32 @!p0 s1  }
0x4b: {  	[bflag:$0x3] =	sbarrier.arrive $0xFFFF  }
0x4c: {  	_ =	shalt  }

</sc_bundles>
